<compile_context>
chip_gen: v7x
topology: tpu7x:2x2x1
jax: 0.10.2.dev20260603
libtpu: 0.0.44.dev20260713+nightly
codegen_flags: <defaults>
</compile_context>

<pallas_src>
import functools

import jax
import jax.numpy as jnp
from jax import lax
from jax.experimental import pallas as pl
from jax.experimental.pallas import tpu as pltpu
from jax.experimental.pallas import tpu_sc as plsc

NC = 2
NS = 16
CH = 80
BG = 128
RB = 400


def _sc_mesh():
    return plsc.VectorSubcoreMesh(
        core_axis_name="c", subcore_axis_name="s", num_cores=NC, num_subcores=NS
    )


def _rowwise_copy(s, n, src_at, dst_at):
    rm = (n // (8 * NS)) * 8
    rem = n - NS * rm
    base = s * rm
    pltpu.sync_copy(src_at(base, rm), dst_at(base, rm))
    if rem:
        @pl.when(s == NS - 1)
        def _():
            pltpu.sync_copy(src_at(NS * rm, rem), dst_at(NS * rm, rem))


def _deg_body(n, e, dst_hbm, zeros_hbm, ones_hbm, out_hbm,
              dstA, dstB, ones_v, table, isemA, isemB, ssemA, ssemB):
    c = lax.axis_index("c")
    s = lax.axis_index("s")
    _rowwise_copy(s, n, lambda b, r: zeros_hbm.at[pl.ds(b, r)],
                  lambda b, r: table.at[pl.ds(b, r)])
    pltpu.sync_copy(ones_hbm, ones_v)
    plsc.subcore_barrier()
    per_tile = e // (NC * NS)
    base = c * (e // NC) + s * per_tile
    nch = per_tile // CH

    dsts = (dstA, dstB)
    isems = (isemA, isemB)
    ssems = (ssemA, ssemB)

    def idx_start(j, p):
        off = base + j * CH
        pltpu.async_copy(dst_hbm.at[pl.ds(off, CH)], dsts[p], isems[p])

    def idx_wait(j, p):
        off = base + j * CH
        pltpu.make_async_copy(dst_hbm.at[pl.ds(off, CH)], dsts[p], isems[p]).wait()

    def step(t, b, k):
        q = 1 - b
        @pl.when((t >= 1) & (t - 1 < nch))
        def _():
            idx_wait(t - 1, q)
            pltpu.async_copy(ones_v, table.at[dsts[q]], ssems[q], add=True)
        @pl.when(k >= 1)
        def _():
            pltpu.make_async_copy(ones_v, table.at[dsts[b]], ssems[b]).wait()
        @pl.when(t < nch)
        def _():
            idx_start(t, b)

    def body(k, carry):
        step(2 * k, 0, k)
        step(2 * k + 1, 1, k)
        return carry

    nsteps = nch + 1
    lax.fori_loop(0, nsteps // 2, body, 0)
    for t in range((nsteps // 2) * 2, nsteps):
        step(t, t % 2, 1)
    pltpu.make_async_copy(ones_v, table.at[dsts[(nch - 1) % 2]],
                          ssems[(nch - 1) % 2]).wait()
    plsc.subcore_barrier()
    _rowwise_copy(s, n, lambda b, r: table.at[pl.ds(b, r)],
                  lambda b, r: out_hbm.at[c, pl.ds(b, r)])


def _deg_call(dst, zeros, n, e):
    body = functools.partial(_deg_body, n, e)
    k = pl.kernel(
        body,
        out_type=jax.ShapeDtypeStruct((NC, n, 128), jnp.float32),
        mesh=_sc_mesh(),
        scratch_types=[
            pltpu.VMEM((CH,), jnp.int32),
            pltpu.VMEM((CH,), jnp.int32),
            pltpu.VMEM((CH, 128), jnp.float32),
            pltpu.VMEM_SHARED((n, 128), jnp.float32),
            pltpu.SemaphoreType.DMA,
            pltpu.SemaphoreType.DMA,
            pltpu.SemaphoreType.DMA,
            pltpu.SemaphoreType.DMA,
        ],
    )
    return k(dst, zeros, jnp.ones((CH, 128), jnp.float32))


def _edge_body(n, e, hs_hbm, src_hbm, dst_hbm, zeros_hbm, out_hbm,
               srcs, dsts, rows, accum, isems, gsems, ssems):
    c = lax.axis_index("c")
    s = lax.axis_index("s")
    _rowwise_copy(s, n, lambda b, r: zeros_hbm.at[pl.ds(b, r)],
                  lambda b, r: accum.at[pl.ds(b, r)])
    plsc.subcore_barrier()
    per_tile = e // (NC * NS)
    base = c * (e // NC) + s * per_tile
    nch = per_tile // CH

    NSLOT = 4

    def idx_start(j, p):
        off = base + j * CH
        pltpu.async_copy(src_hbm.at[pl.ds(off, CH)], srcs[p], isems[p])
        pltpu.async_copy(dst_hbm.at[pl.ds(off, CH)], dsts[p], isems[p])

    def idx_wait(j, p):
        off = base + j * CH
        pltpu.make_async_copy(src_hbm.at[pl.ds(off, CH)], srcs[p], isems[p]).wait()
        pltpu.make_async_copy(dst_hbm.at[pl.ds(off, CH)], dsts[p], isems[p]).wait()

    def gather_start(p):
        pltpu.async_copy(hs_hbm.at[srcs[p]], rows[p], gsems[p])

    def gather_wait(p):
        pltpu.make_async_copy(hs_hbm.at[srcs[p]], rows[p], gsems[p]).wait()

    def scatter_start(p):
        pltpu.async_copy(rows[p], accum.at[dsts[p]], ssems[p], add=True)

    def scatter_wait(p):
        pltpu.make_async_copy(rows[p], accum.at[dsts[p]], ssems[p]).wait()

    def step(t, b, k):
        q = (b - 1) % NSLOT
        @pl.when((t >= 1) & (t - 1 < nch))
        def _():
            idx_wait(t - 1, q)
            gather_start(q)
        r_ = (b - 3) % NSLOT
        @pl.when((t >= 3) & (t - 3 < nch))
        def _():
            gather_wait(r_)
            scatter_start(r_)
        @pl.when(k >= 1)
        def _():
            scatter_wait(b)
        @pl.when(t < nch)
        def _():
            idx_start(t, b)

    def body(k, carry):
        for b in range(NSLOT):
            step(NSLOT * k + b, b, k)
        return carry

    nsteps = nch + 3
    lax.fori_loop(0, nsteps // NSLOT, body, 0)
    for t in range((nsteps // NSLOT) * NSLOT, nsteps):
        step(t, t % NSLOT, 1)
    scatter_wait((nch - 1) % NSLOT)
    plsc.subcore_barrier()
    _rowwise_copy(s, n, lambda b, r: accum.at[pl.ds(b, r)],
                  lambda b, r: out_hbm.at[c, pl.ds(b, r)])


def _edge_call(hs, src, dst, zeros, n, e):
    assert (e // (NC * NS)) % CH == 0 and (e // (NC * NS)) // CH >= 6
    body = functools.partial(_edge_body, n, e)
    k = pl.kernel(
        body,
        out_type=jax.ShapeDtypeStruct((NC, n, 128), jnp.float32),
        mesh=_sc_mesh(),
        scratch_types=[
            [pltpu.VMEM((CH,), jnp.int32)] * 4,
            [pltpu.VMEM((CH,), jnp.int32)] * 4,
            [pltpu.VMEM((CH, 128), jnp.float32)] * 4,
            pltpu.VMEM_SHARED((n, 128), jnp.float32),
            [pltpu.SemaphoreType.DMA] * 4,
            [pltpu.SemaphoreType.DMA] * 4,
            [pltpu.SemaphoreType.DMA] * 4,
        ],
    )
    return k(hs, src, dst, zeros)


def _dinv(t0_ref, t1_ref):
    deg = t0_ref[:, 0:1] + t1_ref[:, 0:1] + 1.0
    return lax.rsqrt(jnp.maximum(deg, 1.0))


def _mm_scale_body(x_ref, w_ref, t0_ref, t1_ref, o_ref):
    h = jnp.dot(x_ref[...], w_ref[...], preferred_element_type=jnp.float32)
    o_ref[...] = h * _dinv(t0_ref, t1_ref)


def _mm_scale(x, w, t0, t1, n):
    grid = (n // RB,)
    return pl.pallas_call(
        _mm_scale_body,
        grid=grid,
        in_specs=[
            pl.BlockSpec((RB, 128), lambda i: (i, 0)),
            pl.BlockSpec((128, 128), lambda i: (0, 0)),
            pl.BlockSpec((RB, 128), lambda i: (i, 0)),
            pl.BlockSpec((RB, 128), lambda i: (i, 0)),
        ],
        out_specs=pl.BlockSpec((RB, 128), lambda i: (i, 0)),
        out_shape=jax.ShapeDtypeStruct((n, 128), jnp.float32),
    )(x, w, t0, t1)


def _layer_body(a0_ref, a1_ref, hs_ref, t0_ref, t1_ref, b_ref, w_ref, o_ref):
    dinv = _dinv(t0_ref, t1_ref)
    h = dinv * (a0_ref[...] + a1_ref[...] + hs_ref[...]) + b_ref[...]
    h = jnp.maximum(h, 0.0)
    o_ref[...] = jnp.dot(h, w_ref[...], preferred_element_type=jnp.float32) * dinv


def _layer(a0, a1, hs, t0, t1, b, w, n):
    grid = (n // RB,)
    return pl.pallas_call(
        _layer_body,
        grid=grid,
        in_specs=[
            pl.BlockSpec((RB, 128), lambda i: (i, 0)),
            pl.BlockSpec((RB, 128), lambda i: (i, 0)),
            pl.BlockSpec((RB, 128), lambda i: (i, 0)),
            pl.BlockSpec((RB, 128), lambda i: (i, 0)),
            pl.BlockSpec((RB, 128), lambda i: (i, 0)),
            pl.BlockSpec((1, 128), lambda i: (0, 0)),
            pl.BlockSpec((128, 128), lambda i: (0, 0)),
        ],
        out_specs=pl.BlockSpec((RB, 128), lambda i: (i, 0)),
        out_shape=jax.ShapeDtypeStruct((n, 128), jnp.float32),
    )(a0, a1, hs, t0, t1, b, w)


def _pool_body(nblk, a0_ref, a1_ref, hs_ref, t0_ref, t1_ref, b_ref, batch_ref,
               wc_ref, bc_ref, o_ref, sums, cnts):
    i = pl.program_id(0)
    dinv = _dinv(t0_ref, t1_ref)
    h = dinv * (a0_ref[...] + a1_ref[...] + hs_ref[...]) + b_ref[...]
    h = jnp.maximum(h, 0.0)
    gids = lax.broadcasted_iota(jnp.int32, (RB, BG), 1)
    onehot = (batch_ref[...] == gids).astype(jnp.float32)
    dn = (((0,), (0,)), ((), ()))
    ps = lax.dot_general(onehot, h, dn, preferred_element_type=jnp.float32,
                         precision=lax.Precision.HIGHEST)
    pc = lax.dot_general(onehot, jnp.ones_like(h), dn,
                         preferred_element_type=jnp.float32)

    @pl.when(i == 0)
    def _():
        sums[...] = ps
        cnts[...] = pc

    @pl.when(i > 0)
    def _():
        sums[...] += ps
        cnts[...] += pc

    @pl.when(i == nblk - 1)
    def _():
        pooled = sums[...] / jnp.maximum(cnts[...], 1.0)
        o_ref[...] = jnp.dot(pooled, wc_ref[...],
                             preferred_element_type=jnp.float32) + bc_ref[...]


def _pool(a0, a1, hs, t0, t1, b, batch2d, wc, bc, n):
    nblk = n // RB
    return pl.pallas_call(
        functools.partial(_pool_body, nblk),
        grid=(nblk,),
        in_specs=[
            pl.BlockSpec((RB, 128), lambda i: (i, 0)),
            pl.BlockSpec((RB, 128), lambda i: (i, 0)),
            pl.BlockSpec((RB, 128), lambda i: (i, 0)),
            pl.BlockSpec((RB, 128), lambda i: (i, 0)),
            pl.BlockSpec((RB, 128), lambda i: (i, 0)),
            pl.BlockSpec((1, 128), lambda i: (0, 0)),
            pl.BlockSpec((RB, 1), lambda i: (i, 0)),
            pl.BlockSpec((128, 1), lambda i: (0, 0)),
            pl.BlockSpec((1, 1), lambda i: (0, 0)),
        ],
        out_specs=pl.BlockSpec((BG, 1), lambda i: (0, 0)),
        out_shape=jax.ShapeDtypeStruct((BG, 1), jnp.float32),
        scratch_shapes=[
            pltpu.VMEM((BG, 128), jnp.float32),
            pltpu.VMEM((BG, 128), jnp.float32),
        ],
    )(a0, a1, hs, t0, t1, b, batch2d, wc, bc)


def kernel(x, edge_index, batch, W1, b1, W2, b2, Wc, bc):
    n, d = x.shape
    e = edge_index.shape[1]
    src = edge_index[0]
    dst = edge_index[1]
    zeros = jnp.zeros((n, 128), jnp.float32)

    degt = _deg_call(dst, zeros, n, e)
    t0, t1 = degt[0], degt[1]

    hs1 = _mm_scale(x, W1, t0, t1, n)
    acc1 = _edge_call(hs1, src, dst, zeros, n, e)
    hs2 = _layer(acc1[0], acc1[1], hs1, t0, t1, b1.reshape(1, -1), W2, n)
    acc2 = _edge_call(hs2, src, dst, zeros, n, e)
    out = _pool(acc2[0], acc2[1], hs2, t0, t1, b2.reshape(1, -1),
                batch.reshape(-1, 1), Wc, bc.reshape(1, 1), n)
    return out

# --- scband reference (transcript-rebuilt; emitter-appended) ---
"""Pipeline reference for scband-mpnn-25546465476713 (READ-ONLY COPY).

The authoritative reference and input builder live on the scoring server;
editing this copy changes nothing except your own understanding.
"""

import jax, jax.numpy as jnp
import numpy as np

N = 10000
E = 320000
D = 128
H = 128
B = 128


def setup_inputs(seed: int = 0) -> dict:
    key = jax.random.key(seed)
    ks = [jax.random.fold_in(key, i) for i in range(10)]
    x = jax.random.normal(ks[0], (N, D), dtype=jnp.float32)
    edge_index = jax.random.randint(ks[1], (2, E), 0, N, dtype=jnp.int32)
    batch = jnp.sort(jax.random.randint(ks[2], (N,), 0, B, dtype=jnp.int32))
    W1 = jax.random.normal(ks[3], (D, H), dtype=jnp.float32) * (1.0 / np.sqrt(D))
    b1 = jnp.zeros((H,), dtype=jnp.float32)
    W2 = jax.random.normal(ks[4], (H, H), dtype=jnp.float32) * (1.0 / np.sqrt(H))
    b2 = jnp.zeros((H,), dtype=jnp.float32)
    Wc = jax.random.normal(ks[5], (H, 1), dtype=jnp.float32) * (1.0 / np.sqrt(H))
    bc = jnp.zeros((1,), dtype=jnp.float32)
    return {"x": x, "edge_index": edge_index, "batch": batch,
            "W1": W1, "b1": b1, "W2": W2, "b2": b2, "Wc": Wc, "bc": bc}


def gcn_conv(x, edge_index, W, b):
    n = x.shape[0]
    loop = jnp.arange(n, dtype=edge_index.dtype)
    src = jnp.concatenate([edge_index[0], loop])
    dst = jnp.concatenate([edge_index[1], loop])
    deg = jnp.zeros((n,), dtype=x.dtype).at[dst].add(1.0)
    dinv = 1.0 / jnp.sqrt(jnp.clip(deg, 1.0))
    norm = dinv[src] * dinv[dst]
    h = x @ W
    msg = h[src] * norm[:, None]
    out = jax.ops.segment_sum(msg, dst, num_segments=n)
    return out + b


def reference(x, edge_index, batch, W1, b1, W2, b2, Wc, bc):
    h = jax.nn.relu(gcn_conv(x, edge_index, W1, b1))
    h = jax.nn.relu(gcn_conv(h, edge_index, W2, b2))
    sums = jax.ops.segment_sum(h, batch, num_segments=B)
    cnt = jax.ops.segment_sum(jnp.ones((h.shape[0], 1), dtype=h.dtype), batch, num_segments=B)
    pooled = sums / jnp.clip(cnt, 1.0)
    return pooled @ Wc + bc

if __name__ == "__main__":
    import jax
    _d = setup_inputs()
    print(jax.jit(kernel)(*tuple(_d.values())))

</pallas_src>

<mosaic_0001>
#map = affine_map<(d0, d1) -> (0, 0)>
#map1 = affine_map<(d0, d1) -> (0)>
#map2 = affine_map<(d0, d1) -> (0, 0, 0)>
module attributes {stable_mosaic.version = 14 : i64} {
  func.func @_edge_body(%arg0: i32, %arg1: i32, %arg2: memref<10000x128xf32, #tpu.memory_space<hbm>>, %arg3: memref<320000xi32, #tpu.memory_space<hbm>>, %arg4: memref<320000xi32, #tpu.memory_space<hbm>>, %arg5: memref<10000x128xf32, #tpu.memory_space<hbm>>, %arg6: memref<2x10000x128xf32, #tpu.memory_space<hbm>>, %arg7: memref<80xi32, #tpu.memory_space<vmem>>, %arg8: memref<80xi32, #tpu.memory_space<vmem>>, %arg9: memref<80xi32, #tpu.memory_space<vmem>>, %arg10: memref<80xi32, #tpu.memory_space<vmem>>, %arg11: memref<80xi32, #tpu.memory_space<vmem>>, %arg12: memref<80xi32, #tpu.memory_space<vmem>>, %arg13: memref<80xi32, #tpu.memory_space<vmem>>, %arg14: memref<80xi32, #tpu.memory_space<vmem>>, %arg15: memref<80x128xf32, #tpu.memory_space<vmem>>, %arg16: memref<80x128xf32, #tpu.memory_space<vmem>>, %arg17: memref<80x128xf32, #tpu.memory_space<vmem>>, %arg18: memref<80x128xf32, #tpu.memory_space<vmem>>, %arg19: memref<10000x128xf32, #tpu.memory_space<vmem_shared>>, %arg20: memref<!tpu.dma_semaphore, #tpu.memory_space<semaphore_mem>>, %arg21: memref<!tpu.dma_semaphore, #tpu.memory_space<semaphore_mem>>, %arg22: memref<!tpu.dma_semaphore, #tpu.memory_space<semaphore_mem>>, %arg23: memref<!tpu.dma_semaphore, #tpu.memory_space<semaphore_mem>>, %arg24: memref<!tpu.dma_semaphore, #tpu.memory_space<semaphore_mem>>, %arg25: memref<!tpu.dma_semaphore, #tpu.memory_space<semaphore_mem>>, %arg26: memref<!tpu.dma_semaphore, #tpu.memory_space<semaphore_mem>>, %arg27: memref<!tpu.dma_semaphore, #tpu.memory_space<semaphore_mem>>, %arg28: memref<!tpu.dma_semaphore, #tpu.memory_space<semaphore_mem>>, %arg29: memref<!tpu.dma_semaphore, #tpu.memory_space<semaphore_mem>>, %arg30: memref<!tpu.dma_semaphore, #tpu.memory_space<semaphore_mem>>, %arg31: memref<!tpu.dma_semaphore, #tpu.memory_space<semaphore_mem>>) attributes {dimension_semantics = [#tpu.dimension_semantics<core_parallel>, #tpu.dimension_semantics<subcore_parallel>], iteration_bounds = array<i64: 2, 16>, scalar_prefetch = 0 : i64, scratch_operands = 25 : i64, tpu.core_type = #tpu.core_type<sc_vector_subcore>, window_params = [{transform_indices = #map}, {transform_indices = #map1}, {transform_indices = #map1}, {transform_indices = #map}, {transform_indices = #map2}]} {
    %mul3A = arith.constant 624 : i32
    %mul3A_0 = arith.muli %arg1, %mul3A : i32
    "tpu.region"() ({
      %run_scoped3A = tpu.sem_alloc : memref<!tpu.dma_semaphore, #tpu.memory_space<semaphore_mem>>
      %dma_start3A = arith.constant 0 : i32
      %dma_start3A_22 = tpu.memref_slice %arg19[%mul3A_0, %dma_start3A] : memref<10000x128xf32, #tpu.memory_space<vmem_shared>> -> memref<624x128xf32, #tpu.memory_space<vmem_shared>>
      %dma_start3A_23 = arith.constant 0 : i32
      %dma_start3A_24 = tpu.memref_slice %arg5[%mul3A_0, %dma_start3A_23] : memref<10000x128xf32, #tpu.memory_space<hbm>> -> memref<624x128xf32, #tpu.memory_space<hbm>>
      tpu.enqueue_dma source(%dma_start3A_24 : memref<624x128xf32, #tpu.memory_space<hbm>>) target(%dma_start3A_22 : memref<624x128xf32, #tpu.memory_space<vmem_shared>>) target_semaphore(%run_scoped3A : memref<!tpu.dma_semaphore, #tpu.memory_space<semaphore_mem>>)
      %dma_wait3A_25 = arith.constant 0 : i32
      %dma_wait3A_26 = tpu.memref_slice %arg19[%mul3A_0, %dma_wait3A_25] : memref<10000x128xf32, #tpu.memory_space<vmem_shared>> -> memref<624x128xf32, #tpu.memory_space<vmem_shared>>
      %dma_wait3A_27 = arith.constant 0 : i32
      %dma_wait3A_28 = tpu.memref_slice %arg5[%mul3A_0, %dma_wait3A_27] : memref<10000x128xf32, #tpu.memory_space<hbm>> -> memref<624x128xf32, #tpu.memory_space<hbm>>
      tpu.wait_dma2 semaphore(%run_scoped3A : memref<!tpu.dma_semaphore, #tpu.memory_space<semaphore_mem>>) src(%dma_wait3A_28 : memref<624x128xf32, #tpu.memory_space<hbm>>) dst(%dma_wait3A_26 : memref<624x128xf32, #tpu.memory_space<vmem_shared>>)
      tpu.yield
    }) : () -> ()
    %eq3A = arith.constant 15 : i32
    %eq3A_1 = arith.cmpi eq, %arg1, %eq3A : i32
    %convert_element_type3A = arith.extui %eq3A_1 : i1 to i32
    %cond3A = arith.constant 0 : i32
    %cond3A_2 = arith.cmpi ne, %convert_element_type3A, %cond3A : i32
    scf.if %cond3A_2 {
      "tpu.region"() ({
        %run_scoped3A = tpu.sem_alloc : memref<!tpu.dma_semaphore, #tpu.memory_space<semaphore_mem>>
        %dma_start3A = arith.constant 9984 : i32
        %dma_start3A_22 = arith.constant 0 : i32
        %dma_start3A_23 = tpu.memref_slice %arg19[%dma_start3A, %dma_start3A_22] : memref<10000x128xf32, #tpu.memory_space<vmem_shared>> -> memref<16x128xf32, #tpu.memory_space<vmem_shared>>
        %dma_start3A_24 = arith.constant 9984 : i32
        %dma_start3A_25 = arith.constant 0 : i32
        %dma_start3A_26 = tpu.memref_slice %arg5[%dma_start3A_24, %dma_start3A_25] : memref<10000x128xf32, #tpu.memory_space<hbm>> -> memref<16x128xf32, #tpu.memory_space<hbm>>
        tpu.enqueue_dma source(%dma_start3A_26 : memref<16x128xf32, #tpu.memory_space<hbm>>) target(%dma_start3A_23 : memref<16x128xf32, #tpu.memory_space<vmem_shared>>) target_semaphore(%run_scoped3A : memref<!tpu.dma_semaphore, #tpu.memory_space<semaphore_mem>>)
        %dma_wait3A_27 = arith.constant 9984 : i32
        %dma_wait3A_28 = arith.constant 0 : i32
        %dma_wait3A_29 = tpu.memref_slice %arg19[%dma_wait3A_27, %dma_wait3A_28] : memref<10000x128xf32, #tpu.memory_space<vmem_shared>> -> memref<16x128xf32, #tpu.memory_space<vmem_shared>>
        %dma_wait3A_30 = arith.constant 9984 : i32
        %dma_wait3A_31 = arith.constant 0 : i32
        %dma_wait3A_32 = tpu.memref_slice %arg5[%dma_wait3A_30, %dma_wait3A_31] : memref<10000x128xf32, #tpu.memory_space<hbm>> -> memref<16x128xf32, #tpu.memory_space<hbm>>
        tpu.wait_dma2 semaphore(%run_scoped3A : memref<!tpu.dma_semaphore, #tpu.memory_space<semaphore_mem>>) src(%dma_wait3A_32 : memref<16x128xf32, #tpu.memory_space<hbm>>) dst(%dma_wait3A_29 : memref<16x128xf32, #tpu.memory_space<vmem_shared>>)
        tpu.yield
      }) : () -> ()
    } else {
    }
    %barrier3A = arith.constant 0 : index
    tpu.barrier barrier_id(%barrier3A)
    %mul3A_3 = arith.constant 160000 : i32
    %mul3A_4 = arith.muli %arg0, %mul3A_3 : i32
    %mul3A_5 = arith.constant 10000 : i32
    %mul3A_6 = arith.muli %arg1, %mul3A_5 : i32
    %add3A = arith.addi %mul3A_4, %mul3A_6 : i32
    %scan3A = arith.constant 0 : i32
    %scan3A_7 = arith.constant 0 : i32
    %scan3A_8 = arith.constant 32 : i32
    %scan3A_9 = arith.addi %scan3A_7, %scan3A_8 : i32
    %scan3A_10 = arith.constant 1 : i32
    scf.for %scan3A_22 = %scan3A_7 to %scan3A_9 step %scan3A_10  : i32 {
      %mul3A_23 = arith.constant 4 : i32
      %mul3A_24 = arith.muli %mul3A_23, %scan3A_22 : i32
      %add3A_25 = arith.constant 0 : i32
      %add3A_26 = arith.addi %mul3A_24, %add3A_25 : i32
      %ge3A = arith.constant 1 : i32
      %ge3A_27 = arith.cmpi sge, %add3A_26, %ge3A : i32
      %sub3A = arith.constant 1 : i32
      %sub3A_28 = arith.subi %add3A_26, %sub3A : i32
      %lt3A = arith.constant 125 : i32
      %lt3A_29 = arith.cmpi slt, %sub3A_28, %lt3A : i32
      %and3A = arith.andi %ge3A_27, %lt3A_29 : i1
      %convert_element_type3A_30 = arith.extui %and3A : i1 to i32
      %cond3A_31 = arith.constant 0 : i32
      %cond3A_32 = arith.cmpi ne, %convert_element_type3A_30, %cond3A_31 : i32
      scf.if %cond3A_32 {
        %sub3A_155 = arith.constant 1 : i32
        %sub3A_156 = arith.subi %add3A_26, %sub3A_155 : i32
        %mul3A_157 = arith.constant 80 : i32
        %mul3A_158 = arith.muli %sub3A_156, %mul3A_157 : i32
        %add3A_159 = arith.addi %add3A, %mul3A_158 : i32
        %dma_wait3A_160 = tpu.memref_slice %arg3[%add3A_159] : memref<320000xi32, #tpu.memory_space<hbm>> -> memref<80xi32, #tpu.memory_space<hbm>>
        %dma_wait3A_161 = tpu.memref_slice %arg3[%add3A_159] : memref<320000xi32, #tpu.memory_space<hbm>> -> memref<80xi32, #tpu.memory_space<hbm>>
        tpu.wait_dma2 semaphore(%arg23 : memref<!tpu.dma_semaphore, #tpu.memory_space<semaphore_mem>>) src(%dma_wait3A_161 : memref<80xi32, #tpu.memory_space<hbm>>) dst(%arg10 : memref<80xi32, #tpu.memory_space<vmem>>)
        %dma_wait3A_162 = tpu.memref_slice %arg4[%add3A_159] : memref<320000xi32, #tpu.memory_space<hbm>> -> memref<80xi32, #tpu.memory_space<hbm>>
        %dma_wait3A_163 = tpu.memref_slice %arg4[%add3A_159] : memref<320000xi32, #tpu.memory_space<hbm>> -> memref<80xi32, #tpu.memory_space<hbm>>
        tpu.wait_dma2 semaphore(%arg23 : memref<!tpu.dma_semaphore, #tpu.memory_space<semaphore_mem>>) src(%dma_wait3A_163 : memref<80xi32, #tpu.memory_space<hbm>>) dst(%arg14 : memref<80xi32, #tpu.memory_space<vmem>>)
        %dma_start3A = arith.constant 0 : i32
        %dma_start3A_164 = arith.constant 0 : i32
        %dma_start3A_165 = tpu.memref_slice %arg2[%dma_start3A, %dma_start3A_164] : memref<10000x128xf32, #tpu.memory_space<hbm>> -> memref<10000x128xf32, #tpu.memory_space<hbm>>
        tpu.enqueue_indirect_dma source(%dma_start3A_165 : memref<10000x128xf32, #tpu.memory_space<hbm>>) target(%arg18 : memref<80x128xf32, #tpu.memory_space<vmem>>) offsets(%arg10 : memref<80xi32, #tpu.memory_space<vmem>>) semaphore(%arg27 : memref<!tpu.dma_semaphore, #tpu.memory_space<semaphore_mem>>)
      } else {
      }
      %ge3A_33 = arith.constant 3 : i32
      %ge3A_34 = arith.cmpi sge, %add3A_26, %ge3A_33 : i32
      %sub3A_35 = arith.constant 3 : i32
      %sub3A_36 = arith.subi %add3A_26, %sub3A_35 : i32
      %lt3A_37 = arith.constant 125 : i32
      %lt3A_38 = arith.cmpi slt, %sub3A_36, %lt3A_37 : i32
      %and3A_39 = arith.andi %ge3A_34, %lt3A_38 : i1
      %convert_element_type3A_40 = arith.extui %and3A_39 : i1 to i32
      %cond3A_41 = arith.constant 0 : i32
      %cond3A_42 = arith.cmpi ne, %convert_element_type3A_40, %cond3A_41 : i32
      scf.if %cond3A_42 {
        %dma_wait3A_155 = arith.constant 0 : i32
        %dma_wait3A_156 = arith.constant 0 : i32
        %dma_wait3A_157 = tpu.memref_slice %arg2[%dma_wait3A_155, %dma_wait3A_156] : memref<10000x128xf32, #tpu.memory_space<hbm>> -> memref<10000x128xf32, #tpu.memory_space<hbm>>
        tpu.wait_indirect_dma semaphore(%arg25 : memref<!tpu.dma_semaphore, #tpu.memory_space<semaphore_mem>>) src(%dma_wait3A_157 : memref<10000x128xf32, #tpu.memory_space<hbm>>) dst(%arg16 : memref<80x128xf32, #tpu.memory_space<vmem>>)
        %dma_start3A = arith.constant 0 : i32
        %dma_start3A_158 = arith.constant 0 : i32
        %dma_start3A_159 = tpu.memref_slice %arg19[%dma_start3A, %dma_start3A_158] : memref<10000x128xf32, #tpu.memory_space<vmem_shared>> -> memref<10000x128xf32, #tpu.memory_space<vmem_shared>>
        tpu.enqueue_indirect_dma source(%arg16 : memref<80x128xf32, #tpu.memory_space<vmem>>) target(%dma_start3A_159 : memref<10000x128xf32, #tpu.memory_space<vmem_shared>>) offsets(%arg12 : memref<80xi32, #tpu.memory_space<vmem>>) semaphore(%arg29 : memref<!tpu.dma_semaphore, #tpu.memory_space<semaphore_mem>>) {add = true}
      } else {
      }
      %ge3A_43 = arith.constant 1 : i32
      %ge3A_44 = arith.cmpi sge, %scan3A_22, %ge3A_43 : i32
      %convert_element_type3A_45 = arith.extui %ge3A_44 : i1 to i32
      %cond3A_46 = arith.constant 0 : i32
      %cond3A_47 = arith.cmpi ne, %convert_element_type3A_45, %cond3A_46 : i32
      scf.if %cond3A_47 {
        %dma_wait3A_155 = arith.constant 0 : i32
        %dma_wait3A_156 = arith.constant 0 : i32
        %dma_wait3A_157 = tpu.memref_slice %arg19[%dma_wait3A_155, %dma_wait3A_156] : memref<10000x128xf32, #tpu.memory_space<vmem_shared>> -> memref<10000x128xf32, #tpu.memory_space<vmem_shared>>
        tpu.wait_indirect_dma semaphore(%arg28 : memref<!tpu.dma_semaphore, #tpu.memory_space<semaphore_mem>>) src(%arg15 : memref<80x128xf32, #tpu.memory_space<vmem>>) dst(%dma_wait3A_157 : memref<10000x128xf32, #tpu.memory_space<vmem_shared>>)
      } else {
      }
      %lt3A_48 = arith.constant 125 : i32
      %lt3A_49 = arith.cmpi slt, %add3A_26, %lt3A_48 : i32
      %convert_element_type3A_50 = arith.extui %lt3A_49 : i1 to i32
      %cond3A_51 = arith.constant 0 : i32
      %cond3A_52 = arith.cmpi ne, %convert_element_type3A_50, %cond3A_51 : i32
      scf.if %cond3A_52 {
        %mul3A_155 = arith.constant 80 : i32
        %mul3A_156 = arith.muli %add3A_26, %mul3A_155 : i32
        %add3A_157 = arith.addi %add3A, %mul3A_156 : i32
        %dma_start3A = tpu.memref_slice %arg3[%add3A_157] : memref<320000xi32, #tpu.memory_space<hbm>> -> memref<80xi32, #tpu.memory_space<hbm>>
        %dma_start3A_158 = tpu.memref_slice %arg3[%add3A_157] : memref<320000xi32, #tpu.memory_space<hbm>> -> memref<80xi32, #tpu.memory_space<hbm>>
        tpu.enqueue_dma source(%dma_start3A_158 : memref<80xi32, #tpu.memory_space<hbm>>) target(%arg7 : memref<80xi32, #tpu.memory_space<vmem>>) target_semaphore(%arg20 : memref<!tpu.dma_semaphore, #tpu.memory_space<semaphore_mem>>)
        %dma_start3A_159 = tpu.memref_slice %arg4[%add3A_157] : memref<320000xi32, #tpu.memory_space<hbm>> -> memref<80xi32, #tpu.memory_space<hbm>>
        %dma_start3A_160 = tpu.memref_slice %arg4[%add3A_157] : memref<320000xi32, #tpu.memory_space<hbm>> -> memref<80xi32, #tpu.memory_space<hbm>>
        tpu.enqueue_dma source(%dma_start3A_160 : memref<80xi32, #tpu.memory_space<hbm>>) target(%arg11 : memref<80xi32, #tpu.memory_space<vmem>>) target_semaphore(%arg20 : memref<!tpu.dma_semaphore, #tpu.memory_space<semaphore_mem>>)
      } else {
      }
      %mul3A_53 = arith.constant 4 : i32
      %mul3A_54 = arith.muli %mul3A_53, %scan3A_22 : i32
      %add3A_55 = arith.constant 1 : i32
      %add3A_56 = arith.addi %mul3A_54, %add3A_55 : i32
      %ge3A_57 = arith.constant 1 : i32
      %ge3A_58 = arith.cmpi sge, %add3A_56, %ge3A_57 : i32
      %sub3A_59 = arith.constant 1 : i32
      %sub3A_60 = arith.subi %add3A_56, %sub3A_59 : i32
      %lt3A_61 = arith.constant 125 : i32
      %lt3A_62 = arith.cmpi slt, %sub3A_60, %lt3A_61 : i32
      %and3A_63 = arith.andi %ge3A_58, %lt3A_62 : i1
      %convert_element_type3A_64 = arith.extui %and3A_63 : i1 to i32
      %cond3A_65 = arith.constant 0 : i32
      %cond3A_66 = arith.cmpi ne, %convert_element_type3A_64, %cond3A_65 : i32
      scf.if %cond3A_66 {
        %sub3A_155 = arith.constant 1 : i32
        %sub3A_156 = arith.subi %add3A_56, %sub3A_155 : i32
        %mul3A_157 = arith.constant 80 : i32
        %mul3A_158 = arith.muli %sub3A_156, %mul3A_157 : i32
        %add3A_159 = arith.addi %add3A, %mul3A_158 : i32
        %dma_wait3A_160 = tpu.memref_slice %arg3[%add3A_159] : memref<320000xi32, #tpu.memory_space<hbm>> -> memref<80xi32, #tpu.memory_space<hbm>>
        %dma_wait3A_161 = tpu.memref_slice %arg3[%add3A_159] : memref<320000xi32, #tpu.memory_space<hbm>> -> memref<80xi32, #tpu.memory_space<hbm>>
        tpu.wait_dma2 semaphore(%arg20 : memref<!tpu.dma_semaphore, #tpu.memory_space<semaphore_mem>>) src(%dma_wait3A_161 : memref<80xi32, #tpu.memory_space<hbm>>) dst(%arg7 : memref<80xi32, #tpu.memory_space<vmem>>)
        %dma_wait3A_162 = tpu.memref_slice %arg4[%add3A_159] : memref<320000xi32, #tpu.memory_space<hbm>> -> memref<80xi32, #tpu.memory_space<hbm>>
        %dma_wait3A_163 = tpu.memref_slice %arg4[%add3A_159] : memref<320000xi32, #tpu.memory_space<hbm>> -> memref<80xi32, #tpu.memory_space<hbm>>
        tpu.wait_dma2 semaphore(%arg20 : memref<!tpu.dma_semaphore, #tpu.memory_space<semaphore_mem>>) src(%dma_wait3A_163 : memref<80xi32, #tpu.memory_space<hbm>>) dst(%arg11 : memref<80xi32, #tpu.memory_space<vmem>>)
        %dma_start3A = arith.constant 0 : i32
        %dma_start3A_164 = arith.constant 0 : i32
        %dma_start3A_165 = tpu.memref_slice %arg2[%dma_start3A, %dma_start3A_164] : memref<10000x128xf32, #tpu.memory_space<hbm>> -> memref<10000x128xf32, #tpu.memory_space<hbm>>
        tpu.enqueue_indirect_dma source(%dma_start3A_165 : memref<10000x128xf32, #tpu.memory_space<hbm>>) target(%arg15 : memref<80x128xf32, #tpu.memory_space<vmem>>) offsets(%arg7 : memref<80xi32, #tpu.memory_space<vmem>>) semaphore(%arg24 : memref<!tpu.dma_semaphore, #tpu.memory_space<semaphore_mem>>)
      } else {
      }
      %ge3A_67 = arith.constant 3 : i32
      %ge3A_68 = arith.cmpi sge, %add3A_56, %ge3A_67 : i32
      %sub3A_69 = arith.constant 3 : i32
      %sub3A_70 = arith.subi %add3A_56, %sub3A_69 : i32
      %lt3A_71 = arith.constant 125 : i32
      %lt3A_72 = arith.cmpi slt, %sub3A_70, %lt3A_71 : i32
      %and3A_73 = arith.andi %ge3A_68, %lt3A_72 : i1
      %convert_element_type3A_74 = arith.extui %and3A_73 : i1 to i32
      %cond3A_75 = arith.constant 0 : i32
      %cond3A_76 = arith.cmpi ne, %convert_element_type3A_74, %cond3A_75 : i32
      scf.if %cond3A_76 {
        %dma_wait3A_155 = arith.constant 0 : i32
        %dma_wait3A_156 = arith.constant 0 : i32
        %dma_wait3A_157 = tpu.memref_slice %arg2[%dma_wait3A_155, %dma_wait3A_156] : memref<10000x128xf32, #tpu.memory_space<hbm>> -> memref<10000x128xf32, #tpu.memory_space<hbm>>
        tpu.wait_indirect_dma semaphore(%arg26 : memref<!tpu.dma_semaphore, #tpu.memory_space<semaphore_mem>>) src(%dma_wait3A_157 : memref<10000x128xf32, #tpu.memory_space<hbm>>) dst(%arg17 : memref<80x128xf32, #tpu.memory_space<vmem>>)
        %dma_start3A = arith.constant 0 : i32
        %dma_start3A_158 = arith.constant 0 : i32
        %dma_start3A_159 = tpu.memref_slice %arg19[%dma_start3A, %dma_start3A_158] : memref<10000x128xf32, #tpu.memory_space<vmem_shared>> -> memref<10000x128xf32, #tpu.memory_space<vmem_shared>>
        tpu.enqueue_indirect_dma source(%arg17 : memref<80x128xf32, #tpu.memory_space<vmem>>) target(%dma_start3A_159 : memref<10000x128xf32, #tpu.memory_space<vmem_shared>>) offsets(%arg13 : memref<80xi32, #tpu.memory_space<vmem>>) semaphore(%arg30 : memref<!tpu.dma_semaphore, #tpu.memory_space<semaphore_mem>>) {add = true}
      } else {
      }
      %ge3A_77 = arith.constant 1 : i32
      %ge3A_78 = arith.cmpi sge, %scan3A_22, %ge3A_77 : i32
      %convert_element_type3A_79 = arith.extui %ge3A_78 : i1 to i32
      %cond3A_80 = arith.constant 0 : i32
      %cond3A_81 = arith.cmpi ne, %convert_element_type3A_79, %cond3A_80 : i32
      scf.if %cond3A_81 {
        %dma_wait3A_155 = arith.constant 0 : i32
        %dma_wait3A_156 = arith.constant 0 : i32
        %dma_wait3A_157 = tpu.memref_slice %arg19[%dma_wait3A_155, %dma_wait3A_156] : memref<10000x128xf32, #tpu.memory_space<vmem_shared>> -> memref<10000x128xf32, #tpu.memory_space<vmem_shared>>
        tpu.wait_indirect_dma semaphore(%arg29 : memref<!tpu.dma_semaphore, #tpu.memory_space<semaphore_mem>>) src(%arg16 : memref<80x128xf32, #tpu.memory_space<vmem>>) dst(%dma_wait3A_157 : memref<10000x128xf32, #tpu.memory_space<vmem_shared>>)
      } else {
      }
      %lt3A_82 = arith.constant 125 : i32
      %lt3A_83 = arith.cmpi slt, %add3A_56, %lt3A_82 : i32
      %convert_element_type3A_84 = arith.extui %lt3A_83 : i1 to i32
      %cond3A_85 = arith.constant 0 : i32
      %cond3A_86 = arith.cmpi ne, %convert_element_type3A_84, %cond3A_85 : i32
      scf.if %cond3A_86 {
        %mul3A_155 = arith.constant 80 : i32
        %mul3A_156 = arith.muli %add3A_56, %mul3A_155 : i32
        %add3A_157 = arith.addi %add3A, %mul3A_156 : i32
        %dma_start3A = tpu.memref_slice %arg3[%add3A_157] : memref<320000xi32, #tpu.memory_space<hbm>> -> memref<80xi32, #tpu.memory_space<hbm>>
        %dma_start3A_158 = tpu.memref_slice %arg3[%add3A_157] : memref<320000xi32, #tpu.memory_space<hbm>> -> memref<80xi32, #tpu.memory_space<hbm>>
        tpu.enqueue_dma source(%dma_start3A_158 : memref<80xi32, #tpu.memory_space<hbm>>) target(%arg8 : memref<80xi32, #tpu.memory_space<vmem>>) target_semaphore(%arg21 : memref<!tpu.dma_semaphore, #tpu.memory_space<semaphore_mem>>)
        %dma_start3A_159 = tpu.memref_slice %arg4[%add3A_157] : memref<320000xi32, #tpu.memory_space<hbm>> -> memref<80xi32, #tpu.memory_space<hbm>>
        %dma_start3A_160 = tpu.memref_slice %arg4[%add3A_157] : memref<320000xi32, #tpu.memory_space<hbm>> -> memref<80xi32, #tpu.memory_space<hbm>>
        tpu.enqueue_dma source(%dma_start3A_160 : memref<80xi32, #tpu.memory_space<hbm>>) target(%arg12 : memref<80xi32, #tpu.memory_space<vmem>>) target_semaphore(%arg21 : memref<!tpu.dma_semaphore, #tpu.memory_space<semaphore_mem>>)
      } else {
      }
      %mul3A_87 = arith.constant 4 : i32
      %mul3A_88 = arith.muli %mul3A_87, %scan3A_22 : i32
      %add3A_89 = arith.constant 2 : i32
      %add3A_90 = arith.addi %mul3A_88, %add3A_89 : i32
      %ge3A_91 = arith.constant 1 : i32
      %ge3A_92 = arith.cmpi sge, %add3A_90, %ge3A_91 : i32
      %sub3A_93 = arith.constant 1 : i32
      %sub3A_94 = arith.subi %add3A_90, %sub3A_93 : i32
      %lt3A_95 = arith.constant 125 : i32
      %lt3A_96 = arith.cmpi slt, %sub3A_94, %lt3A_95 : i32
      %and3A_97 = arith.andi %ge3A_92, %lt3A_96 : i1
      %convert_element_type3A_98 = arith.extui %and3A_97 : i1 to i32
      %cond3A_99 = arith.constant 0 : i32
      %cond3A_100 = arith.cmpi ne, %convert_element_type3A_98, %cond3A_99 : i32
      scf.if %cond3A_100 {
        %sub3A_155 = arith.constant 1 : i32
        %sub3A_156 = arith.subi %add3A_90, %sub3A_155 : i32
        %mul3A_157 = arith.constant 80 : i32
        %mul3A_158 = arith.muli %sub3A_156, %mul3A_157 : i32
        %add3A_159 = arith.addi %add3A, %mul3A_158 : i32
        %dma_wait3A_160 = tpu.memref_slice %arg3[%add3A_159] : memref<320000xi32, #tpu.memory_space<hbm>> -> memref<80xi32, #tpu.memory_space<hbm>>
        %dma_wait3A_161 = tpu.memref_slice %arg3[%add3A_159] : memref<320000xi32, #tpu.memory_space<hbm>> -> memref<80xi32, #tpu.memory_space<hbm>>
        tpu.wait_dma2 semaphore(%arg21 : memref<!tpu.dma_semaphore, #tpu.memory_space<semaphore_mem>>) src(%dma_wait3A_161 : memref<80xi32, #tpu.memory_space<hbm>>) dst(%arg8 : memref<80xi32, #tpu.memory_space<vmem>>)
        %dma_wait3A_162 = tpu.memref_slice %arg4[%add3A_159] : memref<320000xi32, #tpu.memory_space<hbm>> -> memref<80xi32, #tpu.memory_space<hbm>>
        %dma_wait3A_163 = tpu.memref_slice %arg4[%add3A_159] : memref<320000xi32, #tpu.memory_space<hbm>> -> memref<80xi32, #tpu.memory_space<hbm>>
        tpu.wait_dma2 semaphore(%arg21 : memref<!tpu.dma_semaphore, #tpu.memory_space<semaphore_mem>>) src(%dma_wait3A_163 : memref<80xi32, #tpu.memory_space<hbm>>) dst(%arg12 : memref<80xi32, #tpu.memory_space<vmem>>)
        %dma_start3A = arith.constant 0 : i32
        %dma_start3A_164 = arith.constant 0 : i32
        %dma_start3A_165 = tpu.memref_slice %arg2[%dma_start3A, %dma_start3A_164] : memref<10000x128xf32, #tpu.memory_space<hbm>> -> memref<10000x128xf32, #tpu.memory_space<hbm>>
        tpu.enqueue_indirect_dma source(%dma_start3A_165 : memref<10000x128xf32, #tpu.memory_space<hbm>>) target(%arg16 : memref<80x128xf32, #tpu.memory_space<vmem>>) offsets(%arg8 : memref<80xi32, #tpu.memory_space<vmem>>) semaphore(%arg25 : memref<!tpu.dma_semaphore, #tpu.memory_space<semaphore_mem>>)
      } else {
      }
      %ge3A_101 = arith.constant 3 : i32
      %ge3A_102 = arith.cmpi sge, %add3A_90, %ge3A_101 : i32
      %sub3A_103 = arith.constant 3 : i32
      %sub3A_104 = arith.subi %add3A_90, %sub3A_103 : i32
      %lt3A_105 = arith.constant 125 : i32
      %lt3A_106 = arith.cmpi slt, %sub3A_104, %lt3A_105 : i32
      %and3A_107 = arith.andi %ge3A_102, %lt3A_106 : i1
      %convert_element_type3A_108 = arith.extui %and3A_107 : i1 to i32
      %cond3A_109 = arith.constant 0 : i32
      %cond3A_110 = arith.cmpi ne, %convert_element_type3A_108, %cond3A_109 : i32
      scf.if %cond3A_110 {
        %dma_wait3A_155 = arith.constant 0 : i32
        %dma_wait3A_156 = arith.constant 0 : i32
        %dma_wait3A_157 = tpu.memref_slice %arg2[%dma_wait3A_155, %dma_wait3A_156] : memref<10000x128xf32, #tpu.memory_space<hbm>> -> memref<10000x128xf32, #tpu.memory_space<hbm>>
        tpu.wait_indirect_dma semaphore(%arg27 : memref<!tpu.dma_semaphore, #tpu.memory_space<semaphore_mem>>) src(%dma_wait3A_157 : memref<10000x128xf32, #tpu.memory_space<hbm>>) dst(%arg18 : memref<80x128xf32, #tpu.memory_space<vmem>>)
        %dma_start3A = arith.constant 0 : i32
        %dma_start3A_158 = arith.constant 0 : i32
        %dma_start3A_159 = tpu.memref_slice %arg19[%dma_start3A, %dma_start3A_158] : memref<10000x128xf32, #tpu.memory_space<vmem_shared>> -> memref<10000x128xf32, #tpu.memory_space<vmem_shared>>
        tpu.enqueue_indirect_dma source(%arg18 : memref<80x128xf32, #tpu.memory_space<vmem>>) target(%dma_start3A_159 : memref<10000x128xf32, #tpu.memory_space<vmem_shared>>) offsets(%arg14 : memref<80xi32, #tpu.memory_space<vmem>>) semaphore(%arg31 : memref<!tpu.dma_semaphore, #tpu.memory_space<semaphore_mem>>) {add = true}
      } else {
      }
      %ge3A_111 = arith.constant 1 : i32
      %ge3A_112 = arith.cmpi sge, %scan3A_22, %ge3A_111 : i32
      %convert_element_type3A_113 = arith.extui %ge3A_112 : i1 to i32
      %cond3A_114 = arith.constant 0 : i32
      %cond3A_115 = arith.cmpi ne, %convert_element_type3A_113, %cond3A_114 : i32
      scf.if %cond3A_115 {
        %dma_wait3A_155 = arith.constant 0 : i32
        %dma_wait3A_156 = arith.constant 0 : i32
        %dma_wait3A_157 = tpu.memref_slice %arg19[%dma_wait3A_155, %dma_wait3A_156] : memref<10000x128xf32, #tpu.memory_space<vmem_shared>> -> memref<10000x128xf32, #tpu.memory_space<vmem_shared>>
        tpu.wait_indirect_dma semaphore(%arg30 : memref<!tpu.dma_semaphore, #tpu.memory_space<semaphore_mem>>) src(%arg17 : memref<80x128xf32, #tpu.memory_space<vmem>>) dst(%dma_wait3A_157 : memref<10000x128xf32, #tpu.memory_space<vmem_shared>>)
      } else {
      }
      %lt3A_116 = arith.constant 125 : i32
      %lt3A_117 = arith.cmpi slt, %add3A_90, %lt3A_116 : i32
      %convert_element_type3A_118 = arith.extui %lt3A_117 : i1 to i32
      %cond3A_119 = arith.constant 0 : i32
      %cond3A_120 = arith.cmpi ne, %convert_element_type3A_118, %cond3A_119 : i32
      scf.if %cond3A_120 {
        %mul3A_155 = arith.constant 80 : i32
        %mul3A_156 = arith.muli %add3A_90, %mul3A_155 : i32
        %add3A_157 = arith.addi %add3A, %mul3A_156 : i32
        %dma_start3A = tpu.memref_slice %arg3[%add3A_157] : memref<320000xi32, #tpu.memory_space<hbm>> -> memref<80xi32, #tpu.memory_space<hbm>>
        %dma_start3A_158 = tpu.memref_slice %arg3[%add3A_157] : memref<320000xi32, #tpu.memory_space<hbm>> -> memref<80xi32, #tpu.memory_space<hbm>>
        tpu.enqueue_dma source(%dma_start3A_158 : memref<80xi32, #tpu.memory_space<hbm>>) target(%arg9 : memref<80xi32, #tpu.memory_space<vmem>>) target_semaphore(%arg22 : memref<!tpu.dma_semaphore, #tpu.memory_space<semaphore_mem>>)
        %dma_start3A_159 = tpu.memref_slice %arg4[%add3A_157] : memref<320000xi32, #tpu.memory_space<hbm>> -> memref<80xi32, #tpu.memory_space<hbm>>
        %dma_start3A_160 = tpu.memref_slice %arg4[%add3A_157] : memref<320000xi32, #tpu.memory_space<hbm>> -> memref<80xi32, #tpu.memory_space<hbm>>
        tpu.enqueue_dma source(%dma_start3A_160 : memref<80xi32, #tpu.memory_space<hbm>>) target(%arg13 : memref<80xi32, #tpu.memory_space<vmem>>) target_semaphore(%arg22 : memref<!tpu.dma_semaphore, #tpu.memory_space<semaphore_mem>>)
      } else {
      }
      %mul3A_121 = arith.constant 4 : i32
      %mul3A_122 = arith.muli %mul3A_121, %scan3A_22 : i32
      %add3A_123 = arith.constant 3 : i32
      %add3A_124 = arith.addi %mul3A_122, %add3A_123 : i32
      %ge3A_125 = arith.constant 1 : i32
      %ge3A_126 = arith.cmpi sge, %add3A_124, %ge3A_125 : i32
      %sub3A_127 = arith.constant 1 : i32
      %sub3A_128 = arith.subi %add3A_124, %sub3A_127 : i32
      %lt3A_129 = arith.constant 125 : i32
      %lt3A_130 = arith.cmpi slt, %sub3A_128, %lt3A_129 : i32
      %and3A_131 = arith.andi %ge3A_126, %lt3A_130 : i1
      %convert_element_type3A_132 = arith.extui %and3A_131 : i1 to i32
      %cond3A_133 = arith.constant 0 : i32
      %cond3A_134 = arith.cmpi ne, %convert_element_type3A_132, %cond3A_133 : i32
      scf.if %cond3A_134 {
        %sub3A_155 = arith.constant 1 : i32
        %sub3A_156 = arith.subi %add3A_124, %sub3A_155 : i32
        %mul3A_157 = arith.constant 80 : i32
        %mul3A_158 = arith.muli %sub3A_156, %mul3A_157 : i32
        %add3A_159 = arith.addi %add3A, %mul3A_158 : i32
        %dma_wait3A_160 = tpu.memref_slice %arg3[%add3A_159] : memref<320000xi32, #tpu.memory_space<hbm>> -> memref<80xi32, #tpu.memory_space<hbm>>
        %dma_wait3A_161 = tpu.memref_slice %arg3[%add3A_159] : memref<320000xi32, #tpu.memory_space<hbm>> -> memref<80xi32, #tpu.memory_space<hbm>>
        tpu.wait_dma2 semaphore(%arg22 : memref<!tpu.dma_semaphore, #tpu.memory_space<semaphore_mem>>) src(%dma_wait3A_161 : memref<80xi32, #tpu.memory_space<hbm>>) dst(%arg9 : memref<80xi32, #tpu.memory_space<vmem>>)
        %dma_wait3A_162 = tpu.memref_slice %arg4[%add3A_159] : memref<320000xi32, #tpu.memory_space<hbm>> -> memref<80xi32, #tpu.memory_space<hbm>>
        %dma_wait3A_163 = tpu.memref_slice %arg4[%add3A_159] : memref<320000xi32, #tpu.memory_space<hbm>> -> memref<80xi32, #tpu.memory_space<hbm>>
        tpu.wait_dma2 semaphore(%arg22 : memref<!tpu.dma_semaphore, #tpu.memory_space<semaphore_mem>>) src(%dma_wait3A_163 : memref<80xi32, #tpu.memory_space<hbm>>) dst(%arg13 : memref<80xi32, #tpu.memory_space<vmem>>)
        %dma_start3A = arith.constant 0 : i32
        %dma_start3A_164 = arith.constant 0 : i32
        %dma_start3A_165 = tpu.memref_slice %arg2[%dma_start3A, %dma_start3A_164] : memref<10000x128xf32, #tpu.memory_space<hbm>> -> memref<10000x128xf32, #tpu.memory_space<hbm>>
        tpu.enqueue_indirect_dma source(%dma_start3A_165 : memref<10000x128xf32, #tpu.memory_space<hbm>>) target(%arg17 : memref<80x128xf32, #tpu.memory_space<vmem>>) offsets(%arg9 : memref<80xi32, #tpu.memory_space<vmem>>) semaphore(%arg26 : memref<!tpu.dma_semaphore, #tpu.memory_space<semaphore_mem>>)
      } else {
      }
      %ge3A_135 = arith.constant 3 : i32
      %ge3A_136 = arith.cmpi sge, %add3A_124, %ge3A_135 : i32
      %sub3A_137 = arith.constant 3 : i32
      %sub3A_138 = arith.subi %add3A_124, %sub3A_137 : i32
      %lt3A_139 = arith.constant 125 : i32
      %lt3A_140 = arith.cmpi slt, %sub3A_138, %lt3A_139 : i32
      %and3A_141 = arith.andi %ge3A_136, %lt3A_140 : i1
      %convert_element_type3A_142 = arith.extui %and3A_141 : i1 to i32
      %cond3A_143 = arith.constant 0 : i32
      %cond3A_144 = arith.cmpi ne, %convert_element_type3A_142, %cond3A_143 : i32
      scf.if %cond3A_144 {
        %dma_wait3A_155 = arith.constant 0 : i32
        %dma_wait3A_156 = arith.constant 0 : i32
        %dma_wait3A_157 = tpu.memref_slice %arg2[%dma_wait3A_155, %dma_wait3A_156] : memref<10000x128xf32, #tpu.memory_space<hbm>> -> memref<10000x128xf32, #tpu.memory_space<hbm>>
        tpu.wait_indirect_dma semaphore(%arg24 : memref<!tpu.dma_semaphore, #tpu.memory_space<semaphore_mem>>) src(%dma_wait3A_157 : memref<10000x128xf32, #tpu.memory_space<hbm>>) dst(%arg15 : memref<80x128xf32, #tpu.memory_space<vmem>>)
        %dma_start3A = arith.constant 0 : i32
        %dma_start3A_158 = arith.constant 0 : i32
        %dma_start3A_159 = tpu.memref_slice %arg19[%dma_start3A, %dma_start3A_158] : memref<10000x128xf32, #tpu.memory_space<vmem_shared>> -> memref<10000x128xf32, #tpu.memory_space<vmem_shared>>
        tpu.enqueue_indirect_dma source(%arg15 : memref<80x128xf32, #tpu.memory_space<vmem>>) target(%dma_start3A_159 : memref<10000x128xf32, #tpu.memory_space<vmem_shared>>) offsets(%arg11 : memref<80xi32, #tpu.memory_space<vmem>>) semaphore(%arg28 : memref<!tpu.dma_semaphore, #tpu.memory_space<semaphore_mem>>) {add = true}
      } else {
      }
      %ge3A_145 = arith.constant 1 : i32
      %ge3A_146 = arith.cmpi sge, %scan3A_22, %ge3A_145 : i32
      %convert_element_type3A_147 = arith.extui %ge3A_146 : i1 to i32
      %cond3A_148 = arith.constant 0 : i32
      %cond3A_149 = arith.cmpi ne, %convert_element_type3A_147, %cond3A_148 : i32
      scf.if %cond3A_149 {
        %dma_wait3A_155 = arith.constant 0 : i32
        %dma_wait3A_156 = arith.constant 0 : i32
        %dma_wait3A_157 = tpu.memref_slice %arg19[%dma_wait3A_155, %dma_wait3A_156] : memref<10000x128xf32, #tpu.memory_space<vmem_shared>> -> memref<10000x128xf32, #tpu.memory_space<vmem_shared>>
        tpu.wait_indirect_dma semaphore(%arg31 : memref<!tpu.dma_semaphore, #tpu.memory_space<semaphore_mem>>) src(%arg18 : memref<80x128xf32, #tpu.memory_space<vmem>>) dst(%dma_wait3A_157 : memref<10000x128xf32, #tpu.memory_space<vmem_shared>>)
      } else {
      }
      %lt3A_150 = arith.constant 125 : i32
      %lt3A_151 = arith.cmpi slt, %add3A_124, %lt3A_150 : i32
      %convert_element_type3A_152 = arith.extui %lt3A_151 : i1 to i32
      %cond3A_153 = arith.constant 0 : i32
      %cond3A_154 = arith.cmpi ne, %convert_element_type3A_152, %cond3A_153 : i32
      scf.if %cond3A_154 {
        %mul3A_155 = arith.constant 80 : i32
        %mul3A_156 = arith.muli %add3A_124, %mul3A_155 : i32
        %add3A_157 = arith.addi %add3A, %mul3A_156 : i32
        %dma_start3A = tpu.memref_slice %arg3[%add3A_157] : memref<320000xi32, #tpu.memory_space<hbm>> -> memref<80xi32, #tpu.memory_space<hbm>>
        %dma_start3A_158 = tpu.memref_slice %arg3[%add3A_157] : memref<320000xi32, #tpu.memory_space<hbm>> -> memref<80xi32, #tpu.memory_space<hbm>>
        tpu.enqueue_dma source(%dma_start3A_158 : memref<80xi32, #tpu.memory_space<hbm>>) target(%arg10 : memref<80xi32, #tpu.memory_space<vmem>>) target_semaphore(%arg23 : memref<!tpu.dma_semaphore, #tpu.memory_space<semaphore_mem>>)
        %dma_start3A_159 = tpu.memref_slice %arg4[%add3A_157] : memref<320000xi32, #tpu.memory_space<hbm>> -> memref<80xi32, #tpu.memory_space<hbm>>
        %dma_start3A_160 = tpu.memref_slice %arg4[%add3A_157] : memref<320000xi32, #tpu.memory_space<hbm>> -> memref<80xi32, #tpu.memory_space<hbm>>
        tpu.enqueue_dma source(%dma_start3A_160 : memref<80xi32, #tpu.memory_space<hbm>>) target(%arg14 : memref<80xi32, #tpu.memory_space<vmem>>) target_semaphore(%arg23 : memref<!tpu.dma_semaphore, #tpu.memory_space<semaphore_mem>>)
      } else {
      }
    }
    %scan3A_11 = arith.constant 32 : i32
    %dma_wait3A = arith.constant 0 : i32
    %dma_wait3A_12 = arith.constant 0 : i32
    %dma_wait3A_13 = tpu.memref_slice %arg19[%dma_wait3A, %dma_wait3A_12] : memref<10000x128xf32, #tpu.memory_space<vmem_shared>> -> memref<10000x128xf32, #tpu.memory_space<vmem_shared>>
    tpu.wait_indirect_dma semaphore(%arg28 : memref<!tpu.dma_semaphore, #tpu.memory_space<semaphore_mem>>) src(%arg15 : memref<80x128xf32, #tpu.memory_space<vmem>>) dst(%dma_wait3A_13 : memref<10000x128xf32, #tpu.memory_space<vmem_shared>>)
    %barrier3A_14 = arith.constant 0 : index
    tpu.barrier barrier_id(%barrier3A_14)
    %mul3A_15 = arith.constant 624 : i32
    %mul3A_16 = arith.muli %arg1, %mul3A_15 : i32
    "tpu.region"() ({
      %run_scoped3A = tpu.sem_alloc : memref<!tpu.dma_semaphore, #tpu.memory_space<semaphore_mem>>
      %dma_start3A = arith.constant 0 : i32
      %dma_start3A_22 = tpu.memref_slice %arg6[%arg0, %mul3A_16, %dma_start3A] : memref<2x10000x128xf32, #tpu.memory_space<hbm>> -> memref<1x624x128xf32, #tpu.memory_space<hbm>>
      %dma_start3A_23 = tpu.memref_squeeze %dma_start3A_22 : memref<1x624x128xf32, #tpu.memory_space<hbm>> -> memref<624x128xf32, #tpu.memory_space<hbm>>
      %dma_start3A_24 = arith.constant 0 : i32
      %dma_start3A_25 = tpu.memref_slice %arg19[%mul3A_16, %dma_start3A_24] : memref<10000x128xf32, #tpu.memory_space<vmem_shared>> -> memref<624x128xf32, #tpu.memory_space<vmem_shared>>
      tpu.enqueue_dma source(%dma_start3A_25 : memref<624x128xf32, #tpu.memory_space<vmem_shared>>) target(%dma_start3A_23 : memref<624x128xf32, #tpu.memory_space<hbm>>) target_semaphore(%run_scoped3A : memref<!tpu.dma_semaphore, #tpu.memory_space<semaphore_mem>>)
      %dma_wait3A_26 = arith.constant 0 : i32
      %dma_wait3A_27 = tpu.memref_slice %arg6[%arg0, %mul3A_16, %dma_wait3A_26] : memref<2x10000x128xf32, #tpu.memory_space<hbm>> -> memref<1x624x128xf32, #tpu.memory_space<hbm>>
      %dma_wait3A_28 = tpu.memref_squeeze %dma_wait3A_27 : memref<1x624x128xf32, #tpu.memory_space<hbm>> -> memref<624x128xf32, #tpu.memory_space<hbm>>
      %dma_wait3A_29 = arith.constant 0 : i32
      %dma_wait3A_30 = tpu.memref_slice %arg19[%mul3A_16, %dma_wait3A_29] : memref<10000x128xf32, #tpu.memory_space<vmem_shared>> -> memref<624x128xf32, #tpu.memory_space<vmem_shared>>
      tpu.wait_dma2 semaphore(%run_scoped3A : memref<!tpu.dma_semaphore, #tpu.memory_space<semaphore_mem>>) src(%dma_wait3A_30 : memref<624x128xf32, #tpu.memory_space<vmem_shared>>) dst(%dma_wait3A_28 : memref<624x128xf32, #tpu.memory_space<hbm>>)
      tpu.yield
    }) : () -> ()
    %eq3A_17 = arith.constant 15 : i32
    %eq3A_18 = arith.cmpi eq, %arg1, %eq3A_17 : i32
    %convert_element_type3A_19 = arith.extui %eq3A_18 : i1 to i32
    %cond3A_20 = arith.constant 0 : i32
    %cond3A_21 = arith.cmpi ne, %convert_element_type3A_19, %cond3A_20 : i32
    scf.if %cond3A_21 {
      "tpu.region"() ({
        %run_scoped3A = tpu.sem_alloc : memref<!tpu.dma_semaphore, #tpu.memory_space<semaphore_mem>>
        %dma_start3A = arith.constant 9984 : i32
        %dma_start3A_22 = arith.constant 0 : i32
        %dma_start3A_23 = tpu.memref_slice %arg6[%arg0, %dma_start3A, %dma_start3A_22] : memref<2x10000x128xf32, #tpu.memory_space<hbm>> -> memref<1x16x128xf32, #tpu.memory_space<hbm>>
        %dma_start3A_24 = tpu.memref_squeeze %dma_start3A_23 : memref<1x16x128xf32, #tpu.memory_space<hbm>> -> memref<16x128xf32, #tpu.memory_space<hbm>>
        %dma_start3A_25 = arith.constant 9984 : i32
        %dma_start3A_26 = arith.constant 0 : i32
        %dma_start3A_27 = tpu.memref_slice %arg19[%dma_start3A_25, %dma_start3A_26] : memref<10000x128xf32, #tpu.memory_space<vmem_shared>> -> memref<16x128xf32, #tpu.memory_space<vmem_shared>>
        tpu.enqueue_dma source(%dma_start3A_27 : memref<16x128xf32, #tpu.memory_space<vmem_shared>>) target(%dma_start3A_24 : memref<16x128xf32, #tpu.memory_space<hbm>>) target_semaphore(%run_scoped3A : memref<!tpu.dma_semaphore, #tpu.memory_space<semaphore_mem>>)
        %dma_wait3A_28 = arith.constant 9984 : i32
        %dma_wait3A_29 = arith.constant 0 : i32
        %dma_wait3A_30 = tpu.memref_slice %arg6[%arg0, %dma_wait3A_28, %dma_wait3A_29] : memref<2x10000x128xf32, #tpu.memory_space<hbm>> -> memref<1x16x128xf32, #tpu.memory_space<hbm>>
        %dma_wait3A_31 = tpu.memref_squeeze %dma_wait3A_30 : memref<1x16x128xf32, #tpu.memory_space<hbm>> -> memref<16x128xf32, #tpu.memory_space<hbm>>
        %dma_wait3A_32 = arith.constant 9984 : i32
        %dma_wait3A_33 = arith.constant 0 : i32
        %dma_wait3A_34 = tpu.memref_slice %arg19[%dma_wait3A_32, %dma_wait3A_33] : memref<10000x128xf32, #tpu.memory_space<vmem_shared>> -> memref<16x128xf32, #tpu.memory_space<vmem_shared>>
        tpu.wait_dma2 semaphore(%run_scoped3A : memref<!tpu.dma_semaphore, #tpu.memory_space<semaphore_mem>>) src(%dma_wait3A_34 : memref<16x128xf32, #tpu.memory_space<vmem_shared>>) dst(%dma_wait3A_31 : memref<16x128xf32, #tpu.memory_space<hbm>>)
        tpu.yield
      }) : () -> ()
    } else {
    }
    return
  }
}

#map = affine_map<(d0, d1) -> (0)>
#map1 = affine_map<(d0, d1) -> (0, 0)>
#map2 = affine_map<(d0, d1) -> (0, 0, 0)>
module attributes {stable_mosaic.version = 14 : i64} {
  func.func @_deg_body(%arg0: i32, %arg1: i32, %arg2: memref<320000xi32, #tpu.memory_space<hbm>>, %arg3: memref<10000x128xf32, #tpu.memory_space<hbm>>, %arg4: memref<80x128xf32, #tpu.memory_space<hbm>>, %arg5: memref<2x10000x128xf32, #tpu.memory_space<hbm>>, %arg6: memref<80xi32, #tpu.memory_space<vmem>>, %arg7: memref<80xi32, #tpu.memory_space<vmem>>, %arg8: memref<80x128xf32, #tpu.memory_space<vmem>>, %arg9: memref<10000x128xf32, #tpu.memory_space<vmem_shared>>, %arg10: memref<!tpu.dma_semaphore, #tpu.memory_space<semaphore_mem>>, %arg11: memref<!tpu.dma_semaphore, #tpu.memory_space<semaphore_mem>>, %arg12: memref<!tpu.dma_semaphore, #tpu.memory_space<semaphore_mem>>, %arg13: memref<!tpu.dma_semaphore, #tpu.memory_space<semaphore_mem>>) attributes {dimension_semantics = [#tpu.dimension_semantics<core_parallel>, #tpu.dimension_semantics<subcore_parallel>], iteration_bounds = array<i64: 2, 16>, scalar_prefetch = 0 : i64, scratch_operands = 8 : i64, tpu.core_type = #tpu.core_type<sc_vector_subcore>, window_params = [{transform_indices = #map}, {transform_indices = #map1}, {transform_indices = #map1}, {transform_indices = #map2}]} {
    %mul3A = arith.constant 624 : i32
    %mul3A_0 = arith.muli %arg1, %mul3A : i32
    "tpu.region"() ({
      %run_scoped3A = tpu.sem_alloc : memref<!tpu.dma_semaphore, #tpu.memory_space<semaphore_mem>>
      %dma_start3A = arith.constant 0 : i32
      %dma_start3A_22 = tpu.memref_slice %arg9[%mul3A_0, %dma_start3A] : memref<10000x128xf32, #tpu.memory_space<vmem_shared>> -> memref<624x128xf32, #tpu.memory_space<vmem_shared>>
      %dma_start3A_23 = arith.constant 0 : i32
      %dma_start3A_24 = tpu.memref_slice %arg3[%mul3A_0, %dma_start3A_23] : memref<10000x128xf32, #tpu.memory_space<hbm>> -> memref<624x128xf32, #tpu.memory_space<hbm>>
      tpu.enqueue_dma source(%dma_start3A_24 : memref<624x128xf32, #tpu.memory_space<hbm>>) target(%dma_start3A_22 : memref<624x128xf32, #tpu.memory_space<vmem_shared>>) target_semaphore(%run_scoped3A : memref<!tpu.dma_semaphore, #tpu.memory_space<semaphore_mem>>)
      %dma_wait3A_25 = arith.constant 0 : i32
      %dma_wait3A_26 = tpu.memref_slice %arg9[%mul3A_0, %dma_wait3A_25] : memref<10000x128xf32, #tpu.memory_space<vmem_shared>> -> memref<624x128xf32, #tpu.memory_space<vmem_shared>>
      %dma_wait3A_27 = arith.constant 0 : i32
      %dma_wait3A_28 = tpu.memref_slice %arg3[%mul3A_0, %dma_wait3A_27] : memref<10000x128xf32, #tpu.memory_space<hbm>> -> memref<624x128xf32, #tpu.memory_space<hbm>>
      tpu.wait_dma2 semaphore(%run_scoped3A : memref<!tpu.dma_semaphore, #tpu.memory_space<semaphore_mem>>) src(%dma_wait3A_28 : memref<624x128xf32, #tpu.memory_space<hbm>>) dst(%dma_wait3A_26 : memref<624x128xf32, #tpu.memory_space<vmem_shared>>)
      tpu.yield
    }) : () -> ()
    %eq3A = arith.constant 15 : i32
    %eq3A_1 = arith.cmpi eq, %arg1, %eq3A : i32
    %convert_element_type3A = arith.extui %eq3A_1 : i1 to i32
    %cond3A = arith.constant 0 : i32
    %cond3A_2 = arith.cmpi ne, %convert_element_type3A, %cond3A : i32
    scf.if %cond3A_2 {
      "tpu.region"() ({
        %run_scoped3A = tpu.sem_alloc : memref<!tpu.dma_semaphore, #tpu.memory_space<semaphore_mem>>
        %dma_start3A = arith.constant 9984 : i32
        %dma_start3A_22 = arith.constant 0 : i32
        %dma_start3A_23 = tpu.memref_slice %arg9[%dma_start3A, %dma_start3A_22] : memref<10000x128xf32, #tpu.memory_space<vmem_shared>> -> memref<16x128xf32, #tpu.memory_space<vmem_shared>>
        %dma_start3A_24 = arith.constant 9984 : i32
        %dma_start3A_25 = arith.constant 0 : i32
        %dma_start3A_26 = tpu.memref_slice %arg3[%dma_start3A_24, %dma_start3A_25] : memref<10000x128xf32, #tpu.memory_space<hbm>> -> memref<16x128xf32, #tpu.memory_space<hbm>>
        tpu.enqueue_dma source(%dma_start3A_26 : memref<16x128xf32, #tpu.memory_space<hbm>>) target(%dma_start3A_23 : memref<16x128xf32, #tpu.memory_space<vmem_shared>>) target_semaphore(%run_scoped3A : memref<!tpu.dma_semaphore, #tpu.memory_space<semaphore_mem>>)
        %dma_wait3A_27 = arith.constant 9984 : i32
        %dma_wait3A_28 = arith.constant 0 : i32
        %dma_wait3A_29 = tpu.memref_slice %arg9[%dma_wait3A_27, %dma_wait3A_28] : memref<10000x128xf32, #tpu.memory_space<vmem_shared>> -> memref<16x128xf32, #tpu.memory_space<vmem_shared>>
        %dma_wait3A_30 = arith.constant 9984 : i32
        %dma_wait3A_31 = arith.constant 0 : i32
        %dma_wait3A_32 = tpu.memref_slice %arg3[%dma_wait3A_30, %dma_wait3A_31] : memref<10000x128xf32, #tpu.memory_space<hbm>> -> memref<16x128xf32, #tpu.memory_space<hbm>>
        tpu.wait_dma2 semaphore(%run_scoped3A : memref<!tpu.dma_semaphore, #tpu.memory_space<semaphore_mem>>) src(%dma_wait3A_32 : memref<16x128xf32, #tpu.memory_space<hbm>>) dst(%dma_wait3A_29 : memref<16x128xf32, #tpu.memory_space<vmem_shared>>)
        tpu.yield
      }) : () -> ()
    } else {
    }
    "tpu.region"() ({
      %run_scoped3A = tpu.sem_alloc : memref<!tpu.dma_semaphore, #tpu.memory_space<semaphore_mem>>
      tpu.enqueue_dma source(%arg4 : memref<80x128xf32, #tpu.memory_space<hbm>>) target(%arg8 : memref<80x128xf32, #tpu.memory_space<vmem>>) target_semaphore(%run_scoped3A : memref<!tpu.dma_semaphore, #tpu.memory_space<semaphore_mem>>)
      tpu.wait_dma2 semaphore(%run_scoped3A : memref<!tpu.dma_semaphore, #tpu.memory_space<semaphore_mem>>) src(%arg4 : memref<80x128xf32, #tpu.memory_space<hbm>>) dst(%arg8 : memref<80x128xf32, #tpu.memory_space<vmem>>)
      tpu.yield
    }) : () -> ()
    %barrier3A = arith.constant 0 : index
    tpu.barrier barrier_id(%barrier3A)
    %mul3A_3 = arith.constant 160000 : i32
    %mul3A_4 = arith.muli %arg0, %mul3A_3 : i32
    %mul3A_5 = arith.constant 10000 : i32
    %mul3A_6 = arith.muli %arg1, %mul3A_5 : i32
    %add3A = arith.addi %mul3A_4, %mul3A_6 : i32
    %scan3A = arith.constant 0 : i32
    %scan3A_7 = arith.constant 0 : i32
    %scan3A_8 = arith.constant 63 : i32
    %scan3A_9 = arith.addi %scan3A_7, %scan3A_8 : i32
    %scan3A_10 = arith.constant 1 : i32
    scf.for %scan3A_22 = %scan3A_7 to %scan3A_9 step %scan3A_10  : i32 {
      %mul3A_23 = arith.constant 2 : i32
      %mul3A_24 = arith.muli %mul3A_23, %scan3A_22 : i32
      %ge3A = arith.constant 1 : i32
      %ge3A_25 = arith.cmpi sge, %mul3A_24, %ge3A : i32
      %sub3A = arith.constant 1 : i32
      %sub3A_26 = arith.subi %mul3A_24, %sub3A : i32
      %lt3A = arith.constant 125 : i32
      %lt3A_27 = arith.cmpi slt, %sub3A_26, %lt3A : i32
      %and3A = arith.andi %ge3A_25, %lt3A_27 : i1
      %convert_element_type3A_28 = arith.extui %and3A : i1 to i32
      %cond3A_29 = arith.constant 0 : i32
      %cond3A_30 = arith.cmpi ne, %convert_element_type3A_28, %cond3A_29 : i32
      scf.if %cond3A_30 {
        %sub3A_65 = arith.constant 1 : i32
        %sub3A_66 = arith.subi %mul3A_24, %sub3A_65 : i32
        %mul3A_67 = arith.constant 80 : i32
        %mul3A_68 = arith.muli %sub3A_66, %mul3A_67 : i32
        %add3A_69 = arith.addi %add3A, %mul3A_68 : i32
        %dma_wait3A_70 = tpu.memref_slice %arg2[%add3A_69] : memref<320000xi32, #tpu.memory_space<hbm>> -> memref<80xi32, #tpu.memory_space<hbm>>
        %dma_wait3A_71 = tpu.memref_slice %arg2[%add3A_69] : memref<320000xi32, #tpu.memory_space<hbm>> -> memref<80xi32, #tpu.memory_space<hbm>>
        tpu.wait_dma2 semaphore(%arg11 : memref<!tpu.dma_semaphore, #tpu.memory_space<semaphore_mem>>) src(%dma_wait3A_71 : memref<80xi32, #tpu.memory_space<hbm>>) dst(%arg7 : memref<80xi32, #tpu.memory_space<vmem>>)
        %dma_start3A = arith.constant 0 : i32
        %dma_start3A_72 = arith.constant 0 : i32
        %dma_start3A_73 = tpu.memref_slice %arg9[%dma_start3A, %dma_start3A_72] : memref<10000x128xf32, #tpu.memory_space<vmem_shared>> -> memref<10000x128xf32, #tpu.memory_space<vmem_shared>>
        tpu.enqueue_indirect_dma source(%arg8 : memref<80x128xf32, #tpu.memory_space<vmem>>) target(%dma_start3A_73 : memref<10000x128xf32, #tpu.memory_space<vmem_shared>>) offsets(%arg7 : memref<80xi32, #tpu.memory_space<vmem>>) semaphore(%arg13 : memref<!tpu.dma_semaphore, #tpu.memory_space<semaphore_mem>>) {add = true}
      } else {
      }
      %ge3A_31 = arith.constant 1 : i32
      %ge3A_32 = arith.cmpi sge, %scan3A_22, %ge3A_31 : i32
      %convert_element_type3A_33 = arith.extui %ge3A_32 : i1 to i32
      %cond3A_34 = arith.constant 0 : i32
      %cond3A_35 = arith.cmpi ne, %convert_element_type3A_33, %cond3A_34 : i32
      scf.if %cond3A_35 {
        %dma_wait3A_65 = arith.constant 0 : i32
        %dma_wait3A_66 = arith.constant 0 : i32
        %dma_wait3A_67 = tpu.memref_slice %arg9[%dma_wait3A_65, %dma_wait3A_66] : memref<10000x128xf32, #tpu.memory_space<vmem_shared>> -> memref<10000x128xf32, #tpu.memory_space<vmem_shared>>
        tpu.wait_indirect_dma semaphore(%arg12 : memref<!tpu.dma_semaphore, #tpu.memory_space<semaphore_mem>>) src(%arg8 : memref<80x128xf32, #tpu.memory_space<vmem>>) dst(%dma_wait3A_67 : memref<10000x128xf32, #tpu.memory_space<vmem_shared>>)
      } else {
      }
      %lt3A_36 = arith.constant 125 : i32
      %lt3A_37 = arith.cmpi slt, %mul3A_24, %lt3A_36 : i32
      %convert_element_type3A_38 = arith.extui %lt3A_37 : i1 to i32
      %cond3A_39 = arith.constant 0 : i32
      %cond3A_40 = arith.cmpi ne, %convert_element_type3A_38, %cond3A_39 : i32
      scf.if %cond3A_40 {
        %mul3A_65 = arith.constant 80 : i32
        %mul3A_66 = arith.muli %mul3A_24, %mul3A_65 : i32
        %add3A_67 = arith.addi %add3A, %mul3A_66 : i32
        %dma_start3A = tpu.memref_slice %arg2[%add3A_67] : memref<320000xi32, #tpu.memory_space<hbm>> -> memref<80xi32, #tpu.memory_space<hbm>>
        %dma_start3A_68 = tpu.memref_slice %arg2[%add3A_67] : memref<320000xi32, #tpu.memory_space<hbm>> -> memref<80xi32, #tpu.memory_space<hbm>>
        tpu.enqueue_dma source(%dma_start3A_68 : memref<80xi32, #tpu.memory_space<hbm>>) target(%arg6 : memref<80xi32, #tpu.memory_space<vmem>>) target_semaphore(%arg10 : memref<!tpu.dma_semaphore, #tpu.memory_space<semaphore_mem>>)
      } else {
      }
      %mul3A_41 = arith.constant 2 : i32
      %mul3A_42 = arith.muli %mul3A_41, %scan3A_22 : i32
      %add3A_43 = arith.constant 1 : i32
      %add3A_44 = arith.addi %mul3A_42, %add3A_43 : i32
      %ge3A_45 = arith.constant 1 : i32
      %ge3A_46 = arith.cmpi sge, %add3A_44, %ge3A_45 : i32
      %sub3A_47 = arith.constant 1 : i32
      %sub3A_48 = arith.subi %add3A_44, %sub3A_47 : i32
      %lt3A_49 = arith.constant 125 : i32
      %lt3A_50 = arith.cmpi slt, %sub3A_48, %lt3A_49 : i32
      %and3A_51 = arith.andi %ge3A_46, %lt3A_50 : i1
      %convert_element_type3A_52 = arith.extui %and3A_51 : i1 to i32
      %cond3A_53 = arith.constant 0 : i32
      %cond3A_54 = arith.cmpi ne, %convert_element_type3A_52, %cond3A_53 : i32
      scf.if %cond3A_54 {
        %sub3A_65 = arith.constant 1 : i32
        %sub3A_66 = arith.subi %add3A_44, %sub3A_65 : i32
        %mul3A_67 = arith.constant 80 : i32
        %mul3A_68 = arith.muli %sub3A_66, %mul3A_67 : i32
        %add3A_69 = arith.addi %add3A, %mul3A_68 : i32
        %dma_wait3A_70 = tpu.memref_slice %arg2[%add3A_69] : memref<320000xi32, #tpu.memory_space<hbm>> -> memref<80xi32, #tpu.memory_space<hbm>>
        %dma_wait3A_71 = tpu.memref_slice %arg2[%add3A_69] : memref<320000xi32, #tpu.memory_space<hbm>> -> memref<80xi32, #tpu.memory_space<hbm>>
        tpu.wait_dma2 semaphore(%arg10 : memref<!tpu.dma_semaphore, #tpu.memory_space<semaphore_mem>>) src(%dma_wait3A_71 : memref<80xi32, #tpu.memory_space<hbm>>) dst(%arg6 : memref<80xi32, #tpu.memory_space<vmem>>)
        %dma_start3A = arith.constant 0 : i32
        %dma_start3A_72 = arith.constant 0 : i32
        %dma_start3A_73 = tpu.memref_slice %arg9[%dma_start3A, %dma_start3A_72] : memref<10000x128xf32, #tpu.memory_space<vmem_shared>> -> memref<10000x128xf32, #tpu.memory_space<vmem_shared>>
        tpu.enqueue_indirect_dma source(%arg8 : memref<80x128xf32, #tpu.memory_space<vmem>>) target(%dma_start3A_73 : memref<10000x128xf32, #tpu.memory_space<vmem_shared>>) offsets(%arg6 : memref<80xi32, #tpu.memory_space<vmem>>) semaphore(%arg12 : memref<!tpu.dma_semaphore, #tpu.memory_space<semaphore_mem>>) {add = true}
      } else {
      }
      %ge3A_55 = arith.constant 1 : i32
      %ge3A_56 = arith.cmpi sge, %scan3A_22, %ge3A_55 : i32
      %convert_element_type3A_57 = arith.extui %ge3A_56 : i1 to i32
      %cond3A_58 = arith.constant 0 : i32
      %cond3A_59 = arith.cmpi ne, %convert_element_type3A_57, %cond3A_58 : i32
      scf.if %cond3A_59 {
        %dma_wait3A_65 = arith.constant 0 : i32
        %dma_wait3A_66 = arith.constant 0 : i32
        %dma_wait3A_67 = tpu.memref_slice %arg9[%dma_wait3A_65, %dma_wait3A_66] : memref<10000x128xf32, #tpu.memory_space<vmem_shared>> -> memref<10000x128xf32, #tpu.memory_space<vmem_shared>>
        tpu.wait_indirect_dma semaphore(%arg13 : memref<!tpu.dma_semaphore, #tpu.memory_space<semaphore_mem>>) src(%arg8 : memref<80x128xf32, #tpu.memory_space<vmem>>) dst(%dma_wait3A_67 : memref<10000x128xf32, #tpu.memory_space<vmem_shared>>)
      } else {
      }
      %lt3A_60 = arith.constant 125 : i32
      %lt3A_61 = arith.cmpi slt, %add3A_44, %lt3A_60 : i32
      %convert_element_type3A_62 = arith.extui %lt3A_61 : i1 to i32
      %cond3A_63 = arith.constant 0 : i32
      %cond3A_64 = arith.cmpi ne, %convert_element_type3A_62, %cond3A_63 : i32
      scf.if %cond3A_64 {
        %mul3A_65 = arith.constant 80 : i32
        %mul3A_66 = arith.muli %add3A_44, %mul3A_65 : i32
        %add3A_67 = arith.addi %add3A, %mul3A_66 : i32
        %dma_start3A = tpu.memref_slice %arg2[%add3A_67] : memref<320000xi32, #tpu.memory_space<hbm>> -> memref<80xi32, #tpu.memory_space<hbm>>
        %dma_start3A_68 = tpu.memref_slice %arg2[%add3A_67] : memref<320000xi32, #tpu.memory_space<hbm>> -> memref<80xi32, #tpu.memory_space<hbm>>
        tpu.enqueue_dma source(%dma_start3A_68 : memref<80xi32, #tpu.memory_space<hbm>>) target(%arg7 : memref<80xi32, #tpu.memory_space<vmem>>) target_semaphore(%arg11 : memref<!tpu.dma_semaphore, #tpu.memory_space<semaphore_mem>>)
      } else {
      }
    }
    %scan3A_11 = arith.constant 63 : i32
    %dma_wait3A = arith.constant 0 : i32
    %dma_wait3A_12 = arith.constant 0 : i32
    %dma_wait3A_13 = tpu.memref_slice %arg9[%dma_wait3A, %dma_wait3A_12] : memref<10000x128xf32, #tpu.memory_space<vmem_shared>> -> memref<10000x128xf32, #tpu.memory_space<vmem_shared>>
    tpu.wait_indirect_dma semaphore(%arg12 : memref<!tpu.dma_semaphore, #tpu.memory_space<semaphore_mem>>) src(%arg8 : memref<80x128xf32, #tpu.memory_space<vmem>>) dst(%dma_wait3A_13 : memref<10000x128xf32, #tpu.memory_space<vmem_shared>>)
    %barrier3A_14 = arith.constant 0 : index
    tpu.barrier barrier_id(%barrier3A_14)
    %mul3A_15 = arith.constant 624 : i32
    %mul3A_16 = arith.muli %arg1, %mul3A_15 : i32
    "tpu.region"() ({
      %run_scoped3A = tpu.sem_alloc : memref<!tpu.dma_semaphore, #tpu.memory_space<semaphore_mem>>
      %dma_start3A = arith.constant 0 : i32
      %dma_start3A_22 = tpu.memref_slice %arg5[%arg0, %mul3A_16, %dma_start3A] : memref<2x10000x128xf32, #tpu.memory_space<hbm>> -> memref<1x624x128xf32, #tpu.memory_space<hbm>>
      %dma_start3A_23 = tpu.memref_squeeze %dma_start3A_22 : memref<1x624x128xf32, #tpu.memory_space<hbm>> -> memref<624x128xf32, #tpu.memory_space<hbm>>
      %dma_start3A_24 = arith.constant 0 : i32
      %dma_start3A_25 = tpu.memref_slice %arg9[%mul3A_16, %dma_start3A_24] : memref<10000x128xf32, #tpu.memory_space<vmem_shared>> -> memref<624x128xf32, #tpu.memory_space<vmem_shared>>
      tpu.enqueue_dma source(%dma_start3A_25 : memref<624x128xf32, #tpu.memory_space<vmem_shared>>) target(%dma_start3A_23 : memref<624x128xf32, #tpu.memory_space<hbm>>) target_semaphore(%run_scoped3A : memref<!tpu.dma_semaphore, #tpu.memory_space<semaphore_mem>>)
      %dma_wait3A_26 = arith.constant 0 : i32
      %dma_wait3A_27 = tpu.memref_slice %arg5[%arg0, %mul3A_16, %dma_wait3A_26] : memref<2x10000x128xf32, #tpu.memory_space<hbm>> -> memref<1x624x128xf32, #tpu.memory_space<hbm>>
      %dma_wait3A_28 = tpu.memref_squeeze %dma_wait3A_27 : memref<1x624x128xf32, #tpu.memory_space<hbm>> -> memref<624x128xf32, #tpu.memory_space<hbm>>
      %dma_wait3A_29 = arith.constant 0 : i32
      %dma_wait3A_30 = tpu.memref_slice %arg9[%mul3A_16, %dma_wait3A_29] : memref<10000x128xf32, #tpu.memory_space<vmem_shared>> -> memref<624x128xf32, #tpu.memory_space<vmem_shared>>
      tpu.wait_dma2 semaphore(%run_scoped3A : memref<!tpu.dma_semaphore, #tpu.memory_space<semaphore_mem>>) src(%dma_wait3A_30 : memref<624x128xf32, #tpu.memory_space<vmem_shared>>) dst(%dma_wait3A_28 : memref<624x128xf32, #tpu.memory_space<hbm>>)
      tpu.yield
    }) : () -> ()
    %eq3A_17 = arith.constant 15 : i32
    %eq3A_18 = arith.cmpi eq, %arg1, %eq3A_17 : i32
    %convert_element_type3A_19 = arith.extui %eq3A_18 : i1 to i32
    %cond3A_20 = arith.constant 0 : i32
    %cond3A_21 = arith.cmpi ne, %convert_element_type3A_19, %cond3A_20 : i32
    scf.if %cond3A_21 {
      "tpu.region"() ({
        %run_scoped3A = tpu.sem_alloc : memref<!tpu.dma_semaphore, #tpu.memory_space<semaphore_mem>>
        %dma_start3A = arith.constant 9984 : i32
        %dma_start3A_22 = arith.constant 0 : i32
        %dma_start3A_23 = tpu.memref_slice %arg5[%arg0, %dma_start3A, %dma_start3A_22] : memref<2x10000x128xf32, #tpu.memory_space<hbm>> -> memref<1x16x128xf32, #tpu.memory_space<hbm>>
        %dma_start3A_24 = tpu.memref_squeeze %dma_start3A_23 : memref<1x16x128xf32, #tpu.memory_space<hbm>> -> memref<16x128xf32, #tpu.memory_space<hbm>>
        %dma_start3A_25 = arith.constant 9984 : i32
        %dma_start3A_26 = arith.constant 0 : i32
        %dma_start3A_27 = tpu.memref_slice %arg9[%dma_start3A_25, %dma_start3A_26] : memref<10000x128xf32, #tpu.memory_space<vmem_shared>> -> memref<16x128xf32, #tpu.memory_space<vmem_shared>>
        tpu.enqueue_dma source(%dma_start3A_27 : memref<16x128xf32, #tpu.memory_space<vmem_shared>>) target(%dma_start3A_24 : memref<16x128xf32, #tpu.memory_space<hbm>>) target_semaphore(%run_scoped3A : memref<!tpu.dma_semaphore, #tpu.memory_space<semaphore_mem>>)
        %dma_wait3A_28 = arith.constant 9984 : i32
        %dma_wait3A_29 = arith.constant 0 : i32
        %dma_wait3A_30 = tpu.memref_slice %arg5[%arg0, %dma_wait3A_28, %dma_wait3A_29] : memref<2x10000x128xf32, #tpu.memory_space<hbm>> -> memref<1x16x128xf32, #tpu.memory_space<hbm>>
        %dma_wait3A_31 = tpu.memref_squeeze %dma_wait3A_30 : memref<1x16x128xf32, #tpu.memory_space<hbm>> -> memref<16x128xf32, #tpu.memory_space<hbm>>
        %dma_wait3A_32 = arith.constant 9984 : i32
        %dma_wait3A_33 = arith.constant 0 : i32
        %dma_wait3A_34 = tpu.memref_slice %arg9[%dma_wait3A_32, %dma_wait3A_33] : memref<10000x128xf32, #tpu.memory_space<vmem_shared>> -> memref<16x128xf32, #tpu.memory_space<vmem_shared>>
        tpu.wait_dma2 semaphore(%run_scoped3A : memref<!tpu.dma_semaphore, #tpu.memory_space<semaphore_mem>>) src(%dma_wait3A_34 : memref<16x128xf32, #tpu.memory_space<vmem_shared>>) dst(%dma_wait3A_31 : memref<16x128xf32, #tpu.memory_space<hbm>>)
        tpu.yield
      }) : () -> ()
    } else {
    }
    return
  }
}

#map = affine_map<(d0, d1) -> (0, 0)>
#map1 = affine_map<(d0, d1) -> (0)>
#map2 = affine_map<(d0, d1) -> (0, 0, 0)>
module attributes {stable_mosaic.version = 14 : i64} {
  func.func @_edge_body(%arg0: i32, %arg1: i32, %arg2: memref<10000x128xf32, #tpu.memory_space<hbm>>, %arg3: memref<320000xi32, #tpu.memory_space<hbm>>, %arg4: memref<320000xi32, #tpu.memory_space<hbm>>, %arg5: memref<10000x128xf32, #tpu.memory_space<hbm>>, %arg6: memref<2x10000x128xf32, #tpu.memory_space<hbm>>, %arg7: memref<80xi32, #tpu.memory_space<vmem>>, %arg8: memref<80xi32, #tpu.memory_space<vmem>>, %arg9: memref<80xi32, #tpu.memory_space<vmem>>, %arg10: memref<80xi32, #tpu.memory_space<vmem>>, %arg11: memref<80xi32, #tpu.memory_space<vmem>>, %arg12: memref<80xi32, #tpu.memory_space<vmem>>, %arg13: memref<80xi32, #tpu.memory_space<vmem>>, %arg14: memref<80xi32, #tpu.memory_space<vmem>>, %arg15: memref<80x128xf32, #tpu.memory_space<vmem>>, %arg16: memref<80x128xf32, #tpu.memory_space<vmem>>, %arg17: memref<80x128xf32, #tpu.memory_space<vmem>>, %arg18: memref<80x128xf32, #tpu.memory_space<vmem>>, %arg19: memref<10000x128xf32, #tpu.memory_space<vmem_shared>>, %arg20: memref<!tpu.dma_semaphore, #tpu.memory_space<semaphore_mem>>, %arg21: memref<!tpu.dma_semaphore, #tpu.memory_space<semaphore_mem>>, %arg22: memref<!tpu.dma_semaphore, #tpu.memory_space<semaphore_mem>>, %arg23: memref<!tpu.dma_semaphore, #tpu.memory_space<semaphore_mem>>, %arg24: memref<!tpu.dma_semaphore, #tpu.memory_space<semaphore_mem>>, %arg25: memref<!tpu.dma_semaphore, #tpu.memory_space<semaphore_mem>>, %arg26: memref<!tpu.dma_semaphore, #tpu.memory_space<semaphore_mem>>, %arg27: memref<!tpu.dma_semaphore, #tpu.memory_space<semaphore_mem>>, %arg28: memref<!tpu.dma_semaphore, #tpu.memory_space<semaphore_mem>>, %arg29: memref<!tpu.dma_semaphore, #tpu.memory_space<semaphore_mem>>, %arg30: memref<!tpu.dma_semaphore, #tpu.memory_space<semaphore_mem>>, %arg31: memref<!tpu.dma_semaphore, #tpu.memory_space<semaphore_mem>>) attributes {dimension_semantics = [#tpu.dimension_semantics<core_parallel>, #tpu.dimension_semantics<subcore_parallel>], iteration_bounds = array<i64: 2, 16>, scalar_prefetch = 0 : i64, scratch_operands = 25 : i64, tpu.core_type = #tpu.core_type<sc_vector_subcore>, window_params = [{transform_indices = #map}, {transform_indices = #map1}, {transform_indices = #map1}, {transform_indices = #map}, {transform_indices = #map2}]} {
    %mul3A = arith.constant 624 : i32
    %mul3A_0 = arith.muli %arg1, %mul3A : i32
    "tpu.region"() ({
      %run_scoped3A = tpu.sem_alloc : memref<!tpu.dma_semaphore, #tpu.memory_space<semaphore_mem>>
      %dma_start3A = arith.constant 0 : i32
      %dma_start3A_22 = tpu.memref_slice %arg19[%mul3A_0, %dma_start3A] : memref<10000x128xf32, #tpu.memory_space<vmem_shared>> -> memref<624x128xf32, #tpu.memory_space<vmem_shared>>
      %dma_start3A_23 = arith.constant 0 : i32
      %dma_start3A_24 = tpu.memref_slice %arg5[%mul3A_0, %dma_start3A_23] : memref<10000x128xf32, #tpu.memory_space<hbm>> -> memref<624x128xf32, #tpu.memory_space<hbm>>
      tpu.enqueue_dma source(%dma_start3A_24 : memref<624x128xf32, #tpu.memory_space<hbm>>) target(%dma_start3A_22 : memref<624x128xf32, #tpu.memory_space<vmem_shared>>) target_semaphore(%run_scoped3A : memref<!tpu.dma_semaphore, #tpu.memory_space<semaphore_mem>>)
      %dma_wait3A_25 = arith.constant 0 : i32
      %dma_wait3A_26 = tpu.memref_slice %arg19[%mul3A_0, %dma_wait3A_25] : memref<10000x128xf32, #tpu.memory_space<vmem_shared>> -> memref<624x128xf32, #tpu.memory_space<vmem_shared>>
      %dma_wait3A_27 = arith.constant 0 : i32
      %dma_wait3A_28 = tpu.memref_slice %arg5[%mul3A_0, %dma_wait3A_27] : memref<10000x128xf32, #tpu.memory_space<hbm>> -> memref<624x128xf32, #tpu.memory_space<hbm>>
      tpu.wait_dma2 semaphore(%run_scoped3A : memref<!tpu.dma_semaphore, #tpu.memory_space<semaphore_mem>>) src(%dma_wait3A_28 : memref<624x128xf32, #tpu.memory_space<hbm>>) dst(%dma_wait3A_26 : memref<624x128xf32, #tpu.memory_space<vmem_shared>>)
      tpu.yield
    }) : () -> ()
    %eq3A = arith.constant 15 : i32
    %eq3A_1 = arith.cmpi eq, %arg1, %eq3A : i32
    %convert_element_type3A = arith.extui %eq3A_1 : i1 to i32
    %cond3A = arith.constant 0 : i32
    %cond3A_2 = arith.cmpi ne, %convert_element_type3A, %cond3A : i32
    scf.if %cond3A_2 {
      "tpu.region"() ({
        %run_scoped3A = tpu.sem_alloc : memref<!tpu.dma_semaphore, #tpu.memory_space<semaphore_mem>>
        %dma_start3A = arith.constant 9984 : i32
        %dma_start3A_22 = arith.constant 0 : i32
        %dma_start3A_23 = tpu.memref_slice %arg19[%dma_start3A, %dma_start3A_22] : memref<10000x128xf32, #tpu.memory_space<vmem_shared>> -> memref<16x128xf32, #tpu.memory_space<vmem_shared>>
        %dma_start3A_24 = arith.constant 9984 : i32
        %dma_start3A_25 = arith.constant 0 : i32
        %dma_start3A_26 = tpu.memref_slice %arg5[%dma_start3A_24, %dma_start3A_25] : memref<10000x128xf32, #tpu.memory_space<hbm>> -> memref<16x128xf32, #tpu.memory_space<hbm>>
        tpu.enqueue_dma source(%dma_start3A_26 : memref<16x128xf32, #tpu.memory_space<hbm>>) target(%dma_start3A_23 : memref<16x128xf32, #tpu.memory_space<vmem_shared>>) target_semaphore(%run_scoped3A : memref<!tpu.dma_semaphore, #tpu.memory_space<semaphore_mem>>)
        %dma_wait3A_27 = arith.constant 9984 : i32
        %dma_wait3A_28 = arith.constant 0 : i32
        %dma_wait3A_29 = tpu.memref_slice %arg19[%dma_wait3A_27, %dma_wait3A_28] : memref<10000x128xf32, #tpu.memory_space<vmem_shared>> -> memref<16x128xf32, #tpu.memory_space<vmem_shared>>
        %dma_wait3A_30 = arith.constant 9984 : i32
        %dma_wait3A_31 = arith.constant 0 : i32
        %dma_wait3A_32 = tpu.memref_slice %arg5[%dma_wait3A_30, %dma_wait3A_31] : memref<10000x128xf32, #tpu.memory_space<hbm>> -> memref<16x128xf32, #tpu.memory_space<hbm>>
        tpu.wait_dma2 semaphore(%run_scoped3A : memref<!tpu.dma_semaphore, #tpu.memory_space<semaphore_mem>>) src(%dma_wait3A_32 : memref<16x128xf32, #tpu.memory_space<hbm>>) dst(%dma_wait3A_29 : memref<16x128xf32, #tpu.memory_space<vmem_shared>>)
        tpu.yield
      }) : () -> ()
    } else {
    }
    %barrier3A = arith.constant 0 : index
    tpu.barrier barrier_id(%barrier3A)
    %mul3A_3 = arith.constant 160000 : i32
    %mul3A_4 = arith.muli %arg0, %mul3A_3 : i32
    %mul3A_5 = arith.constant 10000 : i32
    %mul3A_6 = arith.muli %arg1, %mul3A_5 : i32
    %add3A = arith.addi %mul3A_4, %mul3A_6 : i32
    %scan3A = arith.constant 0 : i32
    %scan3A_7 = arith.constant 0 : i32
    %scan3A_8 = arith.constant 32 : i32
    %scan3A_9 = arith.addi %scan3A_7, %scan3A_8 : i32
    %scan3A_10 = arith.constant 1 : i32
    scf.for %scan3A_22 = %scan3A_7 to %scan3A_9 step %scan3A_10  : i32 {
      %mul3A_23 = arith.constant 4 : i32
      %mul3A_24 = arith.muli %mul3A_23, %scan3A_22 : i32
      %add3A_25 = arith.constant 0 : i32
      %add3A_26 = arith.addi %mul3A_24, %add3A_25 : i32
      %ge3A = arith.constant 1 : i32
      %ge3A_27 = arith.cmpi sge, %add3A_26, %ge3A : i32
      %sub3A = arith.constant 1 : i32
      %sub3A_28 = arith.subi %add3A_26, %sub3A : i32
      %lt3A = arith.constant 125 : i32
      %lt3A_29 = arith.cmpi slt, %sub3A_28, %lt3A : i32
      %and3A = arith.andi %ge3A_27, %lt3A_29 : i1
      %convert_element_type3A_30 = arith.extui %and3A : i1 to i32
      %cond3A_31 = arith.constant 0 : i32
      %cond3A_32 = arith.cmpi ne, %convert_element_type3A_30, %cond3A_31 : i32
      scf.if %cond3A_32 {
        %sub3A_155 = arith.constant 1 : i32
        %sub3A_156 = arith.subi %add3A_26, %sub3A_155 : i32
        %mul3A_157 = arith.constant 80 : i32
        %mul3A_158 = arith.muli %sub3A_156, %mul3A_157 : i32
        %add3A_159 = arith.addi %add3A, %mul3A_158 : i32
        %dma_wait3A_160 = tpu.memref_slice %arg3[%add3A_159] : memref<320000xi32, #tpu.memory_space<hbm>> -> memref<80xi32, #tpu.memory_space<hbm>>
        %dma_wait3A_161 = tpu.memref_slice %arg3[%add3A_159] : memref<320000xi32, #tpu.memory_space<hbm>> -> memref<80xi32, #tpu.memory_space<hbm>>
        tpu.wait_dma2 semaphore(%arg23 : memref<!tpu.dma_semaphore, #tpu.memory_space<semaphore_mem>>) src(%dma_wait3A_161 : memref<80xi32, #tpu.memory_space<hbm>>) dst(%arg10 : memref<80xi32, #tpu.memory_space<vmem>>)
        %dma_wait3A_162 = tpu.memref_slice %arg4[%add3A_159] : memref<320000xi32, #tpu.memory_space<hbm>> -> memref<80xi32, #tpu.memory_space<hbm>>
        %dma_wait3A_163 = tpu.memref_slice %arg4[%add3A_159] : memref<320000xi32, #tpu.memory_space<hbm>> -> memref<80xi32, #tpu.memory_space<hbm>>
        tpu.wait_dma2 semaphore(%arg23 : memref<!tpu.dma_semaphore, #tpu.memory_space<semaphore_mem>>) src(%dma_wait3A_163 : memref<80xi32, #tpu.memory_space<hbm>>) dst(%arg14 : memref<80xi32, #tpu.memory_space<vmem>>)
        %dma_start3A = arith.constant 0 : i32
        %dma_start3A_164 = arith.constant 0 : i32
        %dma_start3A_165 = tpu.memref_slice %arg2[%dma_start3A, %dma_start3A_164] : memref<10000x128xf32, #tpu.memory_space<hbm>> -> memref<10000x128xf32, #tpu.memory_space<hbm>>
        tpu.enqueue_indirect_dma source(%dma_start3A_165 : memref<10000x128xf32, #tpu.memory_space<hbm>>) target(%arg18 : memref<80x128xf32, #tpu.memory_space<vmem>>) offsets(%arg10 : memref<80xi32, #tpu.memory_space<vmem>>) semaphore(%arg27 : memref<!tpu.dma_semaphore, #tpu.memory_space<semaphore_mem>>)
      } else {
      }
      %ge3A_33 = arith.constant 3 : i32
      %ge3A_34 = arith.cmpi sge, %add3A_26, %ge3A_33 : i32
      %sub3A_35 = arith.constant 3 : i32
      %sub3A_36 = arith.subi %add3A_26, %sub3A_35 : i32
      %lt3A_37 = arith.constant 125 : i32
      %lt3A_38 = arith.cmpi slt, %sub3A_36, %lt3A_37 : i32
      %and3A_39 = arith.andi %ge3A_34, %lt3A_38 : i1
      %convert_element_type3A_40 = arith.extui %and3A_39 : i1 to i32
      %cond3A_41 = arith.constant 0 : i32
      %cond3A_42 = arith.cmpi ne, %convert_element_type3A_40, %cond3A_41 : i32
      scf.if %cond3A_42 {
        %dma_wait3A_155 = arith.constant 0 : i32
        %dma_wait3A_156 = arith.constant 0 : i32
        %dma_wait3A_157 = tpu.memref_slice %arg2[%dma_wait3A_155, %dma_wait3A_156] : memref<10000x128xf32, #tpu.memory_space<hbm>> -> memref<10000x128xf32, #tpu.memory_space<hbm>>
        tpu.wait_indirect_dma semaphore(%arg25 : memref<!tpu.dma_semaphore, #tpu.memory_space<semaphore_mem>>) src(%dma_wait3A_157 : memref<10000x128xf32, #tpu.memory_space<hbm>>) dst(%arg16 : memref<80x128xf32, #tpu.memory_space<vmem>>)
        %dma_start3A = arith.constant 0 : i32
        %dma_start3A_158 = arith.constant 0 : i32
        %dma_start3A_159 = tpu.memref_slice %arg19[%dma_start3A, %dma_start3A_158] : memref<10000x128xf32, #tpu.memory_space<vmem_shared>> -> memref<10000x128xf32, #tpu.memory_space<vmem_shared>>
        tpu.enqueue_indirect_dma source(%arg16 : memref<80x128xf32, #tpu.memory_space<vmem>>) target(%dma_start3A_159 : memref<10000x128xf32, #tpu.memory_space<vmem_shared>>) offsets(%arg12 : memref<80xi32, #tpu.memory_space<vmem>>) semaphore(%arg29 : memref<!tpu.dma_semaphore, #tpu.memory_space<semaphore_mem>>) {add = true}
      } else {
      }
      %ge3A_43 = arith.constant 1 : i32
      %ge3A_44 = arith.cmpi sge, %scan3A_22, %ge3A_43 : i32
      %convert_element_type3A_45 = arith.extui %ge3A_44 : i1 to i32
      %cond3A_46 = arith.constant 0 : i32
      %cond3A_47 = arith.cmpi ne, %convert_element_type3A_45, %cond3A_46 : i32
      scf.if %cond3A_47 {
        %dma_wait3A_155 = arith.constant 0 : i32
        %dma_wait3A_156 = arith.constant 0 : i32
        %dma_wait3A_157 = tpu.memref_slice %arg19[%dma_wait3A_155, %dma_wait3A_156] : memref<10000x128xf32, #tpu.memory_space<vmem_shared>> -> memref<10000x128xf32, #tpu.memory_space<vmem_shared>>
        tpu.wait_indirect_dma semaphore(%arg28 : memref<!tpu.dma_semaphore, #tpu.memory_space<semaphore_mem>>) src(%arg15 : memref<80x128xf32, #tpu.memory_space<vmem>>) dst(%dma_wait3A_157 : memref<10000x128xf32, #tpu.memory_space<vmem_shared>>)
      } else {
      }
      %lt3A_48 = arith.constant 125 : i32
      %lt3A_49 = arith.cmpi slt, %add3A_26, %lt3A_48 : i32
      %convert_element_type3A_50 = arith.extui %lt3A_49 : i1 to i32
      %cond3A_51 = arith.constant 0 : i32
      %cond3A_52 = arith.cmpi ne, %convert_element_type3A_50, %cond3A_51 : i32
      scf.if %cond3A_52 {
        %mul3A_155 = arith.constant 80 : i32
        %mul3A_156 = arith.muli %add3A_26, %mul3A_155 : i32
        %add3A_157 = arith.addi %add3A, %mul3A_156 : i32
        %dma_start3A = tpu.memref_slice %arg3[%add3A_157] : memref<320000xi32, #tpu.memory_space<hbm>> -> memref<80xi32, #tpu.memory_space<hbm>>
        %dma_start3A_158 = tpu.memref_slice %arg3[%add3A_157] : memref<320000xi32, #tpu.memory_space<hbm>> -> memref<80xi32, #tpu.memory_space<hbm>>
        tpu.enqueue_dma source(%dma_start3A_158 : memref<80xi32, #tpu.memory_space<hbm>>) target(%arg7 : memref<80xi32, #tpu.memory_space<vmem>>) target_semaphore(%arg20 : memref<!tpu.dma_semaphore, #tpu.memory_space<semaphore_mem>>)
        %dma_start3A_159 = tpu.memref_slice %arg4[%add3A_157] : memref<320000xi32, #tpu.memory_space<hbm>> -> memref<80xi32, #tpu.memory_space<hbm>>
        %dma_start3A_160 = tpu.memref_slice %arg4[%add3A_157] : memref<320000xi32, #tpu.memory_space<hbm>> -> memref<80xi32, #tpu.memory_space<hbm>>
        tpu.enqueue_dma source(%dma_start3A_160 : memref<80xi32, #tpu.memory_space<hbm>>) target(%arg11 : memref<80xi32, #tpu.memory_space<vmem>>) target_semaphore(%arg20 : memref<!tpu.dma_semaphore, #tpu.memory_space<semaphore_mem>>)
      } else {
      }
      %mul3A_53 = arith.constant 4 : i32
      %mul3A_54 = arith.muli %mul3A_53, %scan3A_22 : i32
      %add3A_55 = arith.constant 1 : i32
      %add3A_56 = arith.addi %mul3A_54, %add3A_55 : i32
      %ge3A_57 = arith.constant 1 : i32
      %ge3A_58 = arith.cmpi sge, %add3A_56, %ge3A_57 : i32
      %sub3A_59 = arith.constant 1 : i32
      %sub3A_60 = arith.subi %add3A_56, %sub3A_59 : i32
      %lt3A_61 = arith.constant 125 : i32
      %lt3A_62 = arith.cmpi slt, %sub3A_60, %lt3A_61 : i32
      %and3A_63 = arith.andi %ge3A_58, %lt3A_62 : i1
      %convert_element_type3A_64 = arith.extui %and3A_63 : i1 to i32
      %cond3A_65 = arith.constant 0 : i32
      %cond3A_66 = arith.cmpi ne, %convert_element_type3A_64, %cond3A_65 : i32
      scf.if %cond3A_66 {
        %sub3A_155 = arith.constant 1 : i32
        %sub3A_156 = arith.subi %add3A_56, %sub3A_155 : i32
        %mul3A_157 = arith.constant 80 : i32
        %mul3A_158 = arith.muli %sub3A_156, %mul3A_157 : i32
        %add3A_159 = arith.addi %add3A, %mul3A_158 : i32
        %dma_wait3A_160 = tpu.memref_slice %arg3[%add3A_159] : memref<320000xi32, #tpu.memory_space<hbm>> -> memref<80xi32, #tpu.memory_space<hbm>>
        %dma_wait3A_161 = tpu.memref_slice %arg3[%add3A_159] : memref<320000xi32, #tpu.memory_space<hbm>> -> memref<80xi32, #tpu.memory_space<hbm>>
        tpu.wait_dma2 semaphore(%arg20 : memref<!tpu.dma_semaphore, #tpu.memory_space<semaphore_mem>>) src(%dma_wait3A_161 : memref<80xi32, #tpu.memory_space<hbm>>) dst(%arg7 : memref<80xi32, #tpu.memory_space<vmem>>)
        %dma_wait3A_162 = tpu.memref_slice %arg4[%add3A_159] : memref<320000xi32, #tpu.memory_space<hbm>> -> memref<80xi32, #tpu.memory_space<hbm>>
        %dma_wait3A_163 = tpu.memref_slice %arg4[%add3A_159] : memref<320000xi32, #tpu.memory_space<hbm>> -> memref<80xi32, #tpu.memory_space<hbm>>
        tpu.wait_dma2 semaphore(%arg20 : memref<!tpu.dma_semaphore, #tpu.memory_space<semaphore_mem>>) src(%dma_wait3A_163 : memref<80xi32, #tpu.memory_space<hbm>>) dst(%arg11 : memref<80xi32, #tpu.memory_space<vmem>>)
        %dma_start3A = arith.constant 0 : i32
        %dma_start3A_164 = arith.constant 0 : i32
        %dma_start3A_165 = tpu.memref_slice %arg2[%dma_start3A, %dma_start3A_164] : memref<10000x128xf32, #tpu.memory_space<hbm>> -> memref<10000x128xf32, #tpu.memory_space<hbm>>
        tpu.enqueue_indirect_dma source(%dma_start3A_165 : memref<10000x128xf32, #tpu.memory_space<hbm>>) target(%arg15 : memref<80x128xf32, #tpu.memory_space<vmem>>) offsets(%arg7 : memref<80xi32, #tpu.memory_space<vmem>>) semaphore(%arg24 : memref<!tpu.dma_semaphore, #tpu.memory_space<semaphore_mem>>)
      } else {
      }
      %ge3A_67 = arith.constant 3 : i32
      %ge3A_68 = arith.cmpi sge, %add3A_56, %ge3A_67 : i32
      %sub3A_69 = arith.constant 3 : i32
      %sub3A_70 = arith.subi %add3A_56, %sub3A_69 : i32
      %lt3A_71 = arith.constant 125 : i32
      %lt3A_72 = arith.cmpi slt, %sub3A_70, %lt3A_71 : i32
      %and3A_73 = arith.andi %ge3A_68, %lt3A_72 : i1
      %convert_element_type3A_74 = arith.extui %and3A_73 : i1 to i32
      %cond3A_75 = arith.constant 0 : i32
      %cond3A_76 = arith.cmpi ne, %convert_element_type3A_74, %cond3A_75 : i32
      scf.if %cond3A_76 {
        %dma_wait3A_155 = arith.constant 0 : i32
        %dma_wait3A_156 = arith.constant 0 : i32
        %dma_wait3A_157 = tpu.memref_slice %arg2[%dma_wait3A_155, %dma_wait3A_156] : memref<10000x128xf32, #tpu.memory_space<hbm>> -> memref<10000x128xf32, #tpu.memory_space<hbm>>
        tpu.wait_indirect_dma semaphore(%arg26 : memref<!tpu.dma_semaphore, #tpu.memory_space<semaphore_mem>>) src(%dma_wait3A_157 : memref<10000x128xf32, #tpu.memory_space<hbm>>) dst(%arg17 : memref<80x128xf32, #tpu.memory_space<vmem>>)
        %dma_start3A = arith.constant 0 : i32
        %dma_start3A_158 = arith.constant 0 : i32
        %dma_start3A_159 = tpu.memref_slice %arg19[%dma_start3A, %dma_start3A_158] : memref<10000x128xf32, #tpu.memory_space<vmem_shared>> -> memref<10000x128xf32, #tpu.memory_space<vmem_shared>>
        tpu.enqueue_indirect_dma source(%arg17 : memref<80x128xf32, #tpu.memory_space<vmem>>) target(%dma_start3A_159 : memref<10000x128xf32, #tpu.memory_space<vmem_shared>>) offsets(%arg13 : memref<80xi32, #tpu.memory_space<vmem>>) semaphore(%arg30 : memref<!tpu.dma_semaphore, #tpu.memory_space<semaphore_mem>>) {add = true}
      } else {
      }
      %ge3A_77 = arith.constant 1 : i32
      %ge3A_78 = arith.cmpi sge, %scan3A_22, %ge3A_77 : i32
      %convert_element_type3A_79 = arith.extui %ge3A_78 : i1 to i32
      %cond3A_80 = arith.constant 0 : i32
      %cond3A_81 = arith.cmpi ne, %convert_element_type3A_79, %cond3A_80 : i32
      scf.if %cond3A_81 {
        %dma_wait3A_155 = arith.constant 0 : i32
        %dma_wait3A_156 = arith.constant 0 : i32
        %dma_wait3A_157 = tpu.memref_slice %arg19[%dma_wait3A_155, %dma_wait3A_156] : memref<10000x128xf32, #tpu.memory_space<vmem_shared>> -> memref<10000x128xf32, #tpu.memory_space<vmem_shared>>
        tpu.wait_indirect_dma semaphore(%arg29 : memref<!tpu.dma_semaphore, #tpu.memory_space<semaphore_mem>>) src(%arg16 : memref<80x128xf32, #tpu.memory_space<vmem>>) dst(%dma_wait3A_157 : memref<10000x128xf32, #tpu.memory_space<vmem_shared>>)
      } else {
      }
      %lt3A_82 = arith.constant 125 : i32
      %lt3A_83 = arith.cmpi slt, %add3A_56, %lt3A_82 : i32
      %convert_element_type3A_84 = arith.extui %lt3A_83 : i1 to i32
      %cond3A_85 = arith.constant 0 : i32
      %cond3A_86 = arith.cmpi ne, %convert_element_type3A_84, %cond3A_85 : i32
      scf.if %cond3A_86 {
        %mul3A_155 = arith.constant 80 : i32
        %mul3A_156 = arith.muli %add3A_56, %mul3A_155 : i32
        %add3A_157 = arith.addi %add3A, %mul3A_156 : i32
        %dma_start3A = tpu.memref_slice %arg3[%add3A_157] : memref<320000xi32, #tpu.memory_space<hbm>> -> memref<80xi32, #tpu.memory_space<hbm>>
        %dma_start3A_158 = tpu.memref_slice %arg3[%add3A_157] : memref<320000xi32, #tpu.memory_space<hbm>> -> memref<80xi32, #tpu.memory_space<hbm>>
        tpu.enqueue_dma source(%dma_start3A_158 : memref<80xi32, #tpu.memory_space<hbm>>) target(%arg8 : memref<80xi32, #tpu.memory_space<vmem>>) target_semaphore(%arg21 : memref<!tpu.dma_semaphore, #tpu.memory_space<semaphore_mem>>)
        %dma_start3A_159 = tpu.memref_slice %arg4[%add3A_157] : memref<320000xi32, #tpu.memory_space<hbm>> -> memref<80xi32, #tpu.memory_space<hbm>>
        %dma_start3A_160 = tpu.memref_slice %arg4[%add3A_157] : memref<320000xi32, #tpu.memory_space<hbm>> -> memref<80xi32, #tpu.memory_space<hbm>>
        tpu.enqueue_dma source(%dma_start3A_160 : memref<80xi32, #tpu.memory_space<hbm>>) target(%arg12 : memref<80xi32, #tpu.memory_space<vmem>>) target_semaphore(%arg21 : memref<!tpu.dma_semaphore, #tpu.memory_space<semaphore_mem>>)
      } else {
      }
      %mul3A_87 = arith.constant 4 : i32
      %mul3A_88 = arith.muli %mul3A_87, %scan3A_22 : i32
      %add3A_89 = arith.constant 2 : i32
      %add3A_90 = arith.addi %mul3A_88, %add3A_89 : i32
      %ge3A_91 = arith.constant 1 : i32
      %ge3A_92 = arith.cmpi sge, %add3A_90, %ge3A_91 : i32
      %sub3A_93 = arith.constant 1 : i32
      %sub3A_94 = arith.subi %add3A_90, %sub3A_93 : i32
      %lt3A_95 = arith.constant 125 : i32
      %lt3A_96 = arith.cmpi slt, %sub3A_94, %lt3A_95 : i32
      %and3A_97 = arith.andi %ge3A_92, %lt3A_96 : i1
      %convert_element_type3A_98 = arith.extui %and3A_97 : i1 to i32
      %cond3A_99 = arith.constant 0 : i32
      %cond3A_100 = arith.cmpi ne, %convert_element_type3A_98, %cond3A_99 : i32
      scf.if %cond3A_100 {
        %sub3A_155 = arith.constant 1 : i32
        %sub3A_156 = arith.subi %add3A_90, %sub3A_155 : i32
        %mul3A_157 = arith.constant 80 : i32
        %mul3A_158 = arith.muli %sub3A_156, %mul3A_157 : i32
        %add3A_159 = arith.addi %add3A, %mul3A_158 : i32
        %dma_wait3A_160 = tpu.memref_slice %arg3[%add3A_159] : memref<320000xi32, #tpu.memory_space<hbm>> -> memref<80xi32, #tpu.memory_space<hbm>>
        %dma_wait3A_161 = tpu.memref_slice %arg3[%add3A_159] : memref<320000xi32, #tpu.memory_space<hbm>> -> memref<80xi32, #tpu.memory_space<hbm>>
        tpu.wait_dma2 semaphore(%arg21 : memref<!tpu.dma_semaphore, #tpu.memory_space<semaphore_mem>>) src(%dma_wait3A_161 : memref<80xi32, #tpu.memory_space<hbm>>) dst(%arg8 : memref<80xi32, #tpu.memory_space<vmem>>)
        %dma_wait3A_162 = tpu.memref_slice %arg4[%add3A_159] : memref<320000xi32, #tpu.memory_space<hbm>> -> memref<80xi32, #tpu.memory_space<hbm>>
        %dma_wait3A_163 = tpu.memref_slice %arg4[%add3A_159] : memref<320000xi32, #tpu.memory_space<hbm>> -> memref<80xi32, #tpu.memory_space<hbm>>
        tpu.wait_dma2 semaphore(%arg21 : memref<!tpu.dma_semaphore, #tpu.memory_space<semaphore_mem>>) src(%dma_wait3A_163 : memref<80xi32, #tpu.memory_space<hbm>>) dst(%arg12 : memref<80xi32, #tpu.memory_space<vmem>>)
        %dma_start3A = arith.constant 0 : i32
        %dma_start3A_164 = arith.constant 0 : i32
        %dma_start3A_165 = tpu.memref_slice %arg2[%dma_start3A, %dma_start3A_164] : memref<10000x128xf32, #tpu.memory_space<hbm>> -> memref<10000x128xf32, #tpu.memory_space<hbm>>
        tpu.enqueue_indirect_dma source(%dma_start3A_165 : memref<10000x128xf32, #tpu.memory_space<hbm>>) target(%arg16 : memref<80x128xf32, #tpu.memory_space<vmem>>) offsets(%arg8 : memref<80xi32, #tpu.memory_space<vmem>>) semaphore(%arg25 : memref<!tpu.dma_semaphore, #tpu.memory_space<semaphore_mem>>)
      } else {
      }
      %ge3A_101 = arith.constant 3 : i32
      %ge3A_102 = arith.cmpi sge, %add3A_90, %ge3A_101 : i32
      %sub3A_103 = arith.constant 3 : i32
      %sub3A_104 = arith.subi %add3A_90, %sub3A_103 : i32
      %lt3A_105 = arith.constant 125 : i32
      %lt3A_106 = arith.cmpi slt, %sub3A_104, %lt3A_105 : i32
      %and3A_107 = arith.andi %ge3A_102, %lt3A_106 : i1
      %convert_element_type3A_108 = arith.extui %and3A_107 : i1 to i32
      %cond3A_109 = arith.constant 0 : i32
      %cond3A_110 = arith.cmpi ne, %convert_element_type3A_108, %cond3A_109 : i32
      scf.if %cond3A_110 {
        %dma_wait3A_155 = arith.constant 0 : i32
        %dma_wait3A_156 = arith.constant 0 : i32
        %dma_wait3A_157 = tpu.memref_slice %arg2[%dma_wait3A_155, %dma_wait3A_156] : memref<10000x128xf32, #tpu.memory_space<hbm>> -> memref<10000x128xf32, #tpu.memory_space<hbm>>
        tpu.wait_indirect_dma semaphore(%arg27 : memref<!tpu.dma_semaphore, #tpu.memory_space<semaphore_mem>>) src(%dma_wait3A_157 : memref<10000x128xf32, #tpu.memory_space<hbm>>) dst(%arg18 : memref<80x128xf32, #tpu.memory_space<vmem>>)
        %dma_start3A = arith.constant 0 : i32
        %dma_start3A_158 = arith.constant 0 : i32
        %dma_start3A_159 = tpu.memref_slice %arg19[%dma_start3A, %dma_start3A_158] : memref<10000x128xf32, #tpu.memory_space<vmem_shared>> -> memref<10000x128xf32, #tpu.memory_space<vmem_shared>>
        tpu.enqueue_indirect_dma source(%arg18 : memref<80x128xf32, #tpu.memory_space<vmem>>) target(%dma_start3A_159 : memref<10000x128xf32, #tpu.memory_space<vmem_shared>>) offsets(%arg14 : memref<80xi32, #tpu.memory_space<vmem>>) semaphore(%arg31 : memref<!tpu.dma_semaphore, #tpu.memory_space<semaphore_mem>>) {add = true}
      } else {
      }
      %ge3A_111 = arith.constant 1 : i32
      %ge3A_112 = arith.cmpi sge, %scan3A_22, %ge3A_111 : i32
      %convert_element_type3A_113 = arith.extui %ge3A_112 : i1 to i32
      %cond3A_114 = arith.constant 0 : i32
      %cond3A_115 = arith.cmpi ne, %convert_element_type3A_113, %cond3A_114 : i32
      scf.if %cond3A_115 {
        %dma_wait3A_155 = arith.constant 0 : i32
        %dma_wait3A_156 = arith.constant 0 : i32
        %dma_wait3A_157 = tpu.memref_slice %arg19[%dma_wait3A_155, %dma_wait3A_156] : memref<10000x128xf32, #tpu.memory_space<vmem_shared>> -> memref<10000x128xf32, #tpu.memory_space<vmem_shared>>
        tpu.wait_indirect_dma semaphore(%arg30 : memref<!tpu.dma_semaphore, #tpu.memory_space<semaphore_mem>>) src(%arg17 : memref<80x128xf32, #tpu.memory_space<vmem>>) dst(%dma_wait3A_157 : memref<10000x128xf32, #tpu.memory_space<vmem_shared>>)
      } else {
      }
      %lt3A_116 = arith.constant 125 : i32
      %lt3A_117 = arith.cmpi slt, %add3A_90, %lt3A_116 : i32
      %convert_element_type3A_118 = arith.extui %lt3A_117 : i1 to i32
      %cond3A_119 = arith.constant 0 : i32
      %cond3A_120 = arith.cmpi ne, %convert_element_type3A_118, %cond3A_119 : i32
      scf.if %cond3A_120 {
        %mul3A_155 = arith.constant 80 : i32
        %mul3A_156 = arith.muli %add3A_90, %mul3A_155 : i32
        %add3A_157 = arith.addi %add3A, %mul3A_156 : i32
        %dma_start3A = tpu.memref_slice %arg3[%add3A_157] : memref<320000xi32, #tpu.memory_space<hbm>> -> memref<80xi32, #tpu.memory_space<hbm>>
        %dma_start3A_158 = tpu.memref_slice %arg3[%add3A_157] : memref<320000xi32, #tpu.memory_space<hbm>> -> memref<80xi32, #tpu.memory_space<hbm>>
        tpu.enqueue_dma source(%dma_start3A_158 : memref<80xi32, #tpu.memory_space<hbm>>) target(%arg9 : memref<80xi32, #tpu.memory_space<vmem>>) target_semaphore(%arg22 : memref<!tpu.dma_semaphore, #tpu.memory_space<semaphore_mem>>)
        %dma_start3A_159 = tpu.memref_slice %arg4[%add3A_157] : memref<320000xi32, #tpu.memory_space<hbm>> -> memref<80xi32, #tpu.memory_space<hbm>>
        %dma_start3A_160 = tpu.memref_slice %arg4[%add3A_157] : memref<320000xi32, #tpu.memory_space<hbm>> -> memref<80xi32, #tpu.memory_space<hbm>>
        tpu.enqueue_dma source(%dma_start3A_160 : memref<80xi32, #tpu.memory_space<hbm>>) target(%arg13 : memref<80xi32, #tpu.memory_space<vmem>>) target_semaphore(%arg22 : memref<!tpu.dma_semaphore, #tpu.memory_space<semaphore_mem>>)
      } else {
      }
      %mul3A_121 = arith.constant 4 : i32
      %mul3A_122 = arith.muli %mul3A_121, %scan3A_22 : i32
      %add3A_123 = arith.constant 3 : i32
      %add3A_124 = arith.addi %mul3A_122, %add3A_123 : i32
      %ge3A_125 = arith.constant 1 : i32
      %ge3A_126 = arith.cmpi sge, %add3A_124, %ge3A_125 : i32
      %sub3A_127 = arith.constant 1 : i32
      %sub3A_128 = arith.subi %add3A_124, %sub3A_127 : i32
      %lt3A_129 = arith.constant 125 : i32
      %lt3A_130 = arith.cmpi slt, %sub3A_128, %lt3A_129 : i32
      %and3A_131 = arith.andi %ge3A_126, %lt3A_130 : i1
      %convert_element_type3A_132 = arith.extui %and3A_131 : i1 to i32
      %cond3A_133 = arith.constant 0 : i32
      %cond3A_134 = arith.cmpi ne, %convert_element_type3A_132, %cond3A_133 : i32
      scf.if %cond3A_134 {
        %sub3A_155 = arith.constant 1 : i32
        %sub3A_156 = arith.subi %add3A_124, %sub3A_155 : i32
        %mul3A_157 = arith.constant 80 : i32
        %mul3A_158 = arith.muli %sub3A_156, %mul3A_157 : i32
        %add3A_159 = arith.addi %add3A, %mul3A_158 : i32
        %dma_wait3A_160 = tpu.memref_slice %arg3[%add3A_159] : memref<320000xi32, #tpu.memory_space<hbm>> -> memref<80xi32, #tpu.memory_space<hbm>>
        %dma_wait3A_161 = tpu.memref_slice %arg3[%add3A_159] : memref<320000xi32, #tpu.memory_space<hbm>> -> memref<80xi32, #tpu.memory_space<hbm>>
        tpu.wait_dma2 semaphore(%arg22 : memref<!tpu.dma_semaphore, #tpu.memory_space<semaphore_mem>>) src(%dma_wait3A_161 : memref<80xi32, #tpu.memory_space<hbm>>) dst(%arg9 : memref<80xi32, #tpu.memory_space<vmem>>)
        %dma_wait3A_162 = tpu.memref_slice %arg4[%add3A_159] : memref<320000xi32, #tpu.memory_space<hbm>> -> memref<80xi32, #tpu.memory_space<hbm>>
        %dma_wait3A_163 = tpu.memref_slice %arg4[%add3A_159] : memref<320000xi32, #tpu.memory_space<hbm>> -> memref<80xi32, #tpu.memory_space<hbm>>
        tpu.wait_dma2 semaphore(%arg22 : memref<!tpu.dma_semaphore, #tpu.memory_space<semaphore_mem>>) src(%dma_wait3A_163 : memref<80xi32, #tpu.memory_space<hbm>>) dst(%arg13 : memref<80xi32, #tpu.memory_space<vmem>>)
        %dma_start3A = arith.constant 0 : i32
        %dma_start3A_164 = arith.constant 0 : i32
        %dma_start3A_165 = tpu.memref_slice %arg2[%dma_start3A, %dma_start3A_164] : memref<10000x128xf32, #tpu.memory_space<hbm>> -> memref<10000x128xf32, #tpu.memory_space<hbm>>
        tpu.enqueue_indirect_dma source(%dma_start3A_165 : memref<10000x128xf32, #tpu.memory_space<hbm>>) target(%arg17 : memref<80x128xf32, #tpu.memory_space<vmem>>) offsets(%arg9 : memref<80xi32, #tpu.memory_space<vmem>>) semaphore(%arg26 : memref<!tpu.dma_semaphore, #tpu.memory_space<semaphore_mem>>)
      } else {
      }
      %ge3A_135 = arith.constant 3 : i32
      %ge3A_136 = arith.cmpi sge, %add3A_124, %ge3A_135 : i32
      %sub3A_137 = arith.constant 3 : i32
      %sub3A_138 = arith.subi %add3A_124, %sub3A_137 : i32
      %lt3A_139 = arith.constant 125 : i32
      %lt3A_140 = arith.cmpi slt, %sub3A_138, %lt3A_139 : i32
      %and3A_141 = arith.andi %ge3A_136, %lt3A_140 : i1
      %convert_element_type3A_142 = arith.extui %and3A_141 : i1 to i32
      %cond3A_143 = arith.constant 0 : i32
      %cond3A_144 = arith.cmpi ne, %convert_element_type3A_142, %cond3A_143 : i32
      scf.if %cond3A_144 {
        %dma_wait3A_155 = arith.constant 0 : i32
        %dma_wait3A_156 = arith.constant 0 : i32
        %dma_wait3A_157 = tpu.memref_slice %arg2[%dma_wait3A_155, %dma_wait3A_156] : memref<10000x128xf32, #tpu.memory_space<hbm>> -> memref<10000x128xf32, #tpu.memory_space<hbm>>
        tpu.wait_indirect_dma semaphore(%arg24 : memref<!tpu.dma_semaphore, #tpu.memory_space<semaphore_mem>>) src(%dma_wait3A_157 : memref<10000x128xf32, #tpu.memory_space<hbm>>) dst(%arg15 : memref<80x128xf32, #tpu.memory_space<vmem>>)
        %dma_start3A = arith.constant 0 : i32
        %dma_start3A_158 = arith.constant 0 : i32
        %dma_start3A_159 = tpu.memref_slice %arg19[%dma_start3A, %dma_start3A_158] : memref<10000x128xf32, #tpu.memory_space<vmem_shared>> -> memref<10000x128xf32, #tpu.memory_space<vmem_shared>>
        tpu.enqueue_indirect_dma source(%arg15 : memref<80x128xf32, #tpu.memory_space<vmem>>) target(%dma_start3A_159 : memref<10000x128xf32, #tpu.memory_space<vmem_shared>>) offsets(%arg11 : memref<80xi32, #tpu.memory_space<vmem>>) semaphore(%arg28 : memref<!tpu.dma_semaphore, #tpu.memory_space<semaphore_mem>>) {add = true}
      } else {
      }
      %ge3A_145 = arith.constant 1 : i32
      %ge3A_146 = arith.cmpi sge, %scan3A_22, %ge3A_145 : i32
      %convert_element_type3A_147 = arith.extui %ge3A_146 : i1 to i32
      %cond3A_148 = arith.constant 0 : i32
      %cond3A_149 = arith.cmpi ne, %convert_element_type3A_147, %cond3A_148 : i32
      scf.if %cond3A_149 {
        %dma_wait3A_155 = arith.constant 0 : i32
        %dma_wait3A_156 = arith.constant 0 : i32
        %dma_wait3A_157 = tpu.memref_slice %arg19[%dma_wait3A_155, %dma_wait3A_156] : memref<10000x128xf32, #tpu.memory_space<vmem_shared>> -> memref<10000x128xf32, #tpu.memory_space<vmem_shared>>
        tpu.wait_indirect_dma semaphore(%arg31 : memref<!tpu.dma_semaphore, #tpu.memory_space<semaphore_mem>>) src(%arg18 : memref<80x128xf32, #tpu.memory_space<vmem>>) dst(%dma_wait3A_157 : memref<10000x128xf32, #tpu.memory_space<vmem_shared>>)
      } else {
      }
      %lt3A_150 = arith.constant 125 : i32
      %lt3A_151 = arith.cmpi slt, %add3A_124, %lt3A_150 : i32
      %convert_element_type3A_152 = arith.extui %lt3A_151 : i1 to i32
      %cond3A_153 = arith.constant 0 : i32
      %cond3A_154 = arith.cmpi ne, %convert_element_type3A_152, %cond3A_153 : i32
      scf.if %cond3A_154 {
        %mul3A_155 = arith.constant 80 : i32
        %mul3A_156 = arith.muli %add3A_124, %mul3A_155 : i32
        %add3A_157 = arith.addi %add3A, %mul3A_156 : i32
        %dma_start3A = tpu.memref_slice %arg3[%add3A_157] : memref<320000xi32, #tpu.memory_space<hbm>> -> memref<80xi32, #tpu.memory_space<hbm>>
        %dma_start3A_158 = tpu.memref_slice %arg3[%add3A_157] : memref<320000xi32, #tpu.memory_space<hbm>> -> memref<80xi32, #tpu.memory_space<hbm>>
        tpu.enqueue_dma source(%dma_start3A_158 : memref<80xi32, #tpu.memory_space<hbm>>) target(%arg10 : memref<80xi32, #tpu.memory_space<vmem>>) target_semaphore(%arg23 : memref<!tpu.dma_semaphore, #tpu.memory_space<semaphore_mem>>)
        %dma_start3A_159 = tpu.memref_slice %arg4[%add3A_157] : memref<320000xi32, #tpu.memory_space<hbm>> -> memref<80xi32, #tpu.memory_space<hbm>>
        %dma_start3A_160 = tpu.memref_slice %arg4[%add3A_157] : memref<320000xi32, #tpu.memory_space<hbm>> -> memref<80xi32, #tpu.memory_space<hbm>>
        tpu.enqueue_dma source(%dma_start3A_160 : memref<80xi32, #tpu.memory_space<hbm>>) target(%arg14 : memref<80xi32, #tpu.memory_space<vmem>>) target_semaphore(%arg23 : memref<!tpu.dma_semaphore, #tpu.memory_space<semaphore_mem>>)
      } else {
      }
    }
    %scan3A_11 = arith.constant 32 : i32
    %dma_wait3A = arith.constant 0 : i32
    %dma_wait3A_12 = arith.constant 0 : i32
    %dma_wait3A_13 = tpu.memref_slice %arg19[%dma_wait3A, %dma_wait3A_12] : memref<10000x128xf32, #tpu.memory_space<vmem_shared>> -> memref<10000x128xf32, #tpu.memory_space<vmem_shared>>
    tpu.wait_indirect_dma semaphore(%arg28 : memref<!tpu.dma_semaphore, #tpu.memory_space<semaphore_mem>>) src(%arg15 : memref<80x128xf32, #tpu.memory_space<vmem>>) dst(%dma_wait3A_13 : memref<10000x128xf32, #tpu.memory_space<vmem_shared>>)
    %barrier3A_14 = arith.constant 0 : index
    tpu.barrier barrier_id(%barrier3A_14)
    %mul3A_15 = arith.constant 624 : i32
    %mul3A_16 = arith.muli %arg1, %mul3A_15 : i32
    "tpu.region"() ({
      %run_scoped3A = tpu.sem_alloc : memref<!tpu.dma_semaphore, #tpu.memory_space<semaphore_mem>>
      %dma_start3A = arith.constant 0 : i32
      %dma_start3A_22 = tpu.memref_slice %arg6[%arg0, %mul3A_16, %dma_start3A] : memref<2x10000x128xf32, #tpu.memory_space<hbm>> -> memref<1x624x128xf32, #tpu.memory_space<hbm>>
      %dma_start3A_23 = tpu.memref_squeeze %dma_start3A_22 : memref<1x624x128xf32, #tpu.memory_space<hbm>> -> memref<624x128xf32, #tpu.memory_space<hbm>>
      %dma_start3A_24 = arith.constant 0 : i32
      %dma_start3A_25 = tpu.memref_slice %arg19[%mul3A_16, %dma_start3A_24] : memref<10000x128xf32, #tpu.memory_space<vmem_shared>> -> memref<624x128xf32, #tpu.memory_space<vmem_shared>>
      tpu.enqueue_dma source(%dma_start3A_25 : memref<624x128xf32, #tpu.memory_space<vmem_shared>>) target(%dma_start3A_23 : memref<624x128xf32, #tpu.memory_space<hbm>>) target_semaphore(%run_scoped3A : memref<!tpu.dma_semaphore, #tpu.memory_space<semaphore_mem>>)
      %dma_wait3A_26 = arith.constant 0 : i32
      %dma_wait3A_27 = tpu.memref_slice %arg6[%arg0, %mul3A_16, %dma_wait3A_26] : memref<2x10000x128xf32, #tpu.memory_space<hbm>> -> memref<1x624x128xf32, #tpu.memory_space<hbm>>
      %dma_wait3A_28 = tpu.memref_squeeze %dma_wait3A_27 : memref<1x624x128xf32, #tpu.memory_space<hbm>> -> memref<624x128xf32, #tpu.memory_space<hbm>>
      %dma_wait3A_29 = arith.constant 0 : i32
      %dma_wait3A_30 = tpu.memref_slice %arg19[%mul3A_16, %dma_wait3A_29] : memref<10000x128xf32, #tpu.memory_space<vmem_shared>> -> memref<624x128xf32, #tpu.memory_space<vmem_shared>>
      tpu.wait_dma2 semaphore(%run_scoped3A : memref<!tpu.dma_semaphore, #tpu.memory_space<semaphore_mem>>) src(%dma_wait3A_30 : memref<624x128xf32, #tpu.memory_space<vmem_shared>>) dst(%dma_wait3A_28 : memref<624x128xf32, #tpu.memory_space<hbm>>)
      tpu.yield
    }) : () -> ()
    %eq3A_17 = arith.constant 15 : i32
    %eq3A_18 = arith.cmpi eq, %arg1, %eq3A_17 : i32
    %convert_element_type3A_19 = arith.extui %eq3A_18 : i1 to i32
    %cond3A_20 = arith.constant 0 : i32
    %cond3A_21 = arith.cmpi ne, %convert_element_type3A_19, %cond3A_20 : i32
    scf.if %cond3A_21 {
      "tpu.region"() ({
        %run_scoped3A = tpu.sem_alloc : memref<!tpu.dma_semaphore, #tpu.memory_space<semaphore_mem>>
        %dma_start3A = arith.constant 9984 : i32
        %dma_start3A_22 = arith.constant 0 : i32
        %dma_start3A_23 = tpu.memref_slice %arg6[%arg0, %dma_start3A, %dma_start3A_22] : memref<2x10000x128xf32, #tpu.memory_space<hbm>> -> memref<1x16x128xf32, #tpu.memory_space<hbm>>
        %dma_start3A_24 = tpu.memref_squeeze %dma_start3A_23 : memref<1x16x128xf32, #tpu.memory_space<hbm>> -> memref<16x128xf32, #tpu.memory_space<hbm>>
        %dma_start3A_25 = arith.constant 9984 : i32
        %dma_start3A_26 = arith.constant 0 : i32
        %dma_start3A_27 = tpu.memref_slice %arg19[%dma_start3A_25, %dma_start3A_26] : memref<10000x128xf32, #tpu.memory_space<vmem_shared>> -> memref<16x128xf32, #tpu.memory_space<vmem_shared>>
        tpu.enqueue_dma source(%dma_start3A_27 : memref<16x128xf32, #tpu.memory_space<vmem_shared>>) target(%dma_start3A_24 : memref<16x128xf32, #tpu.memory_space<hbm>>) target_semaphore(%run_scoped3A : memref<!tpu.dma_semaphore, #tpu.memory_space<semaphore_mem>>)
        %dma_wait3A_28 = arith.constant 9984 : i32
        %dma_wait3A_29 = arith.constant 0 : i32
        %dma_wait3A_30 = tpu.memref_slice %arg6[%arg0, %dma_wait3A_28, %dma_wait3A_29] : memref<2x10000x128xf32, #tpu.memory_space<hbm>> -> memref<1x16x128xf32, #tpu.memory_space<hbm>>
        %dma_wait3A_31 = tpu.memref_squeeze %dma_wait3A_30 : memref<1x16x128xf32, #tpu.memory_space<hbm>> -> memref<16x128xf32, #tpu.memory_space<hbm>>
        %dma_wait3A_32 = arith.constant 9984 : i32
        %dma_wait3A_33 = arith.constant 0 : i32
        %dma_wait3A_34 = tpu.memref_slice %arg19[%dma_wait3A_32, %dma_wait3A_33] : memref<10000x128xf32, #tpu.memory_space<vmem_shared>> -> memref<16x128xf32, #tpu.memory_space<vmem_shared>>
        tpu.wait_dma2 semaphore(%run_scoped3A : memref<!tpu.dma_semaphore, #tpu.memory_space<semaphore_mem>>) src(%dma_wait3A_34 : memref<16x128xf32, #tpu.memory_space<vmem_shared>>) dst(%dma_wait3A_31 : memref<16x128xf32, #tpu.memory_space<hbm>>)
        tpu.yield
      }) : () -> ()
    } else {
    }
    return
  }
}

module attributes {stable_mosaic.version = 14 : i64} {
  func.func @_mm_scale_body(%arg0: i32, %arg1: memref<400x128xf32, #tpu.memory_space<vmem>>, %arg2: memref<128x128xf32, #tpu.memory_space<vmem>>, %arg3: memref<400x128xf32, #tpu.memory_space<vmem>>, %arg4: memref<400x128xf32, #tpu.memory_space<vmem>>, %arg5: memref<400x128xf32, #tpu.memory_space<vmem>>) attributes {dimension_semantics = [#tpu.dimension_semantics<arbitrary>], iteration_bounds = array<i64: 25>, scalar_prefetch = 0 : i64, scratch_operands = 0 : i64, tpu.core_type = #tpu.core_type<tc>, window_params = [{transform_indices = @transform_0, window_bounds = array<i64: 400, 128>}, {pipeline_mode = #tpu.pipeline_mode<synchronous>, transform_indices = @transform_1, window_bounds = array<i64: 128, 128>}, {transform_indices = @transform_2, window_bounds = array<i64: 400, 128>}, {transform_indices = @transform_3, window_bounds = array<i64: 400, 128>}, {transform_indices = @transform_4, window_bounds = array<i64: 400, 128>}]} {
    %get3A = arith.constant 0 : index
    %get3A_0 = arith.constant 0 : index
    %get3A_1 = vector.load %arg1[%get3A, %get3A_0] : memref<400x128xf32, #tpu.memory_space<vmem>>, vector<400x128xf32>
    %get3A_2 = arith.constant 0 : index
    %get3A_3 = arith.constant 0 : index
    %get3A_4 = vector.load %arg2[%get3A_2, %get3A_3] : memref<128x128xf32, #tpu.memory_space<vmem>>, vector<128x128xf32>
    %dot_general3A = arith.constant dense<0.000000e+00> : vector<400x128xf32>
    %dot_general3A_5 = tpu.matmul %get3A_1, %get3A_4, %dot_general3A {dimension_numbers = #tpu.dot_dimension_numbers<[1], [0], [0], [1], [0, 0, 1, 1], [], []>, transpose_lhs_hint = false} : vector<400x128xf32>, vector<128x128xf32>, vector<400x128xf32> -> vector<400x128xf32>
    %get3A_6 = arith.constant 0 : index
    %get3A_7 = arith.constant 0 : index
    %get3A_8 = vector.load %arg3[%get3A_6, %get3A_7] : memref<400x128xf32, #tpu.memory_space<vmem>>, vector<400x1xf32>
    %get3A_9 = arith.constant 0 : index
    %get3A_10 = arith.constant 0 : index
    %get3A_11 = vector.load %arg4[%get3A_9, %get3A_10] : memref<400x128xf32, #tpu.memory_space<vmem>>, vector<400x1xf32>
    %add3A = arith.addf %get3A_8, %get3A_11 : vector<400x1xf32>
    %add3A_12 = arith.constant 1.000000e+00 : f32
    %add3A_13 = vector.broadcast %add3A_12 : f32 to vector<400x1xf32>
    %add3A_14 = arith.addf %add3A, %add3A_13 : vector<400x1xf32>
    %max3A = arith.constant 1.000000e+00 : f32
    %max3A_15 = vector.broadcast %max3A : f32 to vector<400x1xf32>
    %max3A_16 = arith.maximumf %add3A_14, %max3A_15 : vector<400x1xf32>
    %rsqrt3A = math.rsqrt %max3A_16 : vector<400x1xf32>
    %mul3A = vector.broadcast %rsqrt3A : vector<400x1xf32> to vector<400x128xf32>
    %mul3A_17 = arith.mulf %dot_general3A_5, %mul3A : vector<400x128xf32>
    %swap3A = arith.constant 0 : index
    %swap3A_18 = arith.constant 0 : index
    %swap3A_19 = vector.load %arg5[%swap3A, %swap3A_18] : memref<400x128xf32, #tpu.memory_space<vmem>>, vector<400x128xf32>
    tpu.vector_store %arg5[%swap3A, %swap3A_18], %mul3A_17 {strides = array<i32>} : memref<400x128xf32, #tpu.memory_space<vmem>>, vector<400x128xf32>,
    return
  }
  func.func @transform_0(%arg0: i32) -> (i32, i32) {
    %c0_i32 = arith.constant 0 : i32
    %c0_i32_0 = arith.constant 0 : i32
    return %arg0, %c0_i32 : i32, i32
  }
  func.func @transform_1(%arg0: i32) -> (i32, i32) {
    %c0_i32 = arith.constant 0 : i32
    %c0_i32_0 = arith.constant 0 : i32
    %c0_i32_1 = arith.constant 0 : i32
    return %c0_i32, %c0_i32_0 : i32, i32
  }
  func.func @transform_2(%arg0: i32) -> (i32, i32) {
    %c0_i32 = arith.constant 0 : i32
    %c0_i32_0 = arith.constant 0 : i32
    return %arg0, %c0_i32 : i32, i32
  }
  func.func @transform_3(%arg0: i32) -> (i32, i32) {
    %c0_i32 = arith.constant 0 : i32
    %c0_i32_0 = arith.constant 0 : i32
    return %arg0, %c0_i32 : i32, i32
  }
  func.func @transform_4(%arg0: i32) -> (i32, i32) {
    %c0_i32 = arith.constant 0 : i32
    %c0_i32_0 = arith.constant 0 : i32
    return %arg0, %c0_i32 : i32, i32
  }
}

module attributes {stable_mosaic.version = 14 : i64} {
  func.func @_layer_body(%arg0: i32, %arg1: memref<400x128xf32, #tpu.memory_space<vmem>>, %arg2: memref<400x128xf32, #tpu.memory_space<vmem>>, %arg3: memref<400x128xf32, #tpu.memory_space<vmem>>, %arg4: memref<400x128xf32, #tpu.memory_space<vmem>>, %arg5: memref<400x128xf32, #tpu.memory_space<vmem>>, %arg6: memref<1x128xf32, #tpu.memory_space<vmem>>, %arg7: memref<128x128xf32, #tpu.memory_space<vmem>>, %arg8: memref<400x128xf32, #tpu.memory_space<vmem>>) attributes {dimension_semantics = [#tpu.dimension_semantics<arbitrary>], iteration_bounds = array<i64: 25>, scalar_prefetch = 0 : i64, scratch_operands = 0 : i64, tpu.core_type = #tpu.core_type<tc>, window_params = [{transform_indices = @transform_0, window_bounds = array<i64: 400, 128>}, {transform_indices = @transform_1, window_bounds = array<i64: 400, 128>}, {transform_indices = @transform_2, window_bounds = array<i64: 400, 128>}, {transform_indices = @transform_3, window_bounds = array<i64: 400, 128>}, {transform_indices = @transform_4, window_bounds = array<i64: 400, 128>}, {pipeline_mode = #tpu.pipeline_mode<synchronous>, transform_indices = @transform_5, window_bounds = array<i64: 1, 128>}, {pipeline_mode = #tpu.pipeline_mode<synchronous>, transform_indices = @transform_6, window_bounds = array<i64: 128, 128>}, {transform_indices = @transform_7, window_bounds = array<i64: 400, 128>}]} {
    %get3A = arith.constant 0 : index
    %get3A_0 = arith.constant 0 : index
    %get3A_1 = vector.load %arg4[%get3A, %get3A_0] : memref<400x128xf32, #tpu.memory_space<vmem>>, vector<400x1xf32>
    %get3A_2 = arith.constant 0 : index
    %get3A_3 = arith.constant 0 : index
    %get3A_4 = vector.load %arg5[%get3A_2, %get3A_3] : memref<400x128xf32, #tpu.memory_space<vmem>>, vector<400x1xf32>
    %add3A = arith.addf %get3A_1, %get3A_4 : vector<400x1xf32>
    %add3A_5 = arith.constant 1.000000e+00 : f32
    %add3A_6 = vector.broadcast %add3A_5 : f32 to vector<400x1xf32>
    %add3A_7 = arith.addf %add3A, %add3A_6 : vector<400x1xf32>
    %max3A = arith.constant 1.000000e+00 : f32
    %max3A_8 = vector.broadcast %max3A : f32 to vector<400x1xf32>
    %max3A_9 = arith.maximumf %add3A_7, %max3A_8 : vector<400x1xf32>
    %rsqrt3A = math.rsqrt %max3A_9 : vector<400x1xf32>
    %get3A_10 = arith.constant 0 : index
    %get3A_11 = arith.constant 0 : index
    %get3A_12 = vector.load %arg1[%get3A_10, %get3A_11] : memref<400x128xf32, #tpu.memory_space<vmem>>, vector<400x128xf32>
    %get3A_13 = arith.constant 0 : index
    %get3A_14 = arith.constant 0 : index
    %get3A_15 = vector.load %arg2[%get3A_13, %get3A_14] : memref<400x128xf32, #tpu.memory_space<vmem>>, vector<400x128xf32>
    %add3A_16 = arith.addf %get3A_12, %get3A_15 : vector<400x128xf32>
    %get3A_17 = arith.constant 0 : index
    %get3A_18 = arith.constant 0 : index
    %get3A_19 = vector.load %arg3[%get3A_17, %get3A_18] : memref<400x128xf32, #tpu.memory_space<vmem>>, vector<400x128xf32>
    %add3A_20 = arith.addf %add3A_16, %get3A_19 : vector<400x128xf32>
    %mul3A = vector.broadcast %rsqrt3A : vector<400x1xf32> to vector<400x128xf32>
    %mul3A_21 = arith.mulf %mul3A, %add3A_20 : vector<400x128xf32>
    %get3A_22 = arith.constant 0 : index
    %get3A_23 = arith.constant 0 : index
    %get3A_24 = vector.load %arg6[%get3A_22, %get3A_23] : memref<1x128xf32, #tpu.memory_space<vmem>>, vector<1x128xf32>
    %add3A_25 = vector.broadcast %get3A_24 : vector<1x128xf32> to vector<400x128xf32>
    %add3A_26 = arith.addf %mul3A_21, %add3A_25 : vector<400x128xf32>
    %max3A_27 = arith.constant 0.000000e+00 : f32
    %max3A_28 = vector.broadcast %max3A_27 : f32 to vector<400x128xf32>
    %max3A_29 = arith.maximumf %add3A_26, %max3A_28 : vector<400x128xf32>
    %get3A_30 = arith.constant 0 : index
    %get3A_31 = arith.constant 0 : index
    %get3A_32 = vector.load %arg7[%get3A_30, %get3A_31] : memref<128x128xf32, #tpu.memory_space<vmem>>, vector<128x128xf32>
    %dot_general3A = arith.constant dense<0.000000e+00> : vector<400x128xf32>
    %dot_general3A_33 = tpu.matmul %max3A_29, %get3A_32, %dot_general3A {dimension_numbers = #tpu.dot_dimension_numbers<[1], [0], [0], [1], [0, 0, 1, 1], [], []>, transpose_lhs_hint = false} : vector<400x128xf32>, vector<128x128xf32>, vector<400x128xf32> -> vector<400x128xf32>
    %mul3A_34 = vector.broadcast %rsqrt3A : vector<400x1xf32> to vector<400x128xf32>
    %mul3A_35 = arith.mulf %dot_general3A_33, %mul3A_34 : vector<400x128xf32>
    %swap3A = arith.constant 0 : index
    %swap3A_36 = arith.constant 0 : index
    %swap3A_37 = vector.load %arg8[%swap3A, %swap3A_36] : memref<400x128xf32, #tpu.memory_space<vmem>>, vector<400x128xf32>
    tpu.vector_store %arg8[%swap3A, %swap3A_36], %mul3A_35 {strides = array<i32>} : memref<400x128xf32, #tpu.memory_space<vmem>>, vector<400x128xf32>,
    return
  }
  func.func @transform_0(%arg0: i32) -> (i32, i32) {
    %c0_i32 = arith.constant 0 : i32
    %c0_i32_0 = arith.constant 0 : i32
    return %arg0, %c0_i32 : i32, i32
  }
  func.func @transform_1(%arg0: i32) -> (i32, i32) {
    %c0_i32 = arith.constant 0 : i32
    %c0_i32_0 = arith.constant 0 : i32
    return %arg0, %c0_i32 : i32, i32
  }
  func.func @transform_2(%arg0: i32) -> (i32, i32) {
    %c0_i32 = arith.constant 0 : i32
    %c0_i32_0 = arith.constant 0 : i32
    return %arg0, %c0_i32 : i32, i32
  }
  func.func @transform_3(%arg0: i32) -> (i32, i32) {
    %c0_i32 = arith.constant 0 : i32
    %c0_i32_0 = arith.constant 0 : i32
    return %arg0, %c0_i32 : i32, i32
  }
  func.func @transform_4(%arg0: i32) -> (i32, i32) {
    %c0_i32 = arith.constant 0 : i32
    %c0_i32_0 = arith.constant 0 : i32
    return %arg0, %c0_i32 : i32, i32
  }
  func.func @transform_5(%arg0: i32) -> (i32, i32) {
    %c0_i32 = arith.constant 0 : i32
    %c0_i32_0 = arith.constant 0 : i32
    %c0_i32_1 = arith.constant 0 : i32
    return %c0_i32, %c0_i32_0 : i32, i32
  }
  func.func @transform_6(%arg0: i32) -> (i32, i32) {
    %c0_i32 = arith.constant 0 : i32
    %c0_i32_0 = arith.constant 0 : i32
    %c0_i32_1 = arith.constant 0 : i32
    return %c0_i32, %c0_i32_0 : i32, i32
  }
  func.func @transform_7(%arg0: i32) -> (i32, i32) {
    %c0_i32 = arith.constant 0 : i32
    %c0_i32_0 = arith.constant 0 : i32
    return %arg0, %c0_i32 : i32, i32
  }
}

module attributes {stable_mosaic.version = 14 : i64} {
  func.func @_pool_body(%arg0: i32, %arg1: memref<400x128xf32, #tpu.memory_space<vmem>>, %arg2: memref<400x128xf32, #tpu.memory_space<vmem>>, %arg3: memref<400x128xf32, #tpu.memory_space<vmem>>, %arg4: memref<400x128xf32, #tpu.memory_space<vmem>>, %arg5: memref<400x128xf32, #tpu.memory_space<vmem>>, %arg6: memref<1x128xf32, #tpu.memory_space<vmem>>, %arg7: memref<400x1xi32, #tpu.memory_space<vmem>>, %arg8: memref<128x1xf32, #tpu.memory_space<vmem>>, %arg9: memref<1x1xf32, #tpu.memory_space<vmem>>, %arg10: memref<128x1xf32, #tpu.memory_space<vmem>>, %arg11: memref<128x128xf32, #tpu.memory_space<vmem>>, %arg12: memref<128x128xf32, #tpu.memory_space<vmem>>) attributes {dimension_semantics = [#tpu.dimension_semantics<arbitrary>], iteration_bounds = array<i64: 25>, scalar_prefetch = 0 : i64, scratch_operands = 2 : i64, tpu.core_type = #tpu.core_type<tc>, window_params = [{transform_indices = @transform_0, window_bounds = array<i64: 400, 128>}, {transform_indices = @transform_1, window_bounds = array<i64: 400, 128>}, {transform_indices = @transform_2, window_bounds = array<i64: 400, 128>}, {transform_indices = @transform_3, window_bounds = array<i64: 400, 128>}, {transform_indices = @transform_4, window_bounds = array<i64: 400, 128>}, {pipeline_mode = #tpu.pipeline_mode<synchronous>, transform_indices = @transform_5, window_bounds = array<i64: 1, 128>}, {transform_indices = @transform_6, window_bounds = array<i64: 400, 1>}, {pipeline_mode = #tpu.pipeline_mode<synchronous>, transform_indices = @transform_7, window_bounds = array<i64: 128, 1>}, {pipeline_mode = #tpu.pipeline_mode<synchronous>, transform_indices = @transform_8, window_bounds = array<i64: 1, 1>}, {pipeline_mode = #tpu.pipeline_mode<synchronous>, transform_indices = @transform_9, window_bounds = array<i64: 128, 1>}]} {
    %get3A = arith.constant 0 : index
    %get3A_0 = arith.constant 0 : index
    %get3A_1 = vector.load %arg4[%get3A, %get3A_0] : memref<400x128xf32, #tpu.memory_space<vmem>>, vector<400x1xf32>
    %get3A_2 = arith.constant 0 : index
    %get3A_3 = arith.constant 0 : index
    %get3A_4 = vector.load %arg5[%get3A_2, %get3A_3] : memref<400x128xf32, #tpu.memory_space<vmem>>, vector<400x1xf32>
    %add3A = arith.addf %get3A_1, %get3A_4 : vector<400x1xf32>
    %add3A_5 = arith.constant 1.000000e+00 : f32
    %add3A_6 = vector.broadcast %add3A_5 : f32 to vector<400x1xf32>
    %add3A_7 = arith.addf %add3A, %add3A_6 : vector<400x1xf32>
    %max3A = arith.constant 1.000000e+00 : f32
    %max3A_8 = vector.broadcast %max3A : f32 to vector<400x1xf32>
    %max3A_9 = arith.maximumf %add3A_7, %max3A_8 : vector<400x1xf32>
    %rsqrt3A = math.rsqrt %max3A_9 : vector<400x1xf32>
    %get3A_10 = arith.constant 0 : index
    %get3A_11 = arith.constant 0 : index
    %get3A_12 = vector.load %arg1[%get3A_10, %get3A_11] : memref<400x128xf32, #tpu.memory_space<vmem>>, vector<400x128xf32>
    %get3A_13 = arith.constant 0 : index
    %get3A_14 = arith.constant 0 : index
    %get3A_15 = vector.load %arg2[%get3A_13, %get3A_14] : memref<400x128xf32, #tpu.memory_space<vmem>>, vector<400x128xf32>
    %add3A_16 = arith.addf %get3A_12, %get3A_15 : vector<400x128xf32>
    %get3A_17 = arith.constant 0 : index
    %get3A_18 = arith.constant 0 : index
    %get3A_19 = vector.load %arg3[%get3A_17, %get3A_18] : memref<400x128xf32, #tpu.memory_space<vmem>>, vector<400x128xf32>
    %add3A_20 = arith.addf %add3A_16, %get3A_19 : vector<400x128xf32>
    %mul3A = vector.broadcast %rsqrt3A : vector<400x1xf32> to vector<400x128xf32>
    %mul3A_21 = arith.mulf %mul3A, %add3A_20 : vector<400x128xf32>
    %get3A_22 = arith.constant 0 : index
    %get3A_23 = arith.constant 0 : index
    %get3A_24 = vector.load %arg6[%get3A_22, %get3A_23] : memref<1x128xf32, #tpu.memory_space<vmem>>, vector<1x128xf32>
    %add3A_25 = vector.broadcast %get3A_24 : vector<1x128xf32> to vector<400x128xf32>
    %add3A_26 = arith.addf %mul3A_21, %add3A_25 : vector<400x128xf32>
    %max3A_27 = arith.constant 0.000000e+00 : f32
    %max3A_28 = vector.broadcast %max3A_27 : f32 to vector<400x128xf32>
    %max3A_29 = arith.maximumf %add3A_26, %max3A_28 : vector<400x128xf32>
    %iota3A = tpu.iota {dimensions = array<i32: 1>} : vector<400x128xi32>
    %get3A_30 = arith.constant 0 : index
    %get3A_31 = arith.constant 0 : index
    %get3A_32 = vector.load %arg7[%get3A_30, %get3A_31] : memref<400x1xi32, #tpu.memory_space<vmem>>, vector<400x1xi32>
    %eq3A = vector.broadcast %get3A_32 : vector<400x1xi32> to vector<400x128xi32>
    %eq3A_33 = arith.cmpi eq, %eq3A, %iota3A : vector<400x128xi32>
    %convert_element_type3A = arith.extui %eq3A_33 : vector<400x128xi1> to vector<400x128xi32>
    %convert_element_type3A_34 = arith.sitofp %convert_element_type3A : vector<400x128xi32> to vector<400x128xf32>
    %dot_general3A = arith.constant dense<0.000000e+00> : vector<128x128xf32>
    %dot_general3A_35 = tpu.matmul %convert_element_type3A_34, %max3A_29, %dot_general3A {dimension_numbers = #tpu.dot_dimension_numbers<[0], [0], [1], [1], [0, 1, 1, 1], [], []>, precision = #tpu.contract_precision<fp32>, transpose_lhs_hint = false} : vector<400x128xf32>, vector<400x128xf32>, vector<128x128xf32> -> vector<128x128xf32>
    %broadcast_in_dim3A = arith.constant 1.000000e+00 : f32
    %broadcast_in_dim3A_36 = vector.broadcast %broadcast_in_dim3A : f32 to vector<400x128xf32>
    %dot_general3A_37 = arith.constant dense<0.000000e+00> : vector<128x128xf32>
    %dot_general3A_38 = tpu.matmul %convert_element_type3A_34, %broadcast_in_dim3A_36, %dot_general3A_37 {dimension_numbers = #tpu.dot_dimension_numbers<[0], [0], [1], [1], [0, 1, 1, 1], [], []>, transpose_lhs_hint = false} : vector<400x128xf32>, vector<400x128xf32>, vector<128x128xf32> -> vector<128x128xf32>
    %eq3A_39 = arith.constant 0 : i32
    %eq3A_40 = arith.cmpi eq, %arg0, %eq3A_39 : i32
    %convert_element_type3A_41 = arith.extui %eq3A_40 : i1 to i32
    %cond3A = arith.constant 0 : i32
    %cond3A_42 = arith.cmpi ne, %convert_element_type3A_41, %cond3A : i32
    scf.if %cond3A_42 {
      %swap3A = arith.constant 0 : index
      %swap3A_52 = arith.constant 0 : index
      %swap3A_53 = vector.load %arg11[%swap3A, %swap3A_52] : memref<128x128xf32, #tpu.memory_space<vmem>>, vector<128x128xf32>
      tpu.vector_store %arg11[%swap3A, %swap3A_52], %dot_general3A_35 {strides = array<i32>} : memref<128x128xf32, #tpu.memory_space<vmem>>, vector<128x128xf32>,
      %swap3A_54 = arith.constant 0 : index
      %swap3A_55 = arith.constant 0 : index
      %swap3A_56 = vector.load %arg12[%swap3A_54, %swap3A_55] : memref<128x128xf32, #tpu.memory_space<vmem>>, vector<128x128xf32>
      tpu.vector_store %arg12[%swap3A_54, %swap3A_55], %dot_general3A_38 {strides = array<i32>} : memref<128x128xf32, #tpu.memory_space<vmem>>, vector<128x128xf32>,
    } else {
    }
    %gt3A = arith.constant 0 : i32
    %gt3A_43 = arith.cmpi sgt, %arg0, %gt3A : i32
    %convert_element_type3A_44 = arith.extui %gt3A_43 : i1 to i32
    %cond3A_45 = arith.constant 0 : i32
    %cond3A_46 = arith.cmpi ne, %convert_element_type3A_44, %cond3A_45 : i32
    scf.if %cond3A_46 {
      %get3A_52 = arith.constant 0 : index
      %get3A_53 = arith.constant 0 : index
      %get3A_54 = vector.load %arg11[%get3A_52, %get3A_53] : memref<128x128xf32, #tpu.memory_space<vmem>>, vector<128x128xf32>
      %add3A_55 = arith.addf %get3A_54, %dot_general3A_35 : vector<128x128xf32>
      %swap3A = arith.constant 0 : index
      %swap3A_56 = arith.constant 0 : index
      %swap3A_57 = vector.load %arg11[%swap3A, %swap3A_56] : memref<128x128xf32, #tpu.memory_space<vmem>>, vector<128x128xf32>
      tpu.vector_store %arg11[%swap3A, %swap3A_56], %add3A_55 {strides = array<i32>} : memref<128x128xf32, #tpu.memory_space<vmem>>, vector<128x128xf32>,
      %get3A_58 = arith.constant 0 : index
      %get3A_59 = arith.constant 0 : index
      %get3A_60 = vector.load %arg12[%get3A_58, %get3A_59] : memref<128x128xf32, #tpu.memory_space<vmem>>, vector<128x128xf32>
      %add3A_61 = arith.addf %get3A_60, %dot_general3A_38 : vector<128x128xf32>
      %swap3A_62 = arith.constant 0 : index
      %swap3A_63 = arith.constant 0 : index
      %swap3A_64 = vector.load %arg12[%swap3A_62, %swap3A_63] : memref<128x128xf32, #tpu.memory_space<vmem>>, vector<128x128xf32>
      tpu.vector_store %arg12[%swap3A_62, %swap3A_63], %add3A_61 {strides = array<i32>} : memref<128x128xf32, #tpu.memory_space<vmem>>, vector<128x128xf32>,
    } else {
    }
    %eq3A_47 = arith.constant 24 : i32
    %eq3A_48 = arith.cmpi eq, %arg0, %eq3A_47 : i32
    %convert_element_type3A_49 = arith.extui %eq3A_48 : i1 to i32
    %cond3A_50 = arith.constant 0 : i32
    %cond3A_51 = arith.cmpi ne, %convert_element_type3A_49, %cond3A_50 : i32
    scf.if %cond3A_51 {
      %get3A_52 = arith.constant 0 : index
      %get3A_53 = arith.constant 0 : index
      %get3A_54 = vector.load %arg11[%get3A_52, %get3A_53] : memref<128x128xf32, #tpu.memory_space<vmem>>, vector<128x128xf32>
      %get3A_55 = arith.constant 0 : index
      %get3A_56 = arith.constant 0 : index
      %get3A_57 = vector.load %arg12[%get3A_55, %get3A_56] : memref<128x128xf32, #tpu.memory_space<vmem>>, vector<128x128xf32>
      %max3A_58 = arith.constant 1.000000e+00 : f32
      %max3A_59 = vector.broadcast %max3A_58 : f32 to vector<128x128xf32>
      %max3A_60 = arith.maximumf %get3A_57, %max3A_59 : vector<128x128xf32>
      %div3A = arith.divf %get3A_54, %max3A_60 : vector<128x128xf32>
      %get3A_61 = arith.constant 0 : index
      %get3A_62 = arith.constant 0 : index
      %get3A_63 = vector.load %arg8[%get3A_61, %get3A_62] : memref<128x1xf32, #tpu.memory_space<vmem>>, vector<128x1xf32>
      %dot_general3A_64 = arith.constant dense<0.000000e+00> : vector<128x1xf32>
      %dot_general3A_65 = tpu.matmul %div3A, %get3A_63, %dot_general3A_64 {dimension_numbers = #tpu.dot_dimension_numbers<[1], [0], [0], [1], [0, 0, 1, 1], [], []>, transpose_lhs_hint = false} : vector<128x128xf32>, vector<128x1xf32>, vector<128x1xf32> -> vector<128x1xf32>
      %get3A_66 = arith.constant 0 : index
      %get3A_67 = arith.constant 0 : index
      %get3A_68 = vector.load %arg9[%get3A_66, %get3A_67] : memref<1x1xf32, #tpu.memory_space<vmem>>, vector<1x1xf32>
      %add3A_69 = vector.broadcast %get3A_68 : vector<1x1xf32> to vector<128x1xf32>
      %add3A_70 = arith.addf %dot_general3A_65, %add3A_69 : vector<128x1xf32>
      %swap3A = arith.constant 0 : index
      %swap3A_71 = arith.constant 0 : index
      %swap3A_72 = vector.load %arg10[%swap3A, %swap3A_71] : memref<128x1xf32, #tpu.memory_space<vmem>>, vector<128x1xf32>
      tpu.vector_store %arg10[%swap3A, %swap3A_71], %add3A_70 {strides = array<i32>} : memref<128x1xf32, #tpu.memory_space<vmem>>, vector<128x1xf32>,
    } else {
    }
    return
  }
  func.func @transform_0(%arg0: i32) -> (i32, i32) {
    %c0_i32 = arith.constant 0 : i32
    %c0_i32_0 = arith.constant 0 : i32
    return %arg0, %c0_i32 : i32, i32
  }
  func.func @transform_1(%arg0: i32) -> (i32, i32) {
    %c0_i32 = arith.constant 0 : i32
    %c0_i32_0 = arith.constant 0 : i32
    return %arg0, %c0_i32 : i32, i32
  }
  func.func @transform_2(%arg0: i32) -> (i32, i32) {
    %c0_i32 = arith.constant 0 : i32
    %c0_i32_0 = arith.constant 0 : i32
    return %arg0, %c0_i32 : i32, i32
  }
  func.func @transform_3(%arg0: i32) -> (i32, i32) {
    %c0_i32 = arith.constant 0 : i32
    %c0_i32_0 = arith.constant 0 : i32
    return %arg0, %c0_i32 : i32, i32
  }
  func.func @transform_4(%arg0: i32) -> (i32, i32) {
    %c0_i32 = arith.constant 0 : i32
    %c0_i32_0 = arith.constant 0 : i32
    return %arg0, %c0_i32 : i32, i32
  }
  func.func @transform_5(%arg0: i32) -> (i32, i32) {
    %c0_i32 = arith.constant 0 : i32
    %c0_i32_0 = arith.constant 0 : i32
    %c0_i32_1 = arith.constant 0 : i32
    return %c0_i32, %c0_i32_0 : i32, i32
  }
  func.func @transform_6(%arg0: i32) -> (i32, i32) {
    %c0_i32 = arith.constant 0 : i32
    %c0_i32_0 = arith.constant 0 : i32
    return %arg0, %c0_i32 : i32, i32
  }
  func.func @transform_7(%arg0: i32) -> (i32, i32) {
    %c0_i32 = arith.constant 0 : i32
    %c0_i32_0 = arith.constant 0 : i32
    %c0_i32_1 = arith.constant 0 : i32
    return %c0_i32, %c0_i32_0 : i32, i32
  }
  func.func @transform_8(%arg0: i32) -> (i32, i32) {
    %c0_i32 = arith.constant 0 : i32
    %c0_i32_0 = arith.constant 0 : i32
    %c0_i32_1 = arith.constant 0 : i32
    return %c0_i32, %c0_i32_0 : i32, i32
  }
  func.func @transform_9(%arg0: i32) -> (i32, i32) {
    %c0_i32 = arith.constant 0 : i32
    %c0_i32_0 = arith.constant 0 : i32
    %c0_i32_1 = arith.constant 0 : i32
    return %c0_i32, %c0_i32_0 : i32, i32
  }
}

</mosaic_0001>

<sc_bundles>
// kernel: kernel.11.cloned.1.call-start
scs
__scs_entry_jumppad:
0x0: {  	(pc) =	sbr.rel $0x88, $3  }
0x1: {  	(tag) =	ssettag $0x0;
	lr =	simm.s32 $0x1  }
0x2: {  	[smem:$0x3F98] =	sst lr;
	_ =	strace $0xD0000000  }
0x3: {  	_ = 	snop  }
0x4: {  	_ = 	snop  }
0x5: {  	_ = 	snop  }
0x6: {  	_ = 	snop  }
0x7: {  	_ = 	snop  }
__scs_overlays_trampoline_lowered:
0x8: {  	[smem:$0x3FA7] =	sst s0  }
0x9: {  	[smem:$0x3FA8] =	sst s1  }
0xa: {  	[smem:$0x3FA9] =	sst s2  }
0xb: {  	[smem:$0x3FAA] =	sst s3  }
0xc: {  	[smem:$0x3FAB] =	sst s4  }
0xd: {  	[smem:$0x3FAC] =	sst s5  }
0xe: {  	[smem:$0x3FAD] =	sst s6  }
0xf: {  	[smem:$0x3FAE] =	sst s7  }
0x10: {  	[smem:$0x3FAF] =	sst s8  }
0x11: {  	[smem:$0x3FB0] =	sst s9;
	s0 =	simm.s32 @!p0 $0x0  }
0x12: {  	s1 =	sld [smem:$0x3F96];
	s0 =	simm.s32 @p0 $0x1  }
0x13: {  	[smem:$0x3FB1] =	sst s0;
	s0 =	simm.s32 @!p1 $0x0  }
0x14: {  	s2 =	sld [smem:$0x3F95];
	s0 =	simm.s32 @p1 $0x1  }
0x15: {  	[smem:$0x3FB2] =	sst s0;
	s0 =	simm.s32 @!p2 $0x0  }
0x16: {  	s3 =	sld [smem:$0x3FDB];
	s0 =	simm.s32 @p2 $0x1  }
0x17: {  	s4 =	simm.s32 $0x1BF5;
	[smem:$0x3FB4] =	sst s0  }
0x18: {  	s0 =	sld [smem:$0x3F97];
	_ =	swait.ge [sflag:s4], $0x0  }
0x19: {  	s7 =	sld [smem:$0x3F98]  }
0x1a: {  	s8 =	sadd.s32 $0xFFFFE003, lr  }
0x1b: {  	s9 =	sadd.s32 $0xFFFFFEF7, lr;
	s5 =	simm.s32 $0xFFFFFFFF;
	p2 =	slt.u32 s8, $0xFFFFF086  }
0x1c: {  	p1 =	slt.u32 s9, $0xF7A;
	s5 =	simm.s32 @!p2 $0x0  }
0x1d: {  	s5 =	simm.s32 @p1 $0x1;
	p0 =	seq.s32 s7, s2  }
0x1e: {  	s7 =	smul.u32 @!p0 $0xF7A, s2;
	p2 =	seq.s32 @!p0 s5, $0x0  }
0x1f: {  	s9 =	smul.u32 $0xF7A, s1;
	s8 =	simm.s32 @!p0 $0x1BF5;
	p2 =	por !p2, p0  }
0x20: {  	[sflag:s8] =	ssyncset.s32 @!p0 $0xFFFFF086;
	s6 =	sadd.s32 @!p0 s3, s7;
	s7 =	simm.s32 @!p0 $0x108  }
0x21: {  	s3 =	sadd.s32 s3, s9;
	s6 =	sadd.s32 @!p0 $0x88, s6;
	s7 =	simm.s32 @p2 $0x1082  }
0x22: {  	[simem:s7], [sflag:s8] =	dma.local @!p0 [hbm:s6], $0xF7A  }
0x23: {  	s9 =	sor.u32 $0xD0000000, s2;
	s6 =	simm.s32 $0x108;
	_ =	swait.ge @!p0 [sflag:s8], $0x0  }
0x24: {  	s3 =	sadd.s32 $0x88, s3;
	s6 =	simm.s32 @!p1 $0x1082;
	[sflag:s4] =	ssyncset.s32 $0xFFFFF086  }
0x25: {  	[simem:s6], [sflag:s4] =	dma.local [hbm:s3], $0xF7A  }
0x26: {  	[smem:$0x3F98] =	sst s1;
	(tag) =	ssettag s2;
	_ =	strace s9  }
0x27: {  	s1 =	sld [smem:$0x3FA8]  }
0x28: {  	s2 =	sld [smem:$0x3FA9]  }
0x29: {  	s4 =	sld [smem:$0x3FAB]  }
0x2a: {  	p0 =	seq.s32 s5, $0x0;
	s5 =	sld [smem:$0x3FAC]  }
0x2b: {  	s6 =	sld [smem:$0x3FAD]  }
0x2c: {  	s7 =	sld [smem:$0x3FAE]  }
0x2d: {  	s3 =	simm.s32 $0x108;
	s8 =	sld [smem:$0x3FAF]  }
0x2e: {  	s3 =	simm.s32 @!p0 $0x1082;
	s9 =	sld [smem:$0x3FB0]  }
0x2f: {  	lr =	sadd.s32 s0, s3;
	s0 =	sld [smem:$0x3FA7]  }
0x30: {  	s3 =	sld [smem:$0x3FAA]  }
0x31: {  	[smem:$0x3FB3] =	sst s10  }
0x32: {  	s10 =	sld [smem:$0x3FB1];
	_ =	sdelay $0x3  }
0x33: {  	p0 =	seq.s32 s10, $0x1;
	s10 =	sld [smem:$0x3FB3];
	_ =	sdelay $0x3  }
0x34: {  	[smem:$0x3FB3] =	sst s10  }
0x35: {  	s10 =	sld [smem:$0x3FB2];
	_ =	sdelay $0x3  }
0x36: {  	p1 =	seq.s32 s10, $0x1;
	s10 =	sld [smem:$0x3FB3];
	_ =	sdelay $0x3  }
0x37: {  	[smem:$0x3FB3] =	sst s10  }
0x38: {  	s10 =	sld [smem:$0x3FB4]  }
0x39: {  	_ = 	snop;
	(pc) =	sbr.ind lr, $3  }
0x3a: {  	_ = 	snop  }
0x3b: {  	_ = 	snop  }
0x3c: {  	p2 =	seq.s32 s10, $0x1;
	s10 =	sld [smem:$0x3FB3]  }
0x3d: {  	_ =	shalt  }
0x3e: {  	_ =	shalt  }
0x3f: {  	_ =	shalt  }
0x40: {  	_ =	shalt  }
0x41: {  	_ =	shalt  }
0x42: {  	_ =	shalt  }
0x43: {  	_ =	shalt  }
0x44: {  	_ =	shalt  }
0x45: {  	_ =	shalt  }
0x46: {  	_ =	shalt  }
0x47: {  	_ =	shalt  }
0x48: {  	_ =	shalt  }
0x49: {  	_ =	shalt  }
0x4a: {  	_ =	shalt  }
0x4b: {  	_ =	shalt  }
0x4c: {  	_ =	shalt  }
0x4d: {  	_ =	shalt  }
0x4e: {  	_ =	shalt  }
0x4f: {  	_ =	shalt  }
0x50: {  	_ =	shalt  }
0x51: {  	_ =	shalt  }
0x52: {  	_ =	shalt  }
0x53: {  	_ =	shalt  }
0x54: {  	_ =	shalt  }
0x55: {  	_ =	shalt  }
0x56: {  	_ =	shalt  }
0x57: {  	_ =	shalt  }
0x58: {  	_ =	shalt  }
0x59: {  	_ =	shalt  }
0x5a: {  	_ =	shalt  }
0x5b: {  	_ =	shalt  }
0x5c: {  	_ =	shalt  }
0x5d: {  	_ =	shalt  }
0x5e: {  	_ =	shalt  }
0x5f: {  	_ =	shalt  }
0x60: {  	_ =	shalt  }
0x61: {  	_ =	shalt  }
0x62: {  	_ =	shalt  }
0x63: {  	_ =	shalt  }
0x64: {  	_ =	shalt  }
0x65: {  	_ =	shalt  }
0x66: {  	_ =	shalt  }
0x67: {  	_ =	shalt  }
0x68: {  	_ =	shalt  }
0x69: {  	_ =	shalt  }
0x6a: {  	_ =	shalt  }
0x6b: {  	_ =	shalt  }
0x6c: {  	_ =	shalt  }
0x6d: {  	_ =	shalt  }
0x6e: {  	_ =	shalt  }
0x6f: {  	_ =	shalt  }
0x70: {  	_ =	shalt  }
0x71: {  	_ =	shalt  }
0x72: {  	_ =	shalt  }
0x73: {  	_ =	shalt  }
0x74: {  	_ =	shalt  }
0x75: {  	_ =	shalt  }
0x76: {  	_ =	shalt  }
0x77: {  	_ =	shalt  }
0x78: {  	_ =	shalt  }
0x79: {  	_ =	shalt  }
0x7a: {  	_ =	shalt  }
0x7b: {  	_ =	shalt  }
0x7c: {  	_ =	shalt  }
0x7d: {  	_ =	shalt  }
0x7e: {  	_ =	shalt  }
0x7f: {  	_ =	shalt  }
0x80: {  	_ =	shalt  }
0x81: {  	_ =	shalt  }
0x82: {  	_ =	shalt  }
0x83: {  	_ =	shalt  }
0x84: {  	_ =	shalt  }
0x85: {  	_ =	shalt  }
0x86: {  	_ =	shalt  }
0x87: {  	_ =	shalt  }
.Lfunc_end0:
.L_simem_size_0:
called_computation.1_lowered:
.L_overlay_start_0:
0x88: {  	s2 =	sld [smem:$0x3FD9]  }
0x89: {  	s3 =	sld [smem:$0x3FFE];
	_ =	sdelay $0x1  }
0x8a: {  	s1 =	srdreg.scid  }
0x8b: {  	s0 =	sand.u32 $0x1, s1  }
0x8c: {  	s16 =	sshll.u32 s0, $0xA;
	s2 =	sadd.s32 s3, s2  }
0x8d: {  	s2 =	sadd.s32 s2, s16  }
0x8e: {  	[smem:$0x3FBF] =	sst s2  }
0x8f: {  	_ = 	snop  }
0x90: {  	(tm) =	ssettm $0x1  }
0x91: {  	s17 =	sld [smem:$0x3FFB];
	_ =	sdelay $0x3  }
0x92: {  	_ =	strace s17  }
0x93: {  	s2 =	sld [smem:$0x3FFC];
	_ =	sdelay $0x3  }
0x94: {  	_ =	strace s2  }
0x95: {  	s2 =	sld [smem:$0x3FFD];
	_ =	sdelay $0x3  }
0x96: {  	_ =	strace s2  }
0x97: {  	_ =	strace $0x8FFFFFFF  }
0x98: {  	s18 =	sld [smem:$0x3FDB];
	_ =	sdelay $0x1  }
0x99: {  	s19 =	simm.s32 $_scs_section_size  }
0x9a: {  	s4 =	simm.s32 $_size__tile_overlayer_lowered;
	s5 =	simm.s32 $_tile_overlayer_lowered  }
0x9b: {  	s22 =	simm.s32 $0x1BFF;
	s21 =	sshll.u32 s5, $0x1;
	s2 =	sadd.s32 s19, s18  }
0x9c: {  	s6 =	simm.s32 $0x0;
	s20 =	sshll.u32 s4, $0x1;
	s4 =	sadd.s32 s21, s2  }
0x9d: {  	[timem:s6], [sflag:s22] =	dma.local [hbm:s4], s20  }
0x9e: {  	_ =	swait.ge [sflag:s22], s20  }
0x9f: {  	s3 =	ssub.s32 $0x0, s20;
	[sflag:s22] =	ssyncset.done $0x0  }
0xa0: {  	[sflag:s22] =	ssyncadd.s32 s3;
	_ =	sdelay $0x1  }
0xa1: {  	s23 =	simm.s32 $0x1B8B  }
0xa2: {  	_ =	swait.ge [sflag:s23], $0x1  }
0xa3: {  	[sflag:s23] =	ssyncset.done $0x0  }
0xa4: {  	s25 =	simm.s32 $0x1B8E;
	s24 =	sld [smem:$0x3FFE];
	[sflag:s23] =	ssyncadd.s32 $0xFFFFFFFF  }
0xa5: {  	s26 =	simm.s32 $execute0_lowered;
	[smem:$0x3FD2] =	sst s25  }
0xa6: {  	s4 =	sshll.u32 s26, $0x1;
	_ =	strace $0x80000049;
	[dreg:$0x1] =	wrdreg $0xFFFFFFFF  }
0xa7: {  	s28 =	simm.s32 $_size_execute0_lowered;
	s2 =	sadd.s32 s2, s4;
	[dreg:$0x0] =	wrdreg $0x0  }
0xa8: {  	s4 =	sshll.u32 s28, $0x1;
	[dreg:$0x2] =	wrdreg s2  }
0xa9: {  	[dreg:$0x3] =	wrdreg s4  }
0xaa: {  	[dreg:$0x4] =	wrdreg $0xC0  }
0xab: {  	_ =	task [dreg:s6], $0x5FFFF  }
0xac: {  	[dreg:$0x1] =	wrdreg $0xFFFFFFFF  }
0xad: {  	[dreg:$0x0] =	wrdreg $0x60  }
0xae: {  	[dreg:$0x2] =	wrdreg s24  }
0xaf: {  	[dreg:$0x3] =	wrdreg $0xA4000  }
0xb0: {  	[dreg:$0x4] =	wrdreg $0x9  }
0xb1: {  	_ =	task.clear_ibuf [dreg:s6], $0x5FFFF;
	_ =	strace $0x90000049  }
0xb2: {  	s29 =	simm.s32 $0x9;
	_ =	strace $0x8000004B  }
0xb3: {  	_ =	swait.ge [sflag:s29], $0x1  }
0xb4: {  	[sflag:s29] =	ssyncadd.s32 $0xFFFFFFFF  }
0xb5: {  	_ =	strace $0x9000004B  }
0xb6: {  	_ =	sfence  }
0xb7: {  	s30 =	sld [smem:$0x0];
	_ =	sdelay $0x2  }
0xb8: {  	s31 =	sshll.u32 s1, $0xD;
	s1 =	sshrl.u32 s1, $0x2  }
0xb9: {  	s3 =	sand.u32 $0x4000, s31;
	s1 =	sadd.s32 s1, s30  }
0xba: {  	s0 =	sor.u32 s3, s0;
	s1 =	sshll.u32 s1, $0x11  }
0xbb: {  	s0 =	sor.u32 s1, s0  }
0xbc: {  	s0 =	sadd.s32 $0x8F2B, s0  }
0xbd: {  	[sflag:s0] =	ssyncadd.remote.s32 $0x1  }
0xbe: {  	_ =	sfence.sel $0xFFFF  }
0xbf: {  	[dreg:$0x0] =	wrdreg $0xFFFFFFFF;
	(pc) =	sbr.abs _section_cstart, $3  }
0xc0: {  	[dreg:$0x1] =	wrdreg $0xFFFFFFFF  }
0xc1: {  	_ =	task.clear_ibuf [dreg:s6], $0x2FFFF;
	_ =	strace $0x9FFFFFFF  }
0xc2: {  	(tm) =	ssettm $0x7FFFFFFF  }
0xc3: {  	_ =	shalt  }
tec
execute0_lowered:
.L_overlay_start_1:
0x0: {  	(tag) =	ssettag $0x1  }
0x1: {  	s9 =	rddreg [dreg:$0x0]  }
0x2: {  	s1 =	rddreg [dreg:$0x1];
	s3 =	simm.s32 $0x0;
	s0 =	stileid.u32  }
0x3: {  	s5 =	srdreg.scid;
	s20 =	simm.s32 $0x0;
	[smem:$0x7FF] =	sst s3  }
0x4: {  	s4 =	sadd.s32 $0x8D000, s9;
	s10 =	smul.u32 $0x13800, s0;
	s11 =	sadd.s32 $0x3E00, s9  }
0x5: {  	s12 =	sadd.s32 $0xDC00, s9;
	s5 =	sand.u32 $0x1, s5;
	s8 =	smul.u32 $0x4E000, s0  }
0x6: {  	s15 =	sadd.s32 $0xB4200, s9;
	s16 =	smul.u32 $0x2710, s0;
	s23 =	sshll.u32 s0, $0x6  }
0x7: {  	p0 =	sne.s32 s0, $0xF;
	_ =	strace $0x8000004A;
	s14 =	smul.u32 $0x27100, s5  }
0x8: {  	s7 =	ssub.s32 $0x2, s5;
	s17 =	smul.u32 $0x138800, s5;
	s6 =	sshrl.u32 s10, $0x3  }
0x9: {  	s13 =	sshrl.u32 s7, $0x1;
	s22 =	sshrl.u32 s8, $0x2;
	s8 =	sadd.s32 $0x138000, s1  }
0xa: {  	s6 =	sadd.s32 s6, s9;
	s13 =	ssub.s32 s7, s13;
	s2 =	sadd.s32 s22, s1  }
0xb: {  	s7 =	sor.u32 $0x1C0D, s23;
	s14 =	sadd.s32 s16, s14;
	s10 =	sadd.s32 s10, s17  }
0xc: {  	s9 =	sadd.s32 $0x3EA00, s9;
	s17 =	sshrl.u32 s17, $0x3;
	[dreg:$0xb] =	wrdreg s2  }
0xd: {  	s6 =	sadd.s32 $0x17A00, s6;
	s10 =	sshrl.u32 s10, $0x3;
	s16 =	sshrl.u32 s14, $0x3  }
0xe: {  	s19 =	sadd.s32 $0xF0, s14;
	s26 =	sadd.s32 $0xA0, s14;
	s14 =	sadd.s32 $0x50, s14  }
0xf: {  	s10 =	sadd.s32 s15, s10;
	s18 =	sadd.s32 s16, s12;
	s16 =	sadd.s32 s16, s11  }
0x10: {  	s24 =	sshrl.u32 s19, $0x3;
	s29 =	sshrl.u32 s26, $0x3;
	s14 =	sshrl.u32 s14, $0x3  }
0x11: {  	s15 =	sadd.s32 s15, s17;
	s17 =	simm.s32 $0x400;
	[dreg:$0x4] =	wrdreg s18  }
0x12: {  	s19 =	simm.s32 $0x9;
	[dreg:$0x3] =	wrdreg s16;
	s25 =	sadd.s32 s24, s12  }
0x13: {  	s28 =	sadd.s32 s24, s11;
	s30 =	sadd.s32 s29, s12;
	[dreg:$0xa] =	wrdreg s25  }
0x14: {  	s31 =	sadd.s32 s29, s11;
	s12 =	sadd.s32 s14, s12;
	[dreg:$0x9] =	wrdreg s28  }
0x15: {  	s14 =	sadd.s32 s14, s11;
	s11 =	sadd.s32 $0x27000, s15;
	[dreg:$0x8] =	wrdreg s30  }
0x16: {  	s15 =	simm.s32 $0x1;
	s16 =	simm.s32 $0x50;
	[dreg:$0x7] =	wrdreg s31  }
0x17: {  	s18 =	simm.s32 $0x5;
	[dreg:$0x6] =	wrdreg s12;
	s12 =	smax.u32 s13, $0x1  }
0x18: {  	[dreg:$0x5] =	wrdreg s14;
	s13 =	simm.s32 $0xD;
	s14 =	simm.s32 $0x200  }
.LBB2_1:
0x19: {  	s0 =	rddreg [dreg:$0xb]  }
0x1a: {  	s21 =	sshrl.u32 s0, $0x3  }
0x1b: {  	[spmem:s21], [sflag:s7] =	dma.local [hbm:s6], $0x2700  }
0x1c: {  	_ =	swait.ge [sflag:s13], $0x2700  }
0x1d: {  	[sflag:s13] =	ssyncset.done $0x0  }
0x1e: {  	s22 =	sshrl.u32 @!p0 s8, $0x3;
	s23 =	simm.s32 @!p0 $0xD;
	[sflag:s13] =	ssyncadd.s32 $0xFFFFD900  }
0x1f: {  	[spmem:s22], [sflag:s7] =	dma.local @!p0 [hbm:s9], $0x100  }
0x20: {  	_ =	swait.ge @!p0 [sflag:s23], $0x100  }
0x21: {  	[sflag:s23] =	ssyncset.done @!p0 $0x0  }
0x22: {  	p1 =	por $0x1, $0x1;
	[sflag:s23] =	ssyncadd.s32 @!p0 $0xFFFFFF00  }
0x23: {  	s25 =	simm.s32 @!p1 $0x4;
	[bflag:$0x0] =	sbarrier.arrive $0xFFFF  }
0x24: {  	_ =	swait.ge @!p1 [sflag:s25], $0x50  }
0x25: {  	[sflag:s25] =	ssyncset.done @!p1 $0x0  }
0x26: {  	[sflag:s25] =	ssyncadd.s32 @!p1 $0xFFFFFFB0  }
0x27: {  	p2 =	por @!p1 $0x1, $0x1;
	s26 =	simm.s32 @!p1 $0x180;
	_ =	swait.ge @!p1 [sflag:s25], $0x50  }
0x28: {  	s24 =	simm.s32 @!p1 $0x50;
	p3 =	por p2, p1;
	[sflag:s25] =	ssyncset.done @!p1 $0x0  }
0x29: {  	s28 =	simm.s32 @!p3 $0x6;
	s23 =	simm.s32 @!p1 $0x7C00;
	[sflag:s25] =	ssyncadd.s32 @!p1 $0xFFFFFFB0  }
0x2a: {  	[tilespmem:s23], [sflag:$0x8] =	stream.indirect.gather @!p1 [hbm4b:s4+s24], $0x80, s26, s24, $0xb8;
	[tilespmem:$0x1DC80] =	vst v63  }
0x2b: {  	p2 =	por $0x1, $0x1;
	_ =	swait.ge @!p3 [sflag:s28], $0x2800  }
0x2c: {  	s29 =	simm.s32 @!p2 $0x9;
	s25 =	simm.s32 @!p3 $0x2C00;
	[sflag:s28] =	ssyncset.done @!p3 $0x0  }
0x2d: {  	s26 =	simm.s32 @!p3 $0x50;
	[sflag:s28] =	ssyncadd.s32 @!p3 $0xFFFFD800;
	s28 =	simm.s32 @!p3 $0x280  }
0x2e: {  	[spmem:s1] =	stream.indirect.scatter.add.f32 @!p3 [tilespmem:s25], [sflag:$0xA], $0x80, s28, s26, $0xb8;
	[tilespmem:$0x1DC80] =	vst v63  }
0x2f: {  	_ =	swait.ge @!p2 [sflag:s29], $0x2800  }
0x30: {  	s2 =	rddreg [dreg:$0x3];
	[sflag:s29] =	ssyncset.done @!p2 $0x0  }
0x31: {  	s5 =	rddreg [dreg:$0x4];
	[sflag:s29] =	ssyncadd.s32 @!p2 $0xFFFFD800;
	s25 =	sadd.s32 $0x0, s2  }
0x32: {  	[tilespmem:s3], [sflag:$0x1] =	stream.linear.gather [hbm4b:s25+s3], $0x50, $0x38;
	[tilespmem:$0x1DC80] =	vst v63  }
0x33: {  	s26 =	sadd.s32 $0x0, s5  }
0x34: {  	[tilespmem:s14], [sflag:$0x1] =	stream.linear.gather [hbm4b:s26+s3], $0x50, $0x38;
	[tilespmem:$0x1DC80] =	vst v63  }
0x35: {  	_ =	swait.ge [sflag:s15], $0x50  }
0x36: {  	[sflag:s15] =	ssyncset.done $0x0  }
0x37: {  	[sflag:s15] =	ssyncadd.s32 $0xFFFFFFB0  }
0x38: {  	_ =	swait.ge [sflag:s15], $0x50  }
0x39: {  	p3 =	por $0x1, $0x1;
	[sflag:s15] =	ssyncset.done $0x0  }
0x3a: {  	s25 =	simm.s32 @!p3 $0x7;
	[sflag:s15] =	ssyncadd.s32 $0xFFFFFFB0  }
0x3b: {  	[tilespmem:s17], [sflag:$0x5] =	stream.indirect.gather [hbm4b:s4+s16], $0x80, s3, s16, $0xb8;
	[tilespmem:$0x1DC80] =	vst v63  }
0x3c: {  	_ =	swait.ge @!p3 [sflag:s25], $0x2800  }
0x3d: {  	s28 =	simm.s32 @!p3 $0x5400;
	[sflag:s25] =	ssyncset.done @!p3 $0x0  }
0x3e: {  	s29 =	simm.s32 @!p3 $0x50;
	s26 =	simm.s32 @!p3 $0x300;
	[sflag:s25] =	ssyncadd.s32 @!p3 $0xFFFFD800  }
0x3f: {  	[spmem:s1] =	stream.indirect.scatter.add.f32 @!p3 [tilespmem:s28], [sflag:$0xB], $0x80, s26, s29, $0xb8;
	[tilespmem:$0x1DC80] =	vst v63  }
0x40: {  	s30 =	simm.s32 @!p2 $0xA;
	p3 =	por $0x0, $0x0  }
0x41: {  	_ =	swait.ge @!p2 [sflag:s30], $0x2800;
	s28 =	simm.s32 @!p3 $0x0  }
0x42: {  	s29 =	simm.s32 @!p3 $0x80;
	s25 =	rddreg [dreg:$0x5];
	[sflag:s30] =	ssyncset.done @!p2 $0x0  }
0x43: {  	s26 =	rddreg [dreg:$0x6];
	[sflag:s30] =	ssyncadd.s32 @!p2 $0xFFFFD800;
	s25 =	sadd.s32 @!p3 $0x0, s25  }
0x44: {  	[tilespmem:s29], [sflag:$0x2] =	stream.linear.gather @!p3 [hbm4b:s25+s28], $0x50, $0x38;
	[tilespmem:$0x1DC80] =	vst v63  }
0x45: {  	s30 =	simm.s32 @!p3 $0x2;
	s25 =	sadd.s32 @!p3 $0x0, s26;
	s26 =	simm.s32 @!p3 $0x280  }
0x46: {  	[tilespmem:s26], [sflag:$0x2] =	stream.linear.gather @!p3 [hbm4b:s25+s28], $0x50, $0x38;
	[tilespmem:$0x1DC80] =	vst v63  }
0x47: {  	_ =	swait.ge @!p3 [sflag:s30], $0x50  }
0x48: {  	[sflag:s30] =	ssyncset.done @!p3 $0x0  }
0x49: {  	[sflag:s30] =	ssyncadd.s32 @!p3 $0xFFFFFFB0  }
0x4a: {  	_ =	swait.ge @!p3 [sflag:s30], $0x50  }
0x4b: {  	s25 =	simm.s32 @!p3 $0x2C00;
	[sflag:s30] =	ssyncset.done @!p3 $0x0  }
0x4c: {  	s26 =	simm.s32 @!p3 $0x50;
	s28 =	simm.s32 @!p1 $0x8;
	[sflag:s30] =	ssyncadd.s32 @!p3 $0xFFFFFFB0  }
0x4d: {  	[tilespmem:s25], [sflag:$0x6] =	stream.indirect.gather @!p3 [hbm4b:s4+s26], $0x80, s29, s26, $0xb8;
	[tilespmem:$0x1DC80] =	vst v63  }
0x4e: {  	_ =	swait.ge @!p1 [sflag:s28], $0x2800  }
0x4f: {  	[sflag:s28] =	ssyncset.done @!p1 $0x0  }
0x50: {  	s25 =	simm.s32 @!p1 $0x380;
	s26 =	simm.s32 @!p2 $0xB;
	[sflag:s28] =	ssyncadd.s32 @!p1 $0xFFFFD800  }
0x51: {  	[spmem:s1] =	stream.indirect.scatter.add.f32 @!p1 [tilespmem:s23], [sflag:$0xC], $0x80, s25, s24, $0xb8;
	[tilespmem:$0x1DC80] =	vst v63  }
0x52: {  	_ =	swait.ge @!p2 [sflag:s26], $0x2800  }
0x53: {  	p1 =	por $0x0, $0x0;
	s23 =	rddreg [dreg:$0x7]  }
0x54: {  	s25 =	simm.s32 @!p1 $0x0;
	[sflag:s26] =	ssyncset.done @!p2 $0x0;
	s24 =	rddreg [dreg:$0x8]  }
0x55: {  	[sflag:s26] =	ssyncadd.s32 @!p2 $0xFFFFD800;
	s23 =	sadd.s32 @!p1 $0x0, s23;
	s26 =	simm.s32 @!p1 $0x100  }
0x56: {  	[tilespmem:s26], [sflag:$0x3] =	stream.linear.gather @!p1 [hbm4b:s23+s25], $0x50, $0x38;
	[tilespmem:$0x1DC80] =	vst v63  }
0x57: {  	s28 =	simm.s32 @!p1 $0x3;
	s23 =	sadd.s32 @!p1 $0x0, s24;
	s24 =	simm.s32 @!p1 $0x300  }
0x58: {  	[tilespmem:s24], [sflag:$0x3] =	stream.linear.gather @!p1 [hbm4b:s23+s25], $0x50, $0x38;
	[tilespmem:$0x1DC80] =	vst v63  }
0x59: {  	_ =	swait.ge @!p1 [sflag:s28], $0x50  }
0x5a: {  	[sflag:s28] =	ssyncset.done @!p1 $0x0  }
0x5b: {  	[sflag:s28] =	ssyncadd.s32 @!p1 $0xFFFFFFB0  }
0x5c: {  	_ =	swait.ge @!p1 [sflag:s28], $0x50  }
0x5d: {  	[sflag:s28] =	ssyncset.done @!p1 $0x0  }
0x5e: {  	s23 =	simm.s32 @!p1 $0x50;
	s24 =	simm.s32 @!p1 $0x5400;
	[sflag:s28] =	ssyncadd.s32 @!p1 $0xFFFFFFB0  }
0x5f: {  	[tilespmem:s24], [sflag:$0x7] =	stream.indirect.gather @!p1 [hbm4b:s4+s23], $0x80, s26, s23, $0xb8;
	[tilespmem:$0x1DC80] =	vst v63  }
0x60: {  	p6 =	por $0x0, $0x0;
	_ =	swait.ge [sflag:s18], $0x2800  }
0x61: {  	s31 =	simm.s32 $0x3;
	s25 =	simm.s32 $0x50;
	[sflag:s18] =	ssyncset.done $0x0  }
0x62: {  	s26 =	simm.s32 @!p2 $0xC;
	s23 =	simm.s32 $0x28;
	[sflag:s18] =	ssyncadd.s32 $0xFFFFD800  }
0x63: {  	[spmem:s1] =	stream.indirect.scatter.add.f32 [tilespmem:s17], [sflag:$0x9], $0x80, s14, s16, $0xb8;
	[tilespmem:$0x1DC80] =	vst v63  }
0x64: {  	p1 =	por p6, p6;
	s24 =	simm.s32 $0x7;
	_ =	swait.ge @!p2 [sflag:s26], $0x2800  }
0x65: {  	s28 =	simm.s32 @!p1 $0x380;
	[sflag:s26] =	ssyncset.done @!p2 $0x0;
	s29 =	rddreg [dreg:$0x9]  }
0x66: {  	s30 =	rddreg [dreg:$0xa];
	[sflag:s26] =	ssyncadd.s32 @!p2 $0xFFFFD800;
	s26 =	simm.s32 $0x0  }
.LBB2_2:
0x67: {  	p4 =	sgt.u32 s31, $0x7C;
	s31 =	simm.s32 @!p1 $0x180  }
0x68: {  	s29 =	sadd.s32 @!p1 s26, s29;
	s5 =	simm.s32 @!p1 $0x0;
	s2 =	sadd.s32 @!p4 $0xFFFFFFFA, s24  }
0x69: {  	[tilespmem:s31], [sflag:$0x4] =	stream.linear.gather @!p1 [hbm4b:s29+s5], $0x50, $0x38;
	[tilespmem:$0x1DC80] =	vst v63  }
0x6a: {  	p3 =	sgt.u32 @!p4 s2, $0x7C;
	s2 =	sadd.s32 @!p1 s26, s30;
	s30 =	simm.s32 @!p4 $0x4  }
0x6b: {  	[tilespmem:s28], [sflag:$0x4] =	stream.linear.gather @!p1 [hbm4b:s2+s5], $0x50, $0x38;
	[tilespmem:$0x1DC80] =	vst v63  }
0x6c: {  	_ =	swait.ge @!p4 [sflag:s30], $0x50  }
0x6d: {  	p5 =	sgt.u32 s24, $0x7C;
	s0 =	smov.u32 s25;
	[sflag:s30] =	ssyncset.done @!p4 $0x0  }
0x6e: {  	s29 =	simm.s32 @!p4 $0x50;
	s26 =	smov.u32 s23;
	[sflag:s30] =	ssyncadd.s32 @!p4 $0xFFFFFFB0  }
0x6f: {  	s23 =	smov.u32 s0;
	s0 =	simm.s32 @!p4 $0x180;
	_ =	swait.ge @!p4 [sflag:s30], $0x50  }
0x70: {  	p1 =	por p5, p5;
	p5 =	por p3, p4;
	[sflag:s30] =	ssyncset.done @!p4 $0x0  }
0x71: {  	s28 =	simm.s32 @!p4 $0x7C00;
	s2 =	simm.s32 @!p5 $0x6;
	[sflag:s30] =	ssyncadd.s32 @!p4 $0xFFFFFFB0  }
0x72: {  	[tilespmem:s28], [sflag:$0x8] =	stream.indirect.gather @!p4 [hbm4b:s4+s29], $0x80, s0, s29, $0xb8;
	[tilespmem:$0x1DC80] =	vst v63  }
0x73: {  	p3 =	seq.s32 s26, $0x0;
	_ =	swait.ge @!p5 [sflag:s2], $0x2800  }
0x74: {  	s5 =	simm.s32 @!p5 $0x50;
	s30 =	simm.s32 @!p3 $0x9;
	[sflag:s2] =	ssyncset.done @!p5 $0x0  }
0x75: {  	s0 =	simm.s32 @!p5 $0x2C00;
	[sflag:s2] =	ssyncadd.s32 @!p5 $0xFFFFD800;
	s2 =	simm.s32 @!p5 $0x280  }
0x76: {  	[spmem:s1] =	stream.indirect.scatter.add.f32 @!p5 [tilespmem:s0], [sflag:$0xA], $0x80, s2, s5, $0xb8;
	[tilespmem:$0x1DC80] =	vst v63  }
0x77: {  	_ =	swait.ge @!p3 [sflag:s30], $0x2800  }
0x78: {  	s2 =	rddreg [dreg:$0x3];
	[sflag:s30] =	ssyncset.done @!p3 $0x0  }
0x79: {  	s5 =	rddreg [dreg:$0x4];
	[sflag:s30] =	ssyncadd.s32 @!p3 $0xFFFFD800;
	s0 =	sadd.s32 s26, s2  }
0x7a: {  	[tilespmem:s3], [sflag:$0x1] =	stream.linear.gather [hbm4b:s0+s3], $0x50, $0x38;
	[tilespmem:$0x1DC80] =	vst v63  }
0x7b: {  	s2 =	sadd.s32 s26, s5  }
0x7c: {  	[tilespmem:s14], [sflag:$0x1] =	stream.linear.gather [hbm4b:s2+s3], $0x50, $0x38;
	[tilespmem:$0x1DC80] =	vst v63  }
0x7d: {  	_ =	swait.ge [sflag:s15], $0x50  }
0x7e: {  	[sflag:s15] =	ssyncset.done $0x0  }
0x7f: {  	[sflag:s15] =	ssyncadd.s32 $0xFFFFFFB0  }
0x80: {  	s5 =	sadd.s32 $0xFFFFFFFB, s24;
	_ =	swait.ge [sflag:s15], $0x50  }
0x81: {  	p5 =	sgt.u32 s5, $0x7C;
	[sflag:s15] =	ssyncset.done $0x0  }
0x82: {  	s0 =	simm.s32 @!p5 $0x7;
	[sflag:s15] =	ssyncadd.s32 $0xFFFFFFB0  }
0x83: {  	[tilespmem:s17], [sflag:$0x5] =	stream.indirect.gather [hbm4b:s4+s16], $0x80, s3, s16, $0xb8;
	[tilespmem:$0x1DC80] =	vst v63  }
0x84: {  	_ =	swait.ge @!p5 [sflag:s0], $0x2800  }
0x85: {  	s31 =	simm.s32 @!p3 $0xA;
	s5 =	simm.s32 @!p5 $0x5400;
	[sflag:s0] =	ssyncset.done @!p5 $0x0  }
0x86: {  	s30 =	simm.s32 @!p5 $0x50;
	s2 =	simm.s32 @!p5 $0x300;
	[sflag:s0] =	ssyncadd.s32 @!p5 $0xFFFFD800  }
0x87: {  	[spmem:s1] =	stream.indirect.scatter.add.f32 @!p5 [tilespmem:s5], [sflag:$0xB], $0x80, s2, s30, $0xb8;
	[tilespmem:$0x1DC80] =	vst v63  }
0x88: {  	s2 =	sadd.s32 $0xFFFFFFFE, s24;
	_ =	swait.ge @!p3 [sflag:s31], $0x2800  }
0x89: {  	p5 =	sgt.u32 s2, $0x7C;
	s0 =	rddreg [dreg:$0x5]  }
0x8a: {  	[sflag:s31] =	ssyncset.done @!p3 $0x0;
	s5 =	rddreg [dreg:$0x6];
	s2 =	simm.s32 @!p5 $0x0  }
0x8b: {  	s30 =	simm.s32 @!p5 $0x80;
	[sflag:s31] =	ssyncadd.s32 @!p3 $0xFFFFD800;
	s0 =	sadd.s32 @!p5 s26, s0  }
0x8c: {  	[tilespmem:s30], [sflag:$0x2] =	stream.linear.gather @!p5 [hbm4b:s0+s2], $0x50, $0x38;
	[tilespmem:$0x1DC80] =	vst v63  }
0x8d: {  	s31 =	simm.s32 @!p5 $0x2;
	s0 =	sadd.s32 @!p5 s26, s5;
	s5 =	simm.s32 @!p5 $0x280  }
0x8e: {  	[tilespmem:s5], [sflag:$0x2] =	stream.linear.gather @!p5 [hbm4b:s0+s2], $0x50, $0x38;
	[tilespmem:$0x1DC80] =	vst v63  }
0x8f: {  	_ =	swait.ge @!p5 [sflag:s31], $0x50  }
0x90: {  	[sflag:s31] =	ssyncset.done @!p5 $0x0  }
0x91: {  	[sflag:s31] =	ssyncadd.s32 @!p5 $0xFFFFFFB0  }
0x92: {  	_ =	swait.ge @!p5 [sflag:s31], $0x50  }
0x93: {  	s0 =	simm.s32 @!p5 $0x2C00;
	[sflag:s31] =	ssyncset.done @!p5 $0x0  }
0x94: {  	s2 =	simm.s32 @!p5 $0x50;
	s5 =	simm.s32 @!p4 $0x8;
	[sflag:s31] =	ssyncadd.s32 @!p5 $0xFFFFFFB0  }
0x95: {  	[tilespmem:s0], [sflag:$0x6] =	stream.indirect.gather @!p5 [hbm4b:s4+s2], $0x80, s30, s2, $0xb8;
	[tilespmem:$0x1DC80] =	vst v63  }
0x96: {  	_ =	swait.ge @!p4 [sflag:s5], $0x2800  }
0x97: {  	[sflag:s5] =	ssyncset.done @!p4 $0x0  }
0x98: {  	s0 =	simm.s32 @!p4 $0x380;
	[sflag:s5] =	ssyncadd.s32 @!p4 $0xFFFFD800;
	s5 =	sadd.s32 $0xFFFFFFFF, s24  }
0x99: {  	[spmem:s1] =	stream.indirect.scatter.add.f32 @!p4 [tilespmem:s28], [sflag:$0xC], $0x80, s0, s29, $0xb8;
	[tilespmem:$0x1DC80] =	vst v63  }
0x9a: {  	s2 =	simm.s32 @!p3 $0xB;
	p4 =	sgt.u32 s5, $0x7C  }
0x9b: {  	_ =	swait.ge @!p3 [sflag:s2], $0x2800;
	s5 =	simm.s32 @!p4 $0x0  }
0x9c: {  	s28 =	simm.s32 @!p4 $0x100;
	[sflag:s2] =	ssyncset.done @!p3 $0x0;
	s0 =	rddreg [dreg:$0x7]  }
0x9d: {  	[sflag:s2] =	ssyncadd.s32 @!p3 $0xFFFFD800;
	s2 =	rddreg [dreg:$0x8];
	s0 =	sadd.s32 @!p4 s26, s0  }
0x9e: {  	[tilespmem:s28], [sflag:$0x3] =	stream.linear.gather @!p4 [hbm4b:s0+s5], $0x50, $0x38;
	[tilespmem:$0x1DC80] =	vst v63  }
0x9f: {  	s29 =	simm.s32 @!p4 $0x3;
	s0 =	sadd.s32 @!p4 s26, s2;
	s2 =	simm.s32 @!p4 $0x300  }
0xa0: {  	[tilespmem:s2], [sflag:$0x3] =	stream.linear.gather @!p4 [hbm4b:s0+s5], $0x50, $0x38;
	[tilespmem:$0x1DC80] =	vst v63  }
0xa1: {  	_ =	swait.ge @!p4 [sflag:s29], $0x50  }
0xa2: {  	[sflag:s29] =	ssyncset.done @!p4 $0x0  }
0xa3: {  	[sflag:s29] =	ssyncadd.s32 @!p4 $0xFFFFFFB0  }
0xa4: {  	_ =	swait.ge @!p4 [sflag:s29], $0x50  }
0xa5: {  	[sflag:s29] =	ssyncset.done @!p4 $0x0  }
0xa6: {  	s0 =	simm.s32 @!p4 $0x50;
	s2 =	simm.s32 @!p4 $0x5400;
	[sflag:s29] =	ssyncadd.s32 @!p4 $0xFFFFFFB0  }
0xa7: {  	[tilespmem:s2], [sflag:$0x7] =	stream.indirect.gather @!p4 [hbm4b:s4+s0], $0x80, s28, s0, $0xb8;
	[tilespmem:$0x1DC80] =	vst v63  }
0xa8: {  	s25 =	sadd.s32 $0x28, s25;
	_ =	swait.ge [sflag:s18], $0x2800  }
0xa9: {  	p2 =	sne.s32 s25, $0x500;
	[sflag:s18] =	ssyncset.done $0x0  }
.Ltmp0:
0xaa: {  	s0 =	simm.s32 @!p3 $0xC;
	[sflag:s18] =	ssyncadd.s32 $0xFFFFD800;
	(pc) =	sbr.rel @p2 .LBB2_2-.Ltmp0, $4  }
0xab: {  	[spmem:s1] =	stream.indirect.scatter.add.f32 [tilespmem:s17], [sflag:$0x9], $0x80, s14, s16, $0xb8;
	[tilespmem:$0x1DC80] =	vst v63  }
0xac: {  	s24 =	sadd.s32 $0x4, s24;
	_ =	swait.ge @!p3 [sflag:s0], $0x2800  }
0xad: {  	s31 =	sadd.s32 $0xFFFFFFFC, s24;
	[sflag:s0] =	ssyncset.done @!p3 $0x0;
	s29 =	rddreg [dreg:$0x9]  }
0xae: {  	s28 =	simm.s32 @!p1 $0x380;
	s30 =	rddreg [dreg:$0xa];
	[sflag:s0] =	ssyncadd.s32 @!p3 $0xFFFFD800  }
0xaf: {  	p2 =	sgt.u32 s31, $0x7C  }
0xb0: {  	s0 =	simm.s32 @!p1 $0x180;
	s2 =	sadd.s32 @!p1 s26, s29;
	s5 =	simm.s32 @!p1 $0x0  }
0xb1: {  	[tilespmem:s0], [sflag:$0x4] =	stream.linear.gather @!p1 [hbm4b:s2+s5], $0x50, $0x38;
	[tilespmem:$0x1DC80] =	vst v63  }
0xb2: {  	s0 =	sadd.s32 @!p1 s26, s30;
	s2 =	simm.s32 @!p2 $0x4  }
0xb3: {  	[tilespmem:s28], [sflag:$0x4] =	stream.linear.gather @!p1 [hbm4b:s0+s5], $0x50, $0x38;
	[tilespmem:$0x1DC80] =	vst v63  }
0xb4: {  	_ =	swait.ge @!p2 [sflag:s2], $0x50  }
0xb5: {  	[sflag:s2] =	ssyncset.done @!p2 $0x0  }
0xb6: {  	s0 =	sadd.s32 @!p2 $0xFFFFFFFA, s24;
	[sflag:s2] =	ssyncadd.s32 @!p2 $0xFFFFFFB0  }
0xb7: {  	s25 =	simm.s32 @!p2 $0x7C00;
	p1 =	sgt.u32 @!p2 s0, $0x7C;
	_ =	swait.ge @!p2 [sflag:s2], $0x50  }
0xb8: {  	s26 =	simm.s32 @!p2 $0x50;
	p3 =	por p1, p2;
	[sflag:s2] =	ssyncset.done @!p2 $0x0  }
0xb9: {  	s0 =	simm.s32 @!p2 $0x180;
	s5 =	simm.s32 @!p3 $0x6;
	[sflag:s2] =	ssyncadd.s32 @!p2 $0xFFFFFFB0  }
0xba: {  	[tilespmem:s25], [sflag:$0x8] =	stream.indirect.gather @!p2 [hbm4b:s4+s26], $0x80, s0, s26, $0xb8;
	[tilespmem:$0x1DC80] =	vst v63  }
0xbb: {  	p1 =	seq.s32 s23, $0x0;
	_ =	swait.ge @!p3 [sflag:s5], $0x2800  }
0xbc: {  	s28 =	simm.s32 @!p1 $0x9;
	s2 =	simm.s32 @!p3 $0x50;
	[sflag:s5] =	ssyncset.done @!p3 $0x0  }
0xbd: {  	s0 =	simm.s32 @!p3 $0x2C00;
	[sflag:s5] =	ssyncadd.s32 @!p3 $0xFFFFD800;
	s5 =	simm.s32 @!p3 $0x280  }
0xbe: {  	[spmem:s1] =	stream.indirect.scatter.add.f32 @!p3 [tilespmem:s0], [sflag:$0xA], $0x80, s5, s2, $0xb8;
	[tilespmem:$0x1DC80] =	vst v63  }
0xbf: {  	_ =	swait.ge @!p1 [sflag:s28], $0x2800  }
0xc0: {  	s2 =	rddreg [dreg:$0x3];
	[sflag:s28] =	ssyncset.done @!p1 $0x0  }
0xc1: {  	s5 =	rddreg [dreg:$0x4];
	[sflag:s28] =	ssyncadd.s32 @!p1 $0xFFFFD800;
	s0 =	sadd.s32 s23, s2  }
0xc2: {  	[tilespmem:s3], [sflag:$0x1] =	stream.linear.gather [hbm4b:s0+s3], $0x50, $0x38;
	[tilespmem:$0x1DC80] =	vst v63  }
0xc3: {  	s28 =	sadd.s32 s23, s5  }
0xc4: {  	[tilespmem:s14], [sflag:$0x1] =	stream.linear.gather [hbm4b:s28+s3], $0x50, $0x38;
	[tilespmem:$0x1DC80] =	vst v63  }
0xc5: {  	_ =	swait.ge [sflag:s15], $0x50  }
0xc6: {  	[sflag:s15] =	ssyncset.done $0x0  }
0xc7: {  	[sflag:s15] =	ssyncadd.s32 $0xFFFFFFB0  }
0xc8: {  	s29 =	sadd.s32 $0xFFFFFFFB, s24;
	_ =	swait.ge [sflag:s15], $0x50  }
0xc9: {  	p3 =	sgt.u32 s29, $0x7C;
	[sflag:s15] =	ssyncset.done $0x0  }
0xca: {  	s0 =	simm.s32 @!p3 $0x7;
	[sflag:s15] =	ssyncadd.s32 $0xFFFFFFB0  }
0xcb: {  	[tilespmem:s17], [sflag:$0x5] =	stream.indirect.gather [hbm4b:s4+s16], $0x80, s3, s16, $0xb8;
	[tilespmem:$0x1DC80] =	vst v63  }
0xcc: {  	_ =	swait.ge @!p3 [sflag:s0], $0x2800  }
0xcd: {  	s30 =	sadd.s32 $0xFFFFFFFE, s24;
	s2 =	simm.s32 @!p3 $0x300;
	[sflag:s0] =	ssyncset.done @!p3 $0x0  }
0xce: {  	s5 =	simm.s32 @!p3 $0x5400;
	s28 =	simm.s32 @!p3 $0x50;
	[sflag:s0] =	ssyncadd.s32 @!p3 $0xFFFFD800  }
0xcf: {  	[spmem:s1] =	stream.indirect.scatter.add.f32 @!p3 [tilespmem:s5], [sflag:$0xB], $0x80, s2, s28, $0xb8;
	[tilespmem:$0x1DC80] =	vst v63  }
0xd0: {  	s29 =	simm.s32 @!p1 $0xA;
	p3 =	sgt.u32 s30, $0x7C  }
0xd1: {  	_ =	swait.ge @!p1 [sflag:s29], $0x2800;
	s2 =	simm.s32 @!p3 $0x0  }
0xd2: {  	s28 =	simm.s32 @!p3 $0x80;
	s0 =	rddreg [dreg:$0x5];
	[sflag:s29] =	ssyncset.done @!p1 $0x0  }
0xd3: {  	s5 =	rddreg [dreg:$0x6];
	[sflag:s29] =	ssyncadd.s32 @!p1 $0xFFFFD800;
	s0 =	sadd.s32 @!p3 s23, s0  }
0xd4: {  	[tilespmem:s28], [sflag:$0x2] =	stream.linear.gather @!p3 [hbm4b:s0+s2], $0x50, $0x38;
	[tilespmem:$0x1DC80] =	vst v63  }
0xd5: {  	s29 =	simm.s32 @!p3 $0x2;
	s0 =	sadd.s32 @!p3 s23, s5;
	s5 =	simm.s32 @!p3 $0x280  }
0xd6: {  	[tilespmem:s5], [sflag:$0x2] =	stream.linear.gather @!p3 [hbm4b:s0+s2], $0x50, $0x38;
	[tilespmem:$0x1DC80] =	vst v63  }
0xd7: {  	_ =	swait.ge @!p3 [sflag:s29], $0x50  }
0xd8: {  	[sflag:s29] =	ssyncset.done @!p3 $0x0  }
0xd9: {  	[sflag:s29] =	ssyncadd.s32 @!p3 $0xFFFFFFB0  }
0xda: {  	_ =	swait.ge @!p3 [sflag:s29], $0x50  }
0xdb: {  	s0 =	simm.s32 @!p3 $0x2C00;
	[sflag:s29] =	ssyncset.done @!p3 $0x0  }
0xdc: {  	s2 =	simm.s32 @!p3 $0x50;
	s5 =	simm.s32 @!p2 $0x8;
	[sflag:s29] =	ssyncadd.s32 @!p3 $0xFFFFFFB0  }
0xdd: {  	[tilespmem:s0], [sflag:$0x6] =	stream.indirect.gather @!p3 [hbm4b:s4+s2], $0x80, s28, s2, $0xb8;
	[tilespmem:$0x1DC80] =	vst v63  }
0xde: {  	_ =	swait.ge @!p2 [sflag:s5], $0x2800  }
0xdf: {  	[sflag:s5] =	ssyncset.done @!p2 $0x0  }
0xe0: {  	s31 =	sadd.s32 $0xFFFFFFFF, s24;
	s0 =	simm.s32 @!p2 $0x380;
	[sflag:s5] =	ssyncadd.s32 @!p2 $0xFFFFD800  }
0xe1: {  	[spmem:s1] =	stream.indirect.scatter.add.f32 @!p2 [tilespmem:s25], [sflag:$0xC], $0x80, s0, s26, $0xb8;
	[tilespmem:$0x1DC80] =	vst v63  }
0xe2: {  	s2 =	simm.s32 @!p1 $0xB;
	p2 =	sgt.u32 s31, $0x7C  }
0xe3: {  	_ =	swait.ge @!p1 [sflag:s2], $0x2800;
	s5 =	simm.s32 @!p2 $0x0  }
0xe4: {  	s25 =	simm.s32 @!p2 $0x100;
	s0 =	rddreg [dreg:$0x7];
	[sflag:s2] =	ssyncset.done @!p1 $0x0  }
0xe5: {  	[sflag:s2] =	ssyncadd.s32 @!p1 $0xFFFFD800;
	s2 =	rddreg [dreg:$0x8];
	s0 =	sadd.s32 @!p2 s23, s0  }
0xe6: {  	[tilespmem:s25], [sflag:$0x3] =	stream.linear.gather @!p2 [hbm4b:s0+s5], $0x50, $0x38;
	[tilespmem:$0x1DC80] =	vst v63  }
0xe7: {  	s26 =	simm.s32 @!p2 $0x3;
	s0 =	sadd.s32 @!p2 s23, s2;
	s2 =	simm.s32 @!p2 $0x300  }
0xe8: {  	[tilespmem:s2], [sflag:$0x3] =	stream.linear.gather @!p2 [hbm4b:s0+s5], $0x50, $0x38;
	[tilespmem:$0x1DC80] =	vst v63  }
0xe9: {  	_ =	swait.ge @!p2 [sflag:s26], $0x50  }
0xea: {  	[sflag:s26] =	ssyncset.done @!p2 $0x0  }
0xeb: {  	[sflag:s26] =	ssyncadd.s32 @!p2 $0xFFFFFFB0  }
0xec: {  	_ =	swait.ge @!p2 [sflag:s26], $0x50  }
0xed: {  	[sflag:s26] =	ssyncset.done @!p2 $0x0  }
0xee: {  	s0 =	simm.s32 @!p2 $0x50;
	s2 =	simm.s32 @!p2 $0x5400;
	[sflag:s26] =	ssyncadd.s32 @!p2 $0xFFFFFFB0  }
0xef: {  	[tilespmem:s2], [sflag:$0x7] =	stream.indirect.gather @!p2 [hbm4b:s4+s0], $0x80, s25, s0, $0xb8;
	[tilespmem:$0x1DC80] =	vst v63  }
0xf0: {  	_ =	swait.ge [sflag:s18], $0x2800  }
0xf1: {  	p6 =	sgt.u32 s24, $0x7C;
	[sflag:s18] =	ssyncset.done $0x0  }
0xf2: {  	s0 =	simm.s32 @!p1 $0xC;
	p2 =	por p6, p6;
	[sflag:s18] =	ssyncadd.s32 $0xFFFFD800  }
0xf3: {  	[spmem:s1] =	stream.indirect.scatter.add.f32 [tilespmem:s17], [sflag:$0x9], $0x80, s14, s16, $0xb8;
	[tilespmem:$0x1DC80] =	vst v63  }
0xf4: {  	s5 =	simm.s32 @!p2 $0x180;
	_ =	swait.ge @!p1 [sflag:s0], $0x2800  }
0xf5: {  	s24 =	simm.s32 @!p2 $0x0;
	s2 =	rddreg [dreg:$0x9];
	[sflag:s0] =	ssyncset.done @!p1 $0x0  }
0xf6: {  	[sflag:s0] =	ssyncadd.s32 @!p1 $0xFFFFD800;
	s0 =	rddreg [dreg:$0xa];
	s2 =	sadd.s32 @!p2 s23, s2  }
0xf7: {  	[tilespmem:s5], [sflag:$0x4] =	stream.linear.gather @!p2 [hbm4b:s2+s24], $0x50, $0x38;
	[tilespmem:$0x1DC80] =	vst v63  }
0xf8: {  	s2 =	simm.s32 @!p2 $0x380;
	s0 =	sadd.s32 @!p2 s23, s0  }
0xf9: {  	[tilespmem:s2], [sflag:$0x4] =	stream.linear.gather @!p2 [hbm4b:s0+s24], $0x50, $0x38;
	[tilespmem:$0x1DC80] =	vst v63  }
0xfa: {  	_ =	swait.ge [sflag:s19], $0x2800  }
0xfb: {  	[sflag:s19] =	ssyncset.done $0x0  }
0xfc: {  	[sflag:s19] =	ssyncadd.s32 $0xFFFFD800  }
0xfd: {  	[bflag:$0x0] =	sbarrier.arrive $0xFFFF  }
0xfe: {  	[hbm:s10], [sflag:s7] =	dma.local [spmem:s21], $0x2700  }
0xff: {  	s20 =	sadd.s32 $0x1, s20;
	_ =	swait.ge [sflag:s13], $0x2700  }
0x100: {  	p1 =	sne.s32 s20, s12;
	[sflag:s13] =	ssyncset.done $0x0  }
.Ltmp1:
0x101: {  	s0 =	simm.s32 @!p0 $0xD;
	[sflag:s13] =	ssyncadd.s32 $0xFFFFD900;
	(pc) =	sbr.rel @p1 .LBB2_1-.Ltmp1, $4  }
0x102: {  	[hbm:s11], [sflag:s7] =	dma.local @!p0 [spmem:s22], $0x100  }
0x103: {  	_ =	swait.ge @!p0 [sflag:s0], $0x100  }
0x104: {  	[sflag:s0] =	ssyncset.done @!p0 $0x0  }
0x105: {  	[sflag:s0] =	ssyncadd.s32 @!p0 $0xFFFFFF00  }
0x106: {  	_ =	sfence.sel $0x180000  }
0x107: {  	[bflag:$0x0] =	sbarrier.arrive $0xFFFF  }
0x108: {  	_ =	strace $0x9000004A  }
0x109: {  	s0 =	stileid.u32;
	[bflag:$0x2] =	sbarrier.arrive $0xFFFF  }
0x10a: {  	p0 =	sne.s32 s0, $0x0;
	s0 =	rddreg [dreg:$0x2]  }
0x10b: {  	s0 =	sadd.s32 @!p0 $0x100000, s0  }
0x10c: {  	[sflag:s0] =	ssyncadd.tile.s32 @!p0 $0x1;
	_ =	shalt  }
.Lfunc_end2:
_tile_overlayer_lowered:
.L_overlay_start_2:
0x10d: {  	(tag) =	ssettag $0x2  }
0x10e: {  	s0 =	rddreg [dreg:$0x0];
	s2 =	stileid.u32  }
0x10f: {  	s1 =	rddreg [dreg:$0x1];
	p0 =	sne.s32 s2, $0x0  }
0x110: {  	s3 =	rddreg [dreg:$0x2];
	[bflag:$0x3] =	sbarrier.arrive $0xFFFF;
	s2 =	simm.s32 @!p0 $0x1C0D  }
0x111: {  	[timem:s3], [sflag:s2] =	dma.local @!p0 [hbm:s0], s1  }
0x112: {  	s0 =	simm.s32 @!p0 $0xD  }
0x113: {  	_ =	swait.ge @!p0 [sflag:s0], s1  }
0x114: {  	s1 =	ssub.s32 @!p0 $0x0, s1;
	[sflag:s0] =	ssyncset.done @!p0 $0x0  }
0x115: {  	[sflag:s0] =	ssyncadd.s32 @!p0 s1  }
0x116: {  	[bflag:$0x3] =	sbarrier.arrive $0xFFFF  }
0x117: {  	_ =	shalt  }

// kernel: kernel.14.cloned.1.call-start
scs
__scs_entry_jumppad:
0x0: {  	(pc) =	sbr.rel $0x88, $3  }
0x1: {  	(tag) =	ssettag $0x0;
	lr =	simm.s32 $0x1  }
0x2: {  	[smem:$0x3F98] =	sst lr;
	_ =	strace $0xD0000000  }
0x3: {  	_ = 	snop  }
0x4: {  	_ = 	snop  }
0x5: {  	_ = 	snop  }
0x6: {  	_ = 	snop  }
0x7: {  	_ = 	snop  }
__scs_overlays_trampoline_lowered:
0x8: {  	[smem:$0x3FA7] =	sst s0  }
0x9: {  	[smem:$0x3FA8] =	sst s1  }
0xa: {  	[smem:$0x3FA9] =	sst s2  }
0xb: {  	[smem:$0x3FAA] =	sst s3  }
0xc: {  	[smem:$0x3FAB] =	sst s4  }
0xd: {  	[smem:$0x3FAC] =	sst s5  }
0xe: {  	[smem:$0x3FAD] =	sst s6  }
0xf: {  	[smem:$0x3FAE] =	sst s7  }
0x10: {  	[smem:$0x3FAF] =	sst s8  }
0x11: {  	[smem:$0x3FB0] =	sst s9;
	s0 =	simm.s32 @!p0 $0x0  }
0x12: {  	s1 =	sld [smem:$0x3F96];
	s0 =	simm.s32 @p0 $0x1  }
0x13: {  	[smem:$0x3FB1] =	sst s0;
	s0 =	simm.s32 @!p1 $0x0  }
0x14: {  	s2 =	sld [smem:$0x3F95];
	s0 =	simm.s32 @p1 $0x1  }
0x15: {  	[smem:$0x3FB2] =	sst s0;
	s0 =	simm.s32 @!p2 $0x0  }
0x16: {  	s3 =	sld [smem:$0x3FDB];
	s0 =	simm.s32 @p2 $0x1  }
0x17: {  	s4 =	simm.s32 $0x1BF5;
	[smem:$0x3FB4] =	sst s0  }
0x18: {  	s0 =	sld [smem:$0x3F97];
	_ =	swait.ge [sflag:s4], $0x0  }
0x19: {  	s7 =	sld [smem:$0x3F98]  }
0x1a: {  	s8 =	sadd.s32 $0xFFFFE003, lr  }
0x1b: {  	s9 =	sadd.s32 $0xFFFFFEF7, lr;
	s5 =	simm.s32 $0xFFFFFFFF;
	p2 =	slt.u32 s8, $0xFFFFF086  }
0x1c: {  	p1 =	slt.u32 s9, $0xF7A;
	s5 =	simm.s32 @!p2 $0x0  }
0x1d: {  	s5 =	simm.s32 @p1 $0x1;
	p0 =	seq.s32 s7, s2  }
0x1e: {  	s7 =	smul.u32 @!p0 $0xF7A, s2;
	p2 =	seq.s32 @!p0 s5, $0x0  }
0x1f: {  	s9 =	smul.u32 $0xF7A, s1;
	s8 =	simm.s32 @!p0 $0x1BF5;
	p2 =	por !p2, p0  }
0x20: {  	[sflag:s8] =	ssyncset.s32 @!p0 $0xFFFFF086;
	s6 =	sadd.s32 @!p0 s3, s7;
	s7 =	simm.s32 @!p0 $0x108  }
0x21: {  	s3 =	sadd.s32 s3, s9;
	s6 =	sadd.s32 @!p0 $0x88, s6;
	s7 =	simm.s32 @p2 $0x1082  }
0x22: {  	[simem:s7], [sflag:s8] =	dma.local @!p0 [hbm:s6], $0xF7A  }
0x23: {  	s9 =	sor.u32 $0xD0000000, s2;
	s6 =	simm.s32 $0x108;
	_ =	swait.ge @!p0 [sflag:s8], $0x0  }
0x24: {  	s3 =	sadd.s32 $0x88, s3;
	s6 =	simm.s32 @!p1 $0x1082;
	[sflag:s4] =	ssyncset.s32 $0xFFFFF086  }
0x25: {  	[simem:s6], [sflag:s4] =	dma.local [hbm:s3], $0xF7A  }
0x26: {  	[smem:$0x3F98] =	sst s1;
	(tag) =	ssettag s2;
	_ =	strace s9  }
0x27: {  	s1 =	sld [smem:$0x3FA8]  }
0x28: {  	s2 =	sld [smem:$0x3FA9]  }
0x29: {  	s4 =	sld [smem:$0x3FAB]  }
0x2a: {  	p0 =	seq.s32 s5, $0x0;
	s5 =	sld [smem:$0x3FAC]  }
0x2b: {  	s6 =	sld [smem:$0x3FAD]  }
0x2c: {  	s7 =	sld [smem:$0x3FAE]  }
0x2d: {  	s3 =	simm.s32 $0x108;
	s8 =	sld [smem:$0x3FAF]  }
0x2e: {  	s3 =	simm.s32 @!p0 $0x1082;
	s9 =	sld [smem:$0x3FB0]  }
0x2f: {  	lr =	sadd.s32 s0, s3;
	s0 =	sld [smem:$0x3FA7]  }
0x30: {  	s3 =	sld [smem:$0x3FAA]  }
0x31: {  	[smem:$0x3FB3] =	sst s10  }
0x32: {  	s10 =	sld [smem:$0x3FB1];
	_ =	sdelay $0x3  }
0x33: {  	p0 =	seq.s32 s10, $0x1;
	s10 =	sld [smem:$0x3FB3];
	_ =	sdelay $0x3  }
0x34: {  	[smem:$0x3FB3] =	sst s10  }
0x35: {  	s10 =	sld [smem:$0x3FB2];
	_ =	sdelay $0x3  }
0x36: {  	p1 =	seq.s32 s10, $0x1;
	s10 =	sld [smem:$0x3FB3];
	_ =	sdelay $0x3  }
0x37: {  	[smem:$0x3FB3] =	sst s10  }
0x38: {  	s10 =	sld [smem:$0x3FB4]  }
0x39: {  	_ = 	snop;
	(pc) =	sbr.ind lr, $3  }
0x3a: {  	_ = 	snop  }
0x3b: {  	_ = 	snop  }
0x3c: {  	p2 =	seq.s32 s10, $0x1;
	s10 =	sld [smem:$0x3FB3]  }
0x3d: {  	_ =	shalt  }
0x3e: {  	_ =	shalt  }
0x3f: {  	_ =	shalt  }
0x40: {  	_ =	shalt  }
0x41: {  	_ =	shalt  }
0x42: {  	_ =	shalt  }
0x43: {  	_ =	shalt  }
0x44: {  	_ =	shalt  }
0x45: {  	_ =	shalt  }
0x46: {  	_ =	shalt  }
0x47: {  	_ =	shalt  }
0x48: {  	_ =	shalt  }
0x49: {  	_ =	shalt  }
0x4a: {  	_ =	shalt  }
0x4b: {  	_ =	shalt  }
0x4c: {  	_ =	shalt  }
0x4d: {  	_ =	shalt  }
0x4e: {  	_ =	shalt  }
0x4f: {  	_ =	shalt  }
0x50: {  	_ =	shalt  }
0x51: {  	_ =	shalt  }
0x52: {  	_ =	shalt  }
0x53: {  	_ =	shalt  }
0x54: {  	_ =	shalt  }
0x55: {  	_ =	shalt  }
0x56: {  	_ =	shalt  }
0x57: {  	_ =	shalt  }
0x58: {  	_ =	shalt  }
0x59: {  	_ =	shalt  }
0x5a: {  	_ =	shalt  }
0x5b: {  	_ =	shalt  }
0x5c: {  	_ =	shalt  }
0x5d: {  	_ =	shalt  }
0x5e: {  	_ =	shalt  }
0x5f: {  	_ =	shalt  }
0x60: {  	_ =	shalt  }
0x61: {  	_ =	shalt  }
0x62: {  	_ =	shalt  }
0x63: {  	_ =	shalt  }
0x64: {  	_ =	shalt  }
0x65: {  	_ =	shalt  }
0x66: {  	_ =	shalt  }
0x67: {  	_ =	shalt  }
0x68: {  	_ =	shalt  }
0x69: {  	_ =	shalt  }
0x6a: {  	_ =	shalt  }
0x6b: {  	_ =	shalt  }
0x6c: {  	_ =	shalt  }
0x6d: {  	_ =	shalt  }
0x6e: {  	_ =	shalt  }
0x6f: {  	_ =	shalt  }
0x70: {  	_ =	shalt  }
0x71: {  	_ =	shalt  }
0x72: {  	_ =	shalt  }
0x73: {  	_ =	shalt  }
0x74: {  	_ =	shalt  }
0x75: {  	_ =	shalt  }
0x76: {  	_ =	shalt  }
0x77: {  	_ =	shalt  }
0x78: {  	_ =	shalt  }
0x79: {  	_ =	shalt  }
0x7a: {  	_ =	shalt  }
0x7b: {  	_ =	shalt  }
0x7c: {  	_ =	shalt  }
0x7d: {  	_ =	shalt  }
0x7e: {  	_ =	shalt  }
0x7f: {  	_ =	shalt  }
0x80: {  	_ =	shalt  }
0x81: {  	_ =	shalt  }
0x82: {  	_ =	shalt  }
0x83: {  	_ =	shalt  }
0x84: {  	_ =	shalt  }
0x85: {  	_ =	shalt  }
0x86: {  	_ =	shalt  }
0x87: {  	_ =	shalt  }
.Lfunc_end0:
.L_simem_size_0:
called_computation.2_lowered:
.L_overlay_start_0:
0x88: {  	s2 =	sld [smem:$0x3FD9]  }
0x89: {  	s3 =	sld [smem:$0x3FFE];
	_ =	sdelay $0x1  }
0x8a: {  	s1 =	srdreg.scid  }
0x8b: {  	s0 =	sand.u32 $0x1, s1  }
0x8c: {  	s16 =	sshll.u32 s0, $0xA;
	s2 =	sadd.s32 s3, s2  }
0x8d: {  	s2 =	sadd.s32 s2, s16  }
0x8e: {  	[smem:$0x3FBF] =	sst s2  }
0x8f: {  	_ = 	snop  }
0x90: {  	(tm) =	ssettm $0x1  }
0x91: {  	s17 =	sld [smem:$0x3FFB];
	_ =	sdelay $0x3  }
0x92: {  	_ =	strace s17  }
0x93: {  	s2 =	sld [smem:$0x3FFC];
	_ =	sdelay $0x3  }
0x94: {  	_ =	strace s2  }
0x95: {  	s2 =	sld [smem:$0x3FFD];
	_ =	sdelay $0x3  }
0x96: {  	_ =	strace s2  }
0x97: {  	_ =	strace $0x8FFFFFFF  }
0x98: {  	s18 =	sld [smem:$0x3FDB];
	_ =	sdelay $0x1  }
0x99: {  	s19 =	simm.s32 $_scs_section_size  }
0x9a: {  	s4 =	simm.s32 $_size__tile_overlayer_lowered;
	s5 =	simm.s32 $_tile_overlayer_lowered  }
0x9b: {  	s22 =	simm.s32 $0x1BFF;
	s21 =	sshll.u32 s5, $0x1;
	s2 =	sadd.s32 s19, s18  }
0x9c: {  	s6 =	simm.s32 $0x0;
	s20 =	sshll.u32 s4, $0x1;
	s4 =	sadd.s32 s21, s2  }
0x9d: {  	[timem:s6], [sflag:s22] =	dma.local [hbm:s4], s20  }
0x9e: {  	_ =	swait.ge [sflag:s22], s20  }
0x9f: {  	s3 =	ssub.s32 $0x0, s20;
	[sflag:s22] =	ssyncset.done $0x0  }
0xa0: {  	[sflag:s22] =	ssyncadd.s32 s3;
	_ =	sdelay $0x1  }
0xa1: {  	s23 =	simm.s32 $0x1B8B  }
0xa2: {  	_ =	swait.ge [sflag:s23], $0x1  }
0xa3: {  	[sflag:s23] =	ssyncset.done $0x0  }
0xa4: {  	s25 =	simm.s32 $0x1B8E;
	s24 =	sld [smem:$0x3FFE];
	[sflag:s23] =	ssyncadd.s32 $0xFFFFFFFF  }
0xa5: {  	s26 =	simm.s32 $execute0_lowered;
	[smem:$0x3FD2] =	sst s25  }
0xa6: {  	s4 =	sshll.u32 s26, $0x1;
	_ =	strace $0x8000004C;
	[dreg:$0x1] =	wrdreg $0xFFFFFFFF  }
0xa7: {  	s28 =	simm.s32 $_size_execute0_lowered;
	s2 =	sadd.s32 s2, s4;
	[dreg:$0x0] =	wrdreg $0x0  }
0xa8: {  	s4 =	sshll.u32 s28, $0x1;
	[dreg:$0x2] =	wrdreg s2  }
0xa9: {  	[dreg:$0x3] =	wrdreg s4  }
0xaa: {  	[dreg:$0x4] =	wrdreg $0xC0  }
0xab: {  	_ =	task [dreg:s6], $0x5FFFF  }
0xac: {  	[dreg:$0x1] =	wrdreg $0xFFFFFFFF  }
0xad: {  	[dreg:$0x0] =	wrdreg $0x60  }
0xae: {  	[dreg:$0x2] =	wrdreg s24  }
0xaf: {  	[dreg:$0x3] =	wrdreg $0xA4000  }
0xb0: {  	[dreg:$0x4] =	wrdreg $0x9  }
0xb1: {  	_ =	task.clear_ibuf [dreg:s6], $0x5FFFF;
	_ =	strace $0x9000004C  }
0xb2: {  	s29 =	simm.s32 $0x9;
	_ =	strace $0x8000004E  }
0xb3: {  	_ =	swait.ge [sflag:s29], $0x1  }
0xb4: {  	[sflag:s29] =	ssyncadd.s32 $0xFFFFFFFF  }
0xb5: {  	_ =	strace $0x9000004E  }
0xb6: {  	_ =	sfence  }
0xb7: {  	s30 =	sld [smem:$0x0];
	_ =	sdelay $0x2  }
0xb8: {  	s31 =	sshll.u32 s1, $0xD;
	s1 =	sshrl.u32 s1, $0x2  }
0xb9: {  	s3 =	sand.u32 $0x4000, s31;
	s1 =	sadd.s32 s1, s30  }
0xba: {  	s0 =	sor.u32 s3, s0;
	s1 =	sshll.u32 s1, $0x11  }
0xbb: {  	s0 =	sor.u32 s1, s0  }
0xbc: {  	s0 =	sadd.s32 $0x8F2B, s0  }
0xbd: {  	[sflag:s0] =	ssyncadd.remote.s32 $0x1  }
0xbe: {  	_ =	sfence.sel $0xFFFF  }
0xbf: {  	[dreg:$0x0] =	wrdreg $0xFFFFFFFF;
	(pc) =	sbr.abs _section_cstart, $3  }
0xc0: {  	[dreg:$0x1] =	wrdreg $0xFFFFFFFF  }
0xc1: {  	_ =	task.clear_ibuf [dreg:s6], $0x2FFFF;
	_ =	strace $0x9FFFFFFF  }
0xc2: {  	(tm) =	ssettm $0x7FFFFFFF  }
0xc3: {  	_ =	shalt  }
tec
execute0_lowered:
.L_overlay_start_1:
0x0: {  	(tag) =	ssettag $0x1  }
0x1: {  	s9 =	rddreg [dreg:$0x0]  }
0x2: {  	s1 =	rddreg [dreg:$0x1];
	s3 =	simm.s32 $0x0;
	s0 =	stileid.u32  }
0x3: {  	s5 =	srdreg.scid;
	s20 =	simm.s32 $0x0;
	[smem:$0x7FF] =	sst s3  }
0x4: {  	s4 =	sadd.s32 $0x8D000, s9;
	s10 =	smul.u32 $0x13800, s0;
	s11 =	sadd.s32 $0x3E00, s9  }
0x5: {  	s12 =	sadd.s32 $0xDC00, s9;
	s5 =	sand.u32 $0x1, s5;
	s8 =	smul.u32 $0x4E000, s0  }
0x6: {  	s15 =	sadd.s32 $0xB4200, s9;
	s16 =	smul.u32 $0x2710, s0;
	s23 =	sshll.u32 s0, $0x6  }
0x7: {  	p0 =	sne.s32 s0, $0xF;
	_ =	strace $0x8000004D;
	s14 =	smul.u32 $0x27100, s5  }
0x8: {  	s7 =	ssub.s32 $0x2, s5;
	s17 =	smul.u32 $0x138800, s5;
	s6 =	sshrl.u32 s10, $0x3  }
0x9: {  	s13 =	sshrl.u32 s7, $0x1;
	s22 =	sshrl.u32 s8, $0x2;
	s8 =	sadd.s32 $0x138000, s1  }
0xa: {  	s6 =	sadd.s32 s6, s9;
	s13 =	ssub.s32 s7, s13;
	s2 =	sadd.s32 s22, s1  }
0xb: {  	s7 =	sor.u32 $0x1C0D, s23;
	s14 =	sadd.s32 s16, s14;
	s10 =	sadd.s32 s10, s17  }
0xc: {  	s9 =	sadd.s32 $0x3EA00, s9;
	s17 =	sshrl.u32 s17, $0x3;
	[dreg:$0xb] =	wrdreg s2  }
0xd: {  	s6 =	sadd.s32 $0x17A00, s6;
	s10 =	sshrl.u32 s10, $0x3;
	s16 =	sshrl.u32 s14, $0x3  }
0xe: {  	s19 =	sadd.s32 $0xF0, s14;
	s26 =	sadd.s32 $0xA0, s14;
	s14 =	sadd.s32 $0x50, s14  }
0xf: {  	s10 =	sadd.s32 s15, s10;
	s18 =	sadd.s32 s16, s12;
	s16 =	sadd.s32 s16, s11  }
0x10: {  	s24 =	sshrl.u32 s19, $0x3;
	s29 =	sshrl.u32 s26, $0x3;
	s14 =	sshrl.u32 s14, $0x3  }
0x11: {  	s15 =	sadd.s32 s15, s17;
	s17 =	simm.s32 $0x400;
	[dreg:$0x4] =	wrdreg s18  }
0x12: {  	s19 =	simm.s32 $0x9;
	[dreg:$0x3] =	wrdreg s16;
	s25 =	sadd.s32 s24, s12  }
0x13: {  	s28 =	sadd.s32 s24, s11;
	s30 =	sadd.s32 s29, s12;
	[dreg:$0xa] =	wrdreg s25  }
0x14: {  	s31 =	sadd.s32 s29, s11;
	s12 =	sadd.s32 s14, s12;
	[dreg:$0x9] =	wrdreg s28  }
0x15: {  	s14 =	sadd.s32 s14, s11;
	s11 =	sadd.s32 $0x27000, s15;
	[dreg:$0x8] =	wrdreg s30  }
0x16: {  	s15 =	simm.s32 $0x1;
	s16 =	simm.s32 $0x50;
	[dreg:$0x7] =	wrdreg s31  }
0x17: {  	s18 =	simm.s32 $0x5;
	[dreg:$0x6] =	wrdreg s12;
	s12 =	smax.u32 s13, $0x1  }
0x18: {  	[dreg:$0x5] =	wrdreg s14;
	s13 =	simm.s32 $0xD;
	s14 =	simm.s32 $0x200  }
.LBB2_1:
0x19: {  	s0 =	rddreg [dreg:$0xb]  }
0x1a: {  	s21 =	sshrl.u32 s0, $0x3  }
0x1b: {  	[spmem:s21], [sflag:s7] =	dma.local [hbm:s6], $0x2700  }
0x1c: {  	_ =	swait.ge [sflag:s13], $0x2700  }
0x1d: {  	[sflag:s13] =	ssyncset.done $0x0  }
0x1e: {  	s22 =	sshrl.u32 @!p0 s8, $0x3;
	s23 =	simm.s32 @!p0 $0xD;
	[sflag:s13] =	ssyncadd.s32 $0xFFFFD900  }
0x1f: {  	[spmem:s22], [sflag:s7] =	dma.local @!p0 [hbm:s9], $0x100  }
0x20: {  	_ =	swait.ge @!p0 [sflag:s23], $0x100  }
0x21: {  	[sflag:s23] =	ssyncset.done @!p0 $0x0  }
0x22: {  	p1 =	por $0x1, $0x1;
	[sflag:s23] =	ssyncadd.s32 @!p0 $0xFFFFFF00  }
0x23: {  	s25 =	simm.s32 @!p1 $0x4;
	[bflag:$0x0] =	sbarrier.arrive $0xFFFF  }
0x24: {  	_ =	swait.ge @!p1 [sflag:s25], $0x50  }
0x25: {  	[sflag:s25] =	ssyncset.done @!p1 $0x0  }
0x26: {  	[sflag:s25] =	ssyncadd.s32 @!p1 $0xFFFFFFB0  }
0x27: {  	p2 =	por @!p1 $0x1, $0x1;
	s26 =	simm.s32 @!p1 $0x180;
	_ =	swait.ge @!p1 [sflag:s25], $0x50  }
0x28: {  	s24 =	simm.s32 @!p1 $0x50;
	p3 =	por p2, p1;
	[sflag:s25] =	ssyncset.done @!p1 $0x0  }
0x29: {  	s28 =	simm.s32 @!p3 $0x6;
	s23 =	simm.s32 @!p1 $0x7C00;
	[sflag:s25] =	ssyncadd.s32 @!p1 $0xFFFFFFB0  }
0x2a: {  	[tilespmem:s23], [sflag:$0x8] =	stream.indirect.gather @!p1 [hbm4b:s4+s24], $0x80, s26, s24, $0xb8;
	[tilespmem:$0x1DC80] =	vst v63  }
0x2b: {  	p2 =	por $0x1, $0x1;
	_ =	swait.ge @!p3 [sflag:s28], $0x2800  }
0x2c: {  	s29 =	simm.s32 @!p2 $0x9;
	s25 =	simm.s32 @!p3 $0x2C00;
	[sflag:s28] =	ssyncset.done @!p3 $0x0  }
0x2d: {  	s26 =	simm.s32 @!p3 $0x50;
	[sflag:s28] =	ssyncadd.s32 @!p3 $0xFFFFD800;
	s28 =	simm.s32 @!p3 $0x280  }
0x2e: {  	[spmem:s1] =	stream.indirect.scatter.add.f32 @!p3 [tilespmem:s25], [sflag:$0xA], $0x80, s28, s26, $0xb8;
	[tilespmem:$0x1DC80] =	vst v63  }
0x2f: {  	_ =	swait.ge @!p2 [sflag:s29], $0x2800  }
0x30: {  	s2 =	rddreg [dreg:$0x3];
	[sflag:s29] =	ssyncset.done @!p2 $0x0  }
0x31: {  	s5 =	rddreg [dreg:$0x4];
	[sflag:s29] =	ssyncadd.s32 @!p2 $0xFFFFD800;
	s25 =	sadd.s32 $0x0, s2  }
0x32: {  	[tilespmem:s3], [sflag:$0x1] =	stream.linear.gather [hbm4b:s25+s3], $0x50, $0x38;
	[tilespmem:$0x1DC80] =	vst v63  }
0x33: {  	s26 =	sadd.s32 $0x0, s5  }
0x34: {  	[tilespmem:s14], [sflag:$0x1] =	stream.linear.gather [hbm4b:s26+s3], $0x50, $0x38;
	[tilespmem:$0x1DC80] =	vst v63  }
0x35: {  	_ =	swait.ge [sflag:s15], $0x50  }
0x36: {  	[sflag:s15] =	ssyncset.done $0x0  }
0x37: {  	[sflag:s15] =	ssyncadd.s32 $0xFFFFFFB0  }
0x38: {  	_ =	swait.ge [sflag:s15], $0x50  }
0x39: {  	p3 =	por $0x1, $0x1;
	[sflag:s15] =	ssyncset.done $0x0  }
0x3a: {  	s25 =	simm.s32 @!p3 $0x7;
	[sflag:s15] =	ssyncadd.s32 $0xFFFFFFB0  }
0x3b: {  	[tilespmem:s17], [sflag:$0x5] =	stream.indirect.gather [hbm4b:s4+s16], $0x80, s3, s16, $0xb8;
	[tilespmem:$0x1DC80] =	vst v63  }
0x3c: {  	_ =	swait.ge @!p3 [sflag:s25], $0x2800  }
0x3d: {  	s28 =	simm.s32 @!p3 $0x5400;
	[sflag:s25] =	ssyncset.done @!p3 $0x0  }
0x3e: {  	s29 =	simm.s32 @!p3 $0x50;
	s26 =	simm.s32 @!p3 $0x300;
	[sflag:s25] =	ssyncadd.s32 @!p3 $0xFFFFD800  }
0x3f: {  	[spmem:s1] =	stream.indirect.scatter.add.f32 @!p3 [tilespmem:s28], [sflag:$0xB], $0x80, s26, s29, $0xb8;
	[tilespmem:$0x1DC80] =	vst v63  }
0x40: {  	s30 =	simm.s32 @!p2 $0xA;
	p3 =	por $0x0, $0x0  }
0x41: {  	_ =	swait.ge @!p2 [sflag:s30], $0x2800;
	s28 =	simm.s32 @!p3 $0x0  }
0x42: {  	s29 =	simm.s32 @!p3 $0x80;
	s25 =	rddreg [dreg:$0x5];
	[sflag:s30] =	ssyncset.done @!p2 $0x0  }
0x43: {  	s26 =	rddreg [dreg:$0x6];
	[sflag:s30] =	ssyncadd.s32 @!p2 $0xFFFFD800;
	s25 =	sadd.s32 @!p3 $0x0, s25  }
0x44: {  	[tilespmem:s29], [sflag:$0x2] =	stream.linear.gather @!p3 [hbm4b:s25+s28], $0x50, $0x38;
	[tilespmem:$0x1DC80] =	vst v63  }
0x45: {  	s30 =	simm.s32 @!p3 $0x2;
	s25 =	sadd.s32 @!p3 $0x0, s26;
	s26 =	simm.s32 @!p3 $0x280  }
0x46: {  	[tilespmem:s26], [sflag:$0x2] =	stream.linear.gather @!p3 [hbm4b:s25+s28], $0x50, $0x38;
	[tilespmem:$0x1DC80] =	vst v63  }
0x47: {  	_ =	swait.ge @!p3 [sflag:s30], $0x50  }
0x48: {  	[sflag:s30] =	ssyncset.done @!p3 $0x0  }
0x49: {  	[sflag:s30] =	ssyncadd.s32 @!p3 $0xFFFFFFB0  }
0x4a: {  	_ =	swait.ge @!p3 [sflag:s30], $0x50  }
0x4b: {  	s25 =	simm.s32 @!p3 $0x2C00;
	[sflag:s30] =	ssyncset.done @!p3 $0x0  }
0x4c: {  	s26 =	simm.s32 @!p3 $0x50;
	s28 =	simm.s32 @!p1 $0x8;
	[sflag:s30] =	ssyncadd.s32 @!p3 $0xFFFFFFB0  }
0x4d: {  	[tilespmem:s25], [sflag:$0x6] =	stream.indirect.gather @!p3 [hbm4b:s4+s26], $0x80, s29, s26, $0xb8;
	[tilespmem:$0x1DC80] =	vst v63  }
0x4e: {  	_ =	swait.ge @!p1 [sflag:s28], $0x2800  }
0x4f: {  	[sflag:s28] =	ssyncset.done @!p1 $0x0  }
0x50: {  	s25 =	simm.s32 @!p1 $0x380;
	s26 =	simm.s32 @!p2 $0xB;
	[sflag:s28] =	ssyncadd.s32 @!p1 $0xFFFFD800  }
0x51: {  	[spmem:s1] =	stream.indirect.scatter.add.f32 @!p1 [tilespmem:s23], [sflag:$0xC], $0x80, s25, s24, $0xb8;
	[tilespmem:$0x1DC80] =	vst v63  }
0x52: {  	_ =	swait.ge @!p2 [sflag:s26], $0x2800  }
0x53: {  	p1 =	por $0x0, $0x0;
	s23 =	rddreg [dreg:$0x7]  }
0x54: {  	s25 =	simm.s32 @!p1 $0x0;
	[sflag:s26] =	ssyncset.done @!p2 $0x0;
	s24 =	rddreg [dreg:$0x8]  }
0x55: {  	[sflag:s26] =	ssyncadd.s32 @!p2 $0xFFFFD800;
	s23 =	sadd.s32 @!p1 $0x0, s23;
	s26 =	simm.s32 @!p1 $0x100  }
0x56: {  	[tilespmem:s26], [sflag:$0x3] =	stream.linear.gather @!p1 [hbm4b:s23+s25], $0x50, $0x38;
	[tilespmem:$0x1DC80] =	vst v63  }
0x57: {  	s28 =	simm.s32 @!p1 $0x3;
	s23 =	sadd.s32 @!p1 $0x0, s24;
	s24 =	simm.s32 @!p1 $0x300  }
0x58: {  	[tilespmem:s24], [sflag:$0x3] =	stream.linear.gather @!p1 [hbm4b:s23+s25], $0x50, $0x38;
	[tilespmem:$0x1DC80] =	vst v63  }
0x59: {  	_ =	swait.ge @!p1 [sflag:s28], $0x50  }
0x5a: {  	[sflag:s28] =	ssyncset.done @!p1 $0x0  }
0x5b: {  	[sflag:s28] =	ssyncadd.s32 @!p1 $0xFFFFFFB0  }
0x5c: {  	_ =	swait.ge @!p1 [sflag:s28], $0x50  }
0x5d: {  	[sflag:s28] =	ssyncset.done @!p1 $0x0  }
0x5e: {  	s23 =	simm.s32 @!p1 $0x50;
	s24 =	simm.s32 @!p1 $0x5400;
	[sflag:s28] =	ssyncadd.s32 @!p1 $0xFFFFFFB0  }
0x5f: {  	[tilespmem:s24], [sflag:$0x7] =	stream.indirect.gather @!p1 [hbm4b:s4+s23], $0x80, s26, s23, $0xb8;
	[tilespmem:$0x1DC80] =	vst v63  }
0x60: {  	p6 =	por $0x0, $0x0;
	_ =	swait.ge [sflag:s18], $0x2800  }
0x61: {  	s31 =	simm.s32 $0x3;
	s25 =	simm.s32 $0x50;
	[sflag:s18] =	ssyncset.done $0x0  }
0x62: {  	s26 =	simm.s32 @!p2 $0xC;
	s23 =	simm.s32 $0x28;
	[sflag:s18] =	ssyncadd.s32 $0xFFFFD800  }
0x63: {  	[spmem:s1] =	stream.indirect.scatter.add.f32 [tilespmem:s17], [sflag:$0x9], $0x80, s14, s16, $0xb8;
	[tilespmem:$0x1DC80] =	vst v63  }
0x64: {  	p1 =	por p6, p6;
	s24 =	simm.s32 $0x7;
	_ =	swait.ge @!p2 [sflag:s26], $0x2800  }
0x65: {  	s28 =	simm.s32 @!p1 $0x380;
	[sflag:s26] =	ssyncset.done @!p2 $0x0;
	s29 =	rddreg [dreg:$0x9]  }
0x66: {  	s30 =	rddreg [dreg:$0xa];
	[sflag:s26] =	ssyncadd.s32 @!p2 $0xFFFFD800;
	s26 =	simm.s32 $0x0  }
.LBB2_2:
0x67: {  	p4 =	sgt.u32 s31, $0x7C;
	s31 =	simm.s32 @!p1 $0x180  }
0x68: {  	s29 =	sadd.s32 @!p1 s26, s29;
	s5 =	simm.s32 @!p1 $0x0;
	s2 =	sadd.s32 @!p4 $0xFFFFFFFA, s24  }
0x69: {  	[tilespmem:s31], [sflag:$0x4] =	stream.linear.gather @!p1 [hbm4b:s29+s5], $0x50, $0x38;
	[tilespmem:$0x1DC80] =	vst v63  }
0x6a: {  	p3 =	sgt.u32 @!p4 s2, $0x7C;
	s2 =	sadd.s32 @!p1 s26, s30;
	s30 =	simm.s32 @!p4 $0x4  }
0x6b: {  	[tilespmem:s28], [sflag:$0x4] =	stream.linear.gather @!p1 [hbm4b:s2+s5], $0x50, $0x38;
	[tilespmem:$0x1DC80] =	vst v63  }
0x6c: {  	_ =	swait.ge @!p4 [sflag:s30], $0x50  }
0x6d: {  	p5 =	sgt.u32 s24, $0x7C;
	s0 =	smov.u32 s25;
	[sflag:s30] =	ssyncset.done @!p4 $0x0  }
0x6e: {  	s29 =	simm.s32 @!p4 $0x50;
	s26 =	smov.u32 s23;
	[sflag:s30] =	ssyncadd.s32 @!p4 $0xFFFFFFB0  }
0x6f: {  	s23 =	smov.u32 s0;
	s0 =	simm.s32 @!p4 $0x180;
	_ =	swait.ge @!p4 [sflag:s30], $0x50  }
0x70: {  	p1 =	por p5, p5;
	p5 =	por p3, p4;
	[sflag:s30] =	ssyncset.done @!p4 $0x0  }
0x71: {  	s28 =	simm.s32 @!p4 $0x7C00;
	s2 =	simm.s32 @!p5 $0x6;
	[sflag:s30] =	ssyncadd.s32 @!p4 $0xFFFFFFB0  }
0x72: {  	[tilespmem:s28], [sflag:$0x8] =	stream.indirect.gather @!p4 [hbm4b:s4+s29], $0x80, s0, s29, $0xb8;
	[tilespmem:$0x1DC80] =	vst v63  }
0x73: {  	p3 =	seq.s32 s26, $0x0;
	_ =	swait.ge @!p5 [sflag:s2], $0x2800  }
0x74: {  	s5 =	simm.s32 @!p5 $0x50;
	s30 =	simm.s32 @!p3 $0x9;
	[sflag:s2] =	ssyncset.done @!p5 $0x0  }
0x75: {  	s0 =	simm.s32 @!p5 $0x2C00;
	[sflag:s2] =	ssyncadd.s32 @!p5 $0xFFFFD800;
	s2 =	simm.s32 @!p5 $0x280  }
0x76: {  	[spmem:s1] =	stream.indirect.scatter.add.f32 @!p5 [tilespmem:s0], [sflag:$0xA], $0x80, s2, s5, $0xb8;
	[tilespmem:$0x1DC80] =	vst v63  }
0x77: {  	_ =	swait.ge @!p3 [sflag:s30], $0x2800  }
0x78: {  	s2 =	rddreg [dreg:$0x3];
	[sflag:s30] =	ssyncset.done @!p3 $0x0  }
0x79: {  	s5 =	rddreg [dreg:$0x4];
	[sflag:s30] =	ssyncadd.s32 @!p3 $0xFFFFD800;
	s0 =	sadd.s32 s26, s2  }
0x7a: {  	[tilespmem:s3], [sflag:$0x1] =	stream.linear.gather [hbm4b:s0+s3], $0x50, $0x38;
	[tilespmem:$0x1DC80] =	vst v63  }
0x7b: {  	s2 =	sadd.s32 s26, s5  }
0x7c: {  	[tilespmem:s14], [sflag:$0x1] =	stream.linear.gather [hbm4b:s2+s3], $0x50, $0x38;
	[tilespmem:$0x1DC80] =	vst v63  }
0x7d: {  	_ =	swait.ge [sflag:s15], $0x50  }
0x7e: {  	[sflag:s15] =	ssyncset.done $0x0  }
0x7f: {  	[sflag:s15] =	ssyncadd.s32 $0xFFFFFFB0  }
0x80: {  	s5 =	sadd.s32 $0xFFFFFFFB, s24;
	_ =	swait.ge [sflag:s15], $0x50  }
0x81: {  	p5 =	sgt.u32 s5, $0x7C;
	[sflag:s15] =	ssyncset.done $0x0  }
0x82: {  	s0 =	simm.s32 @!p5 $0x7;
	[sflag:s15] =	ssyncadd.s32 $0xFFFFFFB0  }
0x83: {  	[tilespmem:s17], [sflag:$0x5] =	stream.indirect.gather [hbm4b:s4+s16], $0x80, s3, s16, $0xb8;
	[tilespmem:$0x1DC80] =	vst v63  }
0x84: {  	_ =	swait.ge @!p5 [sflag:s0], $0x2800  }
0x85: {  	s31 =	simm.s32 @!p3 $0xA;
	s5 =	simm.s32 @!p5 $0x5400;
	[sflag:s0] =	ssyncset.done @!p5 $0x0  }
0x86: {  	s30 =	simm.s32 @!p5 $0x50;
	s2 =	simm.s32 @!p5 $0x300;
	[sflag:s0] =	ssyncadd.s32 @!p5 $0xFFFFD800  }
0x87: {  	[spmem:s1] =	stream.indirect.scatter.add.f32 @!p5 [tilespmem:s5], [sflag:$0xB], $0x80, s2, s30, $0xb8;
	[tilespmem:$0x1DC80] =	vst v63  }
0x88: {  	s2 =	sadd.s32 $0xFFFFFFFE, s24;
	_ =	swait.ge @!p3 [sflag:s31], $0x2800  }
0x89: {  	p5 =	sgt.u32 s2, $0x7C;
	s0 =	rddreg [dreg:$0x5]  }
0x8a: {  	[sflag:s31] =	ssyncset.done @!p3 $0x0;
	s5 =	rddreg [dreg:$0x6];
	s2 =	simm.s32 @!p5 $0x0  }
0x8b: {  	s30 =	simm.s32 @!p5 $0x80;
	[sflag:s31] =	ssyncadd.s32 @!p3 $0xFFFFD800;
	s0 =	sadd.s32 @!p5 s26, s0  }
0x8c: {  	[tilespmem:s30], [sflag:$0x2] =	stream.linear.gather @!p5 [hbm4b:s0+s2], $0x50, $0x38;
	[tilespmem:$0x1DC80] =	vst v63  }
0x8d: {  	s31 =	simm.s32 @!p5 $0x2;
	s0 =	sadd.s32 @!p5 s26, s5;
	s5 =	simm.s32 @!p5 $0x280  }
0x8e: {  	[tilespmem:s5], [sflag:$0x2] =	stream.linear.gather @!p5 [hbm4b:s0+s2], $0x50, $0x38;
	[tilespmem:$0x1DC80] =	vst v63  }
0x8f: {  	_ =	swait.ge @!p5 [sflag:s31], $0x50  }
0x90: {  	[sflag:s31] =	ssyncset.done @!p5 $0x0  }
0x91: {  	[sflag:s31] =	ssyncadd.s32 @!p5 $0xFFFFFFB0  }
0x92: {  	_ =	swait.ge @!p5 [sflag:s31], $0x50  }
0x93: {  	s0 =	simm.s32 @!p5 $0x2C00;
	[sflag:s31] =	ssyncset.done @!p5 $0x0  }
0x94: {  	s2 =	simm.s32 @!p5 $0x50;
	s5 =	simm.s32 @!p4 $0x8;
	[sflag:s31] =	ssyncadd.s32 @!p5 $0xFFFFFFB0  }
0x95: {  	[tilespmem:s0], [sflag:$0x6] =	stream.indirect.gather @!p5 [hbm4b:s4+s2], $0x80, s30, s2, $0xb8;
	[tilespmem:$0x1DC80] =	vst v63  }
0x96: {  	_ =	swait.ge @!p4 [sflag:s5], $0x2800  }
0x97: {  	[sflag:s5] =	ssyncset.done @!p4 $0x0  }
0x98: {  	s0 =	simm.s32 @!p4 $0x380;
	[sflag:s5] =	ssyncadd.s32 @!p4 $0xFFFFD800;
	s5 =	sadd.s32 $0xFFFFFFFF, s24  }
0x99: {  	[spmem:s1] =	stream.indirect.scatter.add.f32 @!p4 [tilespmem:s28], [sflag:$0xC], $0x80, s0, s29, $0xb8;
	[tilespmem:$0x1DC80] =	vst v63  }
0x9a: {  	s2 =	simm.s32 @!p3 $0xB;
	p4 =	sgt.u32 s5, $0x7C  }
0x9b: {  	_ =	swait.ge @!p3 [sflag:s2], $0x2800;
	s5 =	simm.s32 @!p4 $0x0  }
0x9c: {  	s28 =	simm.s32 @!p4 $0x100;
	[sflag:s2] =	ssyncset.done @!p3 $0x0;
	s0 =	rddreg [dreg:$0x7]  }
0x9d: {  	[sflag:s2] =	ssyncadd.s32 @!p3 $0xFFFFD800;
	s2 =	rddreg [dreg:$0x8];
	s0 =	sadd.s32 @!p4 s26, s0  }
0x9e: {  	[tilespmem:s28], [sflag:$0x3] =	stream.linear.gather @!p4 [hbm4b:s0+s5], $0x50, $0x38;
	[tilespmem:$0x1DC80] =	vst v63  }
0x9f: {  	s29 =	simm.s32 @!p4 $0x3;
	s0 =	sadd.s32 @!p4 s26, s2;
	s2 =	simm.s32 @!p4 $0x300  }
0xa0: {  	[tilespmem:s2], [sflag:$0x3] =	stream.linear.gather @!p4 [hbm4b:s0+s5], $0x50, $0x38;
	[tilespmem:$0x1DC80] =	vst v63  }
0xa1: {  	_ =	swait.ge @!p4 [sflag:s29], $0x50  }
0xa2: {  	[sflag:s29] =	ssyncset.done @!p4 $0x0  }
0xa3: {  	[sflag:s29] =	ssyncadd.s32 @!p4 $0xFFFFFFB0  }
0xa4: {  	_ =	swait.ge @!p4 [sflag:s29], $0x50  }
0xa5: {  	[sflag:s29] =	ssyncset.done @!p4 $0x0  }
0xa6: {  	s0 =	simm.s32 @!p4 $0x50;
	s2 =	simm.s32 @!p4 $0x5400;
	[sflag:s29] =	ssyncadd.s32 @!p4 $0xFFFFFFB0  }
0xa7: {  	[tilespmem:s2], [sflag:$0x7] =	stream.indirect.gather @!p4 [hbm4b:s4+s0], $0x80, s28, s0, $0xb8;
	[tilespmem:$0x1DC80] =	vst v63  }
0xa8: {  	s25 =	sadd.s32 $0x28, s25;
	_ =	swait.ge [sflag:s18], $0x2800  }
0xa9: {  	p2 =	sne.s32 s25, $0x500;
	[sflag:s18] =	ssyncset.done $0x0  }
.Ltmp0:
0xaa: {  	s0 =	simm.s32 @!p3 $0xC;
	[sflag:s18] =	ssyncadd.s32 $0xFFFFD800;
	(pc) =	sbr.rel @p2 .LBB2_2-.Ltmp0, $4  }
0xab: {  	[spmem:s1] =	stream.indirect.scatter.add.f32 [tilespmem:s17], [sflag:$0x9], $0x80, s14, s16, $0xb8;
	[tilespmem:$0x1DC80] =	vst v63  }
0xac: {  	s24 =	sadd.s32 $0x4, s24;
	_ =	swait.ge @!p3 [sflag:s0], $0x2800  }
0xad: {  	s31 =	sadd.s32 $0xFFFFFFFC, s24;
	[sflag:s0] =	ssyncset.done @!p3 $0x0;
	s29 =	rddreg [dreg:$0x9]  }
0xae: {  	s28 =	simm.s32 @!p1 $0x380;
	s30 =	rddreg [dreg:$0xa];
	[sflag:s0] =	ssyncadd.s32 @!p3 $0xFFFFD800  }
0xaf: {  	p2 =	sgt.u32 s31, $0x7C  }
0xb0: {  	s0 =	simm.s32 @!p1 $0x180;
	s2 =	sadd.s32 @!p1 s26, s29;
	s5 =	simm.s32 @!p1 $0x0  }
0xb1: {  	[tilespmem:s0], [sflag:$0x4] =	stream.linear.gather @!p1 [hbm4b:s2+s5], $0x50, $0x38;
	[tilespmem:$0x1DC80] =	vst v63  }
0xb2: {  	s0 =	sadd.s32 @!p1 s26, s30;
	s2 =	simm.s32 @!p2 $0x4  }
0xb3: {  	[tilespmem:s28], [sflag:$0x4] =	stream.linear.gather @!p1 [hbm4b:s0+s5], $0x50, $0x38;
	[tilespmem:$0x1DC80] =	vst v63  }
0xb4: {  	_ =	swait.ge @!p2 [sflag:s2], $0x50  }
0xb5: {  	[sflag:s2] =	ssyncset.done @!p2 $0x0  }
0xb6: {  	s0 =	sadd.s32 @!p2 $0xFFFFFFFA, s24;
	[sflag:s2] =	ssyncadd.s32 @!p2 $0xFFFFFFB0  }
0xb7: {  	s25 =	simm.s32 @!p2 $0x7C00;
	p1 =	sgt.u32 @!p2 s0, $0x7C;
	_ =	swait.ge @!p2 [sflag:s2], $0x50  }
0xb8: {  	s26 =	simm.s32 @!p2 $0x50;
	p3 =	por p1, p2;
	[sflag:s2] =	ssyncset.done @!p2 $0x0  }
0xb9: {  	s0 =	simm.s32 @!p2 $0x180;
	s5 =	simm.s32 @!p3 $0x6;
	[sflag:s2] =	ssyncadd.s32 @!p2 $0xFFFFFFB0  }
0xba: {  	[tilespmem:s25], [sflag:$0x8] =	stream.indirect.gather @!p2 [hbm4b:s4+s26], $0x80, s0, s26, $0xb8;
	[tilespmem:$0x1DC80] =	vst v63  }
0xbb: {  	p1 =	seq.s32 s23, $0x0;
	_ =	swait.ge @!p3 [sflag:s5], $0x2800  }
0xbc: {  	s28 =	simm.s32 @!p1 $0x9;
	s2 =	simm.s32 @!p3 $0x50;
	[sflag:s5] =	ssyncset.done @!p3 $0x0  }
0xbd: {  	s0 =	simm.s32 @!p3 $0x2C00;
	[sflag:s5] =	ssyncadd.s32 @!p3 $0xFFFFD800;
	s5 =	simm.s32 @!p3 $0x280  }
0xbe: {  	[spmem:s1] =	stream.indirect.scatter.add.f32 @!p3 [tilespmem:s0], [sflag:$0xA], $0x80, s5, s2, $0xb8;
	[tilespmem:$0x1DC80] =	vst v63  }
0xbf: {  	_ =	swait.ge @!p1 [sflag:s28], $0x2800  }
0xc0: {  	s2 =	rddreg [dreg:$0x3];
	[sflag:s28] =	ssyncset.done @!p1 $0x0  }
0xc1: {  	s5 =	rddreg [dreg:$0x4];
	[sflag:s28] =	ssyncadd.s32 @!p1 $0xFFFFD800;
	s0 =	sadd.s32 s23, s2  }
0xc2: {  	[tilespmem:s3], [sflag:$0x1] =	stream.linear.gather [hbm4b:s0+s3], $0x50, $0x38;
	[tilespmem:$0x1DC80] =	vst v63  }
0xc3: {  	s28 =	sadd.s32 s23, s5  }
0xc4: {  	[tilespmem:s14], [sflag:$0x1] =	stream.linear.gather [hbm4b:s28+s3], $0x50, $0x38;
	[tilespmem:$0x1DC80] =	vst v63  }
0xc5: {  	_ =	swait.ge [sflag:s15], $0x50  }
0xc6: {  	[sflag:s15] =	ssyncset.done $0x0  }
0xc7: {  	[sflag:s15] =	ssyncadd.s32 $0xFFFFFFB0  }
0xc8: {  	s29 =	sadd.s32 $0xFFFFFFFB, s24;
	_ =	swait.ge [sflag:s15], $0x50  }
0xc9: {  	p3 =	sgt.u32 s29, $0x7C;
	[sflag:s15] =	ssyncset.done $0x0  }
0xca: {  	s0 =	simm.s32 @!p3 $0x7;
	[sflag:s15] =	ssyncadd.s32 $0xFFFFFFB0  }
0xcb: {  	[tilespmem:s17], [sflag:$0x5] =	stream.indirect.gather [hbm4b:s4+s16], $0x80, s3, s16, $0xb8;
	[tilespmem:$0x1DC80] =	vst v63  }
0xcc: {  	_ =	swait.ge @!p3 [sflag:s0], $0x2800  }
0xcd: {  	s30 =	sadd.s32 $0xFFFFFFFE, s24;
	s2 =	simm.s32 @!p3 $0x300;
	[sflag:s0] =	ssyncset.done @!p3 $0x0  }
0xce: {  	s5 =	simm.s32 @!p3 $0x5400;
	s28 =	simm.s32 @!p3 $0x50;
	[sflag:s0] =	ssyncadd.s32 @!p3 $0xFFFFD800  }
0xcf: {  	[spmem:s1] =	stream.indirect.scatter.add.f32 @!p3 [tilespmem:s5], [sflag:$0xB], $0x80, s2, s28, $0xb8;
	[tilespmem:$0x1DC80] =	vst v63  }
0xd0: {  	s29 =	simm.s32 @!p1 $0xA;
	p3 =	sgt.u32 s30, $0x7C  }
0xd1: {  	_ =	swait.ge @!p1 [sflag:s29], $0x2800;
	s2 =	simm.s32 @!p3 $0x0  }
0xd2: {  	s28 =	simm.s32 @!p3 $0x80;
	s0 =	rddreg [dreg:$0x5];
	[sflag:s29] =	ssyncset.done @!p1 $0x0  }
0xd3: {  	s5 =	rddreg [dreg:$0x6];
	[sflag:s29] =	ssyncadd.s32 @!p1 $0xFFFFD800;
	s0 =	sadd.s32 @!p3 s23, s0  }
0xd4: {  	[tilespmem:s28], [sflag:$0x2] =	stream.linear.gather @!p3 [hbm4b:s0+s2], $0x50, $0x38;
	[tilespmem:$0x1DC80] =	vst v63  }
0xd5: {  	s29 =	simm.s32 @!p3 $0x2;
	s0 =	sadd.s32 @!p3 s23, s5;
	s5 =	simm.s32 @!p3 $0x280  }
0xd6: {  	[tilespmem:s5], [sflag:$0x2] =	stream.linear.gather @!p3 [hbm4b:s0+s2], $0x50, $0x38;
	[tilespmem:$0x1DC80] =	vst v63  }
0xd7: {  	_ =	swait.ge @!p3 [sflag:s29], $0x50  }
0xd8: {  	[sflag:s29] =	ssyncset.done @!p3 $0x0  }
0xd9: {  	[sflag:s29] =	ssyncadd.s32 @!p3 $0xFFFFFFB0  }
0xda: {  	_ =	swait.ge @!p3 [sflag:s29], $0x50  }
0xdb: {  	s0 =	simm.s32 @!p3 $0x2C00;
	[sflag:s29] =	ssyncset.done @!p3 $0x0  }
0xdc: {  	s2 =	simm.s32 @!p3 $0x50;
	s5 =	simm.s32 @!p2 $0x8;
	[sflag:s29] =	ssyncadd.s32 @!p3 $0xFFFFFFB0  }
0xdd: {  	[tilespmem:s0], [sflag:$0x6] =	stream.indirect.gather @!p3 [hbm4b:s4+s2], $0x80, s28, s2, $0xb8;
	[tilespmem:$0x1DC80] =	vst v63  }
0xde: {  	_ =	swait.ge @!p2 [sflag:s5], $0x2800  }
0xdf: {  	[sflag:s5] =	ssyncset.done @!p2 $0x0  }
0xe0: {  	s31 =	sadd.s32 $0xFFFFFFFF, s24;
	s0 =	simm.s32 @!p2 $0x380;
	[sflag:s5] =	ssyncadd.s32 @!p2 $0xFFFFD800  }
0xe1: {  	[spmem:s1] =	stream.indirect.scatter.add.f32 @!p2 [tilespmem:s25], [sflag:$0xC], $0x80, s0, s26, $0xb8;
	[tilespmem:$0x1DC80] =	vst v63  }
0xe2: {  	s2 =	simm.s32 @!p1 $0xB;
	p2 =	sgt.u32 s31, $0x7C  }
0xe3: {  	_ =	swait.ge @!p1 [sflag:s2], $0x2800;
	s5 =	simm.s32 @!p2 $0x0  }
0xe4: {  	s25 =	simm.s32 @!p2 $0x100;
	s0 =	rddreg [dreg:$0x7];
	[sflag:s2] =	ssyncset.done @!p1 $0x0  }
0xe5: {  	[sflag:s2] =	ssyncadd.s32 @!p1 $0xFFFFD800;
	s2 =	rddreg [dreg:$0x8];
	s0 =	sadd.s32 @!p2 s23, s0  }
0xe6: {  	[tilespmem:s25], [sflag:$0x3] =	stream.linear.gather @!p2 [hbm4b:s0+s5], $0x50, $0x38;
	[tilespmem:$0x1DC80] =	vst v63  }
0xe7: {  	s26 =	simm.s32 @!p2 $0x3;
	s0 =	sadd.s32 @!p2 s23, s2;
	s2 =	simm.s32 @!p2 $0x300  }
0xe8: {  	[tilespmem:s2], [sflag:$0x3] =	stream.linear.gather @!p2 [hbm4b:s0+s5], $0x50, $0x38;
	[tilespmem:$0x1DC80] =	vst v63  }
0xe9: {  	_ =	swait.ge @!p2 [sflag:s26], $0x50  }
0xea: {  	[sflag:s26] =	ssyncset.done @!p2 $0x0  }
0xeb: {  	[sflag:s26] =	ssyncadd.s32 @!p2 $0xFFFFFFB0  }
0xec: {  	_ =	swait.ge @!p2 [sflag:s26], $0x50  }
0xed: {  	[sflag:s26] =	ssyncset.done @!p2 $0x0  }
0xee: {  	s0 =	simm.s32 @!p2 $0x50;
	s2 =	simm.s32 @!p2 $0x5400;
	[sflag:s26] =	ssyncadd.s32 @!p2 $0xFFFFFFB0  }
0xef: {  	[tilespmem:s2], [sflag:$0x7] =	stream.indirect.gather @!p2 [hbm4b:s4+s0], $0x80, s25, s0, $0xb8;
	[tilespmem:$0x1DC80] =	vst v63  }
0xf0: {  	_ =	swait.ge [sflag:s18], $0x2800  }
0xf1: {  	p6 =	sgt.u32 s24, $0x7C;
	[sflag:s18] =	ssyncset.done $0x0  }
0xf2: {  	s0 =	simm.s32 @!p1 $0xC;
	p2 =	por p6, p6;
	[sflag:s18] =	ssyncadd.s32 $0xFFFFD800  }
0xf3: {  	[spmem:s1] =	stream.indirect.scatter.add.f32 [tilespmem:s17], [sflag:$0x9], $0x80, s14, s16, $0xb8;
	[tilespmem:$0x1DC80] =	vst v63  }
0xf4: {  	s5 =	simm.s32 @!p2 $0x180;
	_ =	swait.ge @!p1 [sflag:s0], $0x2800  }
0xf5: {  	s24 =	simm.s32 @!p2 $0x0;
	s2 =	rddreg [dreg:$0x9];
	[sflag:s0] =	ssyncset.done @!p1 $0x0  }
0xf6: {  	[sflag:s0] =	ssyncadd.s32 @!p1 $0xFFFFD800;
	s0 =	rddreg [dreg:$0xa];
	s2 =	sadd.s32 @!p2 s23, s2  }
0xf7: {  	[tilespmem:s5], [sflag:$0x4] =	stream.linear.gather @!p2 [hbm4b:s2+s24], $0x50, $0x38;
	[tilespmem:$0x1DC80] =	vst v63  }
0xf8: {  	s2 =	simm.s32 @!p2 $0x380;
	s0 =	sadd.s32 @!p2 s23, s0  }
0xf9: {  	[tilespmem:s2], [sflag:$0x4] =	stream.linear.gather @!p2 [hbm4b:s0+s24], $0x50, $0x38;
	[tilespmem:$0x1DC80] =	vst v63  }
0xfa: {  	_ =	swait.ge [sflag:s19], $0x2800  }
0xfb: {  	[sflag:s19] =	ssyncset.done $0x0  }
0xfc: {  	[sflag:s19] =	ssyncadd.s32 $0xFFFFD800  }
0xfd: {  	[bflag:$0x0] =	sbarrier.arrive $0xFFFF  }
0xfe: {  	[hbm:s10], [sflag:s7] =	dma.local [spmem:s21], $0x2700  }
0xff: {  	s20 =	sadd.s32 $0x1, s20;
	_ =	swait.ge [sflag:s13], $0x2700  }
0x100: {  	p1 =	sne.s32 s20, s12;
	[sflag:s13] =	ssyncset.done $0x0  }
.Ltmp1:
0x101: {  	s0 =	simm.s32 @!p0 $0xD;
	[sflag:s13] =	ssyncadd.s32 $0xFFFFD900;
	(pc) =	sbr.rel @p1 .LBB2_1-.Ltmp1, $4  }
0x102: {  	[hbm:s11], [sflag:s7] =	dma.local @!p0 [spmem:s22], $0x100  }
0x103: {  	_ =	swait.ge @!p0 [sflag:s0], $0x100  }
0x104: {  	[sflag:s0] =	ssyncset.done @!p0 $0x0  }
0x105: {  	[sflag:s0] =	ssyncadd.s32 @!p0 $0xFFFFFF00  }
0x106: {  	_ =	sfence.sel $0x180000  }
0x107: {  	[bflag:$0x0] =	sbarrier.arrive $0xFFFF  }
0x108: {  	_ =	strace $0x9000004D  }
0x109: {  	s0 =	stileid.u32;
	[bflag:$0x2] =	sbarrier.arrive $0xFFFF  }
0x10a: {  	p0 =	sne.s32 s0, $0x0;
	s0 =	rddreg [dreg:$0x2]  }
0x10b: {  	s0 =	sadd.s32 @!p0 $0x100000, s0  }
0x10c: {  	[sflag:s0] =	ssyncadd.tile.s32 @!p0 $0x1;
	_ =	shalt  }
.Lfunc_end2:
_tile_overlayer_lowered:
.L_overlay_start_2:
0x10d: {  	(tag) =	ssettag $0x2  }
0x10e: {  	s0 =	rddreg [dreg:$0x0];
	s2 =	stileid.u32  }
0x10f: {  	s1 =	rddreg [dreg:$0x1];
	p0 =	sne.s32 s2, $0x0  }
0x110: {  	s3 =	rddreg [dreg:$0x2];
	[bflag:$0x3] =	sbarrier.arrive $0xFFFF;
	s2 =	simm.s32 @!p0 $0x1C0D  }
0x111: {  	[timem:s3], [sflag:s2] =	dma.local @!p0 [hbm:s0], s1  }
0x112: {  	s0 =	simm.s32 @!p0 $0xD  }
0x113: {  	_ =	swait.ge @!p0 [sflag:s0], s1  }
0x114: {  	s1 =	ssub.s32 @!p0 $0x0, s1;
	[sflag:s0] =	ssyncset.done @!p0 $0x0  }
0x115: {  	[sflag:s0] =	ssyncadd.s32 @!p0 s1  }
0x116: {  	[bflag:$0x3] =	sbarrier.arrive $0xFFFF  }
0x117: {  	_ =	shalt  }

// kernel: kernel.8.cloned.1.call-start
scs
__scs_entry_jumppad:
0x0: {  	(pc) =	sbr.rel $0x88, $3  }
0x1: {  	(tag) =	ssettag $0x0;
	lr =	simm.s32 $0x1  }
0x2: {  	[smem:$0x3F98] =	sst lr;
	_ =	strace $0xD0000000  }
0x3: {  	_ = 	snop  }
0x4: {  	_ = 	snop  }
0x5: {  	_ = 	snop  }
0x6: {  	_ = 	snop  }
0x7: {  	_ = 	snop  }
__scs_overlays_trampoline_lowered:
0x8: {  	[smem:$0x3FA7] =	sst s0  }
0x9: {  	[smem:$0x3FA8] =	sst s1  }
0xa: {  	[smem:$0x3FA9] =	sst s2  }
0xb: {  	[smem:$0x3FAA] =	sst s3  }
0xc: {  	[smem:$0x3FAB] =	sst s4  }
0xd: {  	[smem:$0x3FAC] =	sst s5  }
0xe: {  	[smem:$0x3FAD] =	sst s6  }
0xf: {  	[smem:$0x3FAE] =	sst s7  }
0x10: {  	[smem:$0x3FAF] =	sst s8  }
0x11: {  	[smem:$0x3FB0] =	sst s9;
	s0 =	simm.s32 @!p0 $0x0  }
0x12: {  	s1 =	sld [smem:$0x3F96];
	s0 =	simm.s32 @p0 $0x1  }
0x13: {  	[smem:$0x3FB1] =	sst s0;
	s0 =	simm.s32 @!p1 $0x0  }
0x14: {  	s2 =	sld [smem:$0x3F95];
	s0 =	simm.s32 @p1 $0x1  }
0x15: {  	[smem:$0x3FB2] =	sst s0;
	s0 =	simm.s32 @!p2 $0x0  }
0x16: {  	s3 =	sld [smem:$0x3FDB];
	s0 =	simm.s32 @p2 $0x1  }
0x17: {  	s4 =	simm.s32 $0x1BF5;
	[smem:$0x3FB4] =	sst s0  }
0x18: {  	s0 =	sld [smem:$0x3F97];
	_ =	swait.ge [sflag:s4], $0x0  }
0x19: {  	s7 =	sld [smem:$0x3F98]  }
0x1a: {  	s8 =	sadd.s32 $0xFFFFE003, lr  }
0x1b: {  	s9 =	sadd.s32 $0xFFFFFEF7, lr;
	s5 =	simm.s32 $0xFFFFFFFF;
	p2 =	slt.u32 s8, $0xFFFFF086  }
0x1c: {  	p1 =	slt.u32 s9, $0xF7A;
	s5 =	simm.s32 @!p2 $0x0  }
0x1d: {  	s5 =	simm.s32 @p1 $0x1;
	p0 =	seq.s32 s7, s2  }
0x1e: {  	s7 =	smul.u32 @!p0 $0xF7A, s2;
	p2 =	seq.s32 @!p0 s5, $0x0  }
0x1f: {  	s9 =	smul.u32 $0xF7A, s1;
	s8 =	simm.s32 @!p0 $0x1BF5;
	p2 =	por !p2, p0  }
0x20: {  	[sflag:s8] =	ssyncset.s32 @!p0 $0xFFFFF086;
	s6 =	sadd.s32 @!p0 s3, s7;
	s7 =	simm.s32 @!p0 $0x108  }
0x21: {  	s3 =	sadd.s32 s3, s9;
	s6 =	sadd.s32 @!p0 $0x88, s6;
	s7 =	simm.s32 @p2 $0x1082  }
0x22: {  	[simem:s7], [sflag:s8] =	dma.local @!p0 [hbm:s6], $0xF7A  }
0x23: {  	s9 =	sor.u32 $0xD0000000, s2;
	s6 =	simm.s32 $0x108;
	_ =	swait.ge @!p0 [sflag:s8], $0x0  }
0x24: {  	s3 =	sadd.s32 $0x88, s3;
	s6 =	simm.s32 @!p1 $0x1082;
	[sflag:s4] =	ssyncset.s32 $0xFFFFF086  }
0x25: {  	[simem:s6], [sflag:s4] =	dma.local [hbm:s3], $0xF7A  }
0x26: {  	[smem:$0x3F98] =	sst s1;
	(tag) =	ssettag s2;
	_ =	strace s9  }
0x27: {  	s1 =	sld [smem:$0x3FA8]  }
0x28: {  	s2 =	sld [smem:$0x3FA9]  }
0x29: {  	s4 =	sld [smem:$0x3FAB]  }
0x2a: {  	p0 =	seq.s32 s5, $0x0;
	s5 =	sld [smem:$0x3FAC]  }
0x2b: {  	s6 =	sld [smem:$0x3FAD]  }
0x2c: {  	s7 =	sld [smem:$0x3FAE]  }
0x2d: {  	s3 =	simm.s32 $0x108;
	s8 =	sld [smem:$0x3FAF]  }
0x2e: {  	s3 =	simm.s32 @!p0 $0x1082;
	s9 =	sld [smem:$0x3FB0]  }
0x2f: {  	lr =	sadd.s32 s0, s3;
	s0 =	sld [smem:$0x3FA7]  }
0x30: {  	s3 =	sld [smem:$0x3FAA]  }
0x31: {  	[smem:$0x3FB3] =	sst s10  }
0x32: {  	s10 =	sld [smem:$0x3FB1];
	_ =	sdelay $0x3  }
0x33: {  	p0 =	seq.s32 s10, $0x1;
	s10 =	sld [smem:$0x3FB3];
	_ =	sdelay $0x3  }
0x34: {  	[smem:$0x3FB3] =	sst s10  }
0x35: {  	s10 =	sld [smem:$0x3FB2];
	_ =	sdelay $0x3  }
0x36: {  	p1 =	seq.s32 s10, $0x1;
	s10 =	sld [smem:$0x3FB3];
	_ =	sdelay $0x3  }
0x37: {  	[smem:$0x3FB3] =	sst s10  }
0x38: {  	s10 =	sld [smem:$0x3FB4]  }
0x39: {  	_ = 	snop;
	(pc) =	sbr.ind lr, $3  }
0x3a: {  	_ = 	snop  }
0x3b: {  	_ = 	snop  }
0x3c: {  	p2 =	seq.s32 s10, $0x1;
	s10 =	sld [smem:$0x3FB3]  }
0x3d: {  	_ =	shalt  }
0x3e: {  	_ =	shalt  }
0x3f: {  	_ =	shalt  }
0x40: {  	_ =	shalt  }
0x41: {  	_ =	shalt  }
0x42: {  	_ =	shalt  }
0x43: {  	_ =	shalt  }
0x44: {  	_ =	shalt  }
0x45: {  	_ =	shalt  }
0x46: {  	_ =	shalt  }
0x47: {  	_ =	shalt  }
0x48: {  	_ =	shalt  }
0x49: {  	_ =	shalt  }
0x4a: {  	_ =	shalt  }
0x4b: {  	_ =	shalt  }
0x4c: {  	_ =	shalt  }
0x4d: {  	_ =	shalt  }
0x4e: {  	_ =	shalt  }
0x4f: {  	_ =	shalt  }
0x50: {  	_ =	shalt  }
0x51: {  	_ =	shalt  }
0x52: {  	_ =	shalt  }
0x53: {  	_ =	shalt  }
0x54: {  	_ =	shalt  }
0x55: {  	_ =	shalt  }
0x56: {  	_ =	shalt  }
0x57: {  	_ =	shalt  }
0x58: {  	_ =	shalt  }
0x59: {  	_ =	shalt  }
0x5a: {  	_ =	shalt  }
0x5b: {  	_ =	shalt  }
0x5c: {  	_ =	shalt  }
0x5d: {  	_ =	shalt  }
0x5e: {  	_ =	shalt  }
0x5f: {  	_ =	shalt  }
0x60: {  	_ =	shalt  }
0x61: {  	_ =	shalt  }
0x62: {  	_ =	shalt  }
0x63: {  	_ =	shalt  }
0x64: {  	_ =	shalt  }
0x65: {  	_ =	shalt  }
0x66: {  	_ =	shalt  }
0x67: {  	_ =	shalt  }
0x68: {  	_ =	shalt  }
0x69: {  	_ =	shalt  }
0x6a: {  	_ =	shalt  }
0x6b: {  	_ =	shalt  }
0x6c: {  	_ =	shalt  }
0x6d: {  	_ =	shalt  }
0x6e: {  	_ =	shalt  }
0x6f: {  	_ =	shalt  }
0x70: {  	_ =	shalt  }
0x71: {  	_ =	shalt  }
0x72: {  	_ =	shalt  }
0x73: {  	_ =	shalt  }
0x74: {  	_ =	shalt  }
0x75: {  	_ =	shalt  }
0x76: {  	_ =	shalt  }
0x77: {  	_ =	shalt  }
0x78: {  	_ =	shalt  }
0x79: {  	_ =	shalt  }
0x7a: {  	_ =	shalt  }
0x7b: {  	_ =	shalt  }
0x7c: {  	_ =	shalt  }
0x7d: {  	_ =	shalt  }
0x7e: {  	_ =	shalt  }
0x7f: {  	_ =	shalt  }
0x80: {  	_ =	shalt  }
0x81: {  	_ =	shalt  }
0x82: {  	_ =	shalt  }
0x83: {  	_ =	shalt  }
0x84: {  	_ =	shalt  }
0x85: {  	_ =	shalt  }
0x86: {  	_ =	shalt  }
0x87: {  	_ =	shalt  }
.Lfunc_end0:
.L_simem_size_0:
called_computation_lowered:
.L_overlay_start_0:
0x88: {  	s2 =	sld [smem:$0x3FD9]  }
0x89: {  	s3 =	sld [smem:$0x3FFE];
	_ =	sdelay $0x1  }
0x8a: {  	s1 =	srdreg.scid  }
0x8b: {  	s0 =	sand.u32 $0x1, s1  }
0x8c: {  	s16 =	sshll.u32 s0, $0xA;
	s2 =	sadd.s32 s3, s2  }
0x8d: {  	s2 =	sadd.s32 s2, s16  }
0x8e: {  	[smem:$0x3FBF] =	sst s2  }
0x8f: {  	_ = 	snop  }
0x90: {  	(tm) =	ssettm $0x1  }
0x91: {  	s17 =	sld [smem:$0x3FFB];
	_ =	sdelay $0x3  }
0x92: {  	_ =	strace s17  }
0x93: {  	s2 =	sld [smem:$0x3FFC];
	_ =	sdelay $0x3  }
0x94: {  	_ =	strace s2  }
0x95: {  	s2 =	sld [smem:$0x3FFD];
	_ =	sdelay $0x3  }
0x96: {  	_ =	strace s2  }
0x97: {  	_ =	strace $0x8FFFFFFF  }
0x98: {  	s18 =	sld [smem:$0x3FDB];
	_ =	sdelay $0x1  }
0x99: {  	s19 =	simm.s32 $_scs_section_size  }
0x9a: {  	s4 =	simm.s32 $_size__tile_overlayer_lowered;
	s5 =	simm.s32 $_tile_overlayer_lowered  }
0x9b: {  	s22 =	simm.s32 $0x1BFF;
	s21 =	sshll.u32 s5, $0x1;
	s2 =	sadd.s32 s19, s18  }
0x9c: {  	s6 =	simm.s32 $0x0;
	s20 =	sshll.u32 s4, $0x1;
	s4 =	sadd.s32 s21, s2  }
0x9d: {  	[timem:s6], [sflag:s22] =	dma.local [hbm:s4], s20  }
0x9e: {  	_ =	swait.ge [sflag:s22], s20  }
0x9f: {  	s3 =	ssub.s32 $0x0, s20;
	[sflag:s22] =	ssyncset.done $0x0  }
0xa0: {  	[sflag:s22] =	ssyncadd.s32 s3;
	_ =	sdelay $0x1  }
0xa1: {  	s23 =	simm.s32 $0x1B8B  }
0xa2: {  	_ =	swait.ge [sflag:s23], $0x1  }
0xa3: {  	[sflag:s23] =	ssyncset.done $0x0  }
0xa4: {  	s25 =	simm.s32 $0x1B8E;
	s24 =	sld [smem:$0x3FFE];
	[sflag:s23] =	ssyncadd.s32 $0xFFFFFFFF  }
0xa5: {  	s26 =	simm.s32 $execute0_lowered;
	[smem:$0x3FD2] =	sst s25  }
0xa6: {  	s4 =	sshll.u32 s26, $0x1;
	_ =	strace $0x80000046;
	[dreg:$0x1] =	wrdreg $0xFFFFFFFF  }
0xa7: {  	s28 =	simm.s32 $_size_execute0_lowered;
	s2 =	sadd.s32 s2, s4;
	[dreg:$0x0] =	wrdreg $0x0  }
0xa8: {  	s4 =	sshll.u32 s28, $0x1;
	[dreg:$0x2] =	wrdreg s2  }
0xa9: {  	[dreg:$0x3] =	wrdreg s4  }
0xaa: {  	[dreg:$0x4] =	wrdreg $0xC0  }
0xab: {  	_ =	task [dreg:s6], $0x5FFFF  }
0xac: {  	[dreg:$0x1] =	wrdreg $0xFFFFFFFF  }
0xad: {  	[dreg:$0x0] =	wrdreg $0x60  }
0xae: {  	[dreg:$0x2] =	wrdreg s24  }
0xaf: {  	[dreg:$0x3] =	wrdreg $0x29000  }
0xb0: {  	[dreg:$0x4] =	wrdreg $0x9  }
0xb1: {  	_ =	task.clear_ibuf [dreg:s6], $0x5FFFF;
	_ =	strace $0x90000046  }
0xb2: {  	s29 =	simm.s32 $0x9;
	_ =	strace $0x80000048  }
0xb3: {  	_ =	swait.ge [sflag:s29], $0x1  }
0xb4: {  	[sflag:s29] =	ssyncadd.s32 $0xFFFFFFFF  }
0xb5: {  	_ =	strace $0x90000048  }
0xb6: {  	_ =	sfence  }
0xb7: {  	s30 =	sld [smem:$0x0];
	_ =	sdelay $0x2  }
0xb8: {  	s31 =	sshll.u32 s1, $0xD;
	s1 =	sshrl.u32 s1, $0x2  }
0xb9: {  	s3 =	sand.u32 $0x4000, s31;
	s1 =	sadd.s32 s1, s30  }
0xba: {  	s0 =	sor.u32 s3, s0;
	s1 =	sshll.u32 s1, $0x11  }
0xbb: {  	s0 =	sor.u32 s1, s0  }
0xbc: {  	s0 =	sadd.s32 $0x8F2B, s0  }
0xbd: {  	[sflag:s0] =	ssyncadd.remote.s32 $0x1  }
0xbe: {  	_ =	sfence.sel $0xFFFF  }
0xbf: {  	[dreg:$0x0] =	wrdreg $0xFFFFFFFF;
	(pc) =	sbr.abs _section_cstart, $3  }
0xc0: {  	[dreg:$0x1] =	wrdreg $0xFFFFFFFF  }
0xc1: {  	_ =	task.clear_ibuf [dreg:s6], $0x2FFFF;
	_ =	strace $0x9FFFFFFF  }
0xc2: {  	(tm) =	ssettm $0x7FFFFFFF  }
0xc3: {  	_ =	shalt  }
tec
execute0_lowered:
.L_overlay_start_1:
0x0: {  	(tag) =	ssettag $0x1  }
0x1: {  	s8 =	rddreg [dreg:$0x0]  }
0x2: {  	s2 =	rddreg [dreg:$0x1]  }
0x3: {  	s3 =	simm.s32 $0x0;
	s1 =	stileid.u32;
	s5 =	srdreg.scid  }
0x4: {  	s18 =	simm.s32 $0x5;
	s20 =	simm.s32 $0x100;
	s21 =	simm.s32 $0x1  }
0x5: {  	s22 =	simm.s32 $0x50;
	s23 =	simm.s32 $0x80;
	s28 =	simm.s32 $0x0  }
0x6: {  	[smem:$0x7FF] =	sst s3;
	s9 =	smul.u32 $0x13800, s1;
	s4 =	sadd.s32 $0xDC00, s8  }
0x7: {  	s7 =	sand.u32 $0x1, s5;
	s11 =	smul.u32 $0x4E000, s1;
	s5 =	sadd.s32 $0x3EC00, s8  }
0x8: {  	s12 =	sadd.s32 $0x3F200, s8;
	s26 =	sshll.u32 s1, $0x6;
	s29 =	smul.u32 $0x2710, s1  }
0x9: {  	s19 =	sadd.s32 $0x138000, s2;
	p0 =	sne.s32 s1, $0xF;
	s25 =	smul.u32 $0x27100, s7  }
0xa: {  	_ =	strace $0x80000047;
	s10 =	ssub.s32 $0x2, s7;
	s14 =	smul.u32 $0x138800, s7  }
0xb: {  	s7 =	sor.u32 $0x1C05, s26;
	s19 =	sshrl.u32 @!p0 s19, $0x3;
	s26 =	simm.s32 $0x4  }
0xc: {  	s6 =	sshrl.u32 s9, $0x3;
	s13 =	sshrl.u32 s10, $0x1;
	s24 =	sshrl.u32 s11, $0x2  }
0xd: {  	s6 =	sadd.s32 s6, s8;
	s13 =	ssub.s32 s10, s13;
	s17 =	sadd.s32 s24, s2  }
0xe: {  	s8 =	sadd.s32 $0x3EA00, s8;
	s9 =	sadd.s32 s9, s14;
	s16 =	sadd.s32 s29, s25  }
0xf: {  	s30 =	sshrl.u32 s14, $0x3;
	s24 =	simm.s32 $0x2;
	s25 =	simm.s32 $0x3  }
0x10: {  	s6 =	sadd.s32 $0x17A00, s6;
	s9 =	sshrl.u32 s9, $0x3;
	s10 =	sadd.s32 s12, s30  }
0x11: {  	s11 =	sshrl.u32 s16, $0x3;
	s31 =	sadd.s32 $0xF0, s16;
	s16 =	sadd.s32 $0xA0, s16  }
0x12: {  	s17 =	sshrl.u32 s17, $0x3;
	s9 =	sadd.s32 s12, s9;
	s10 =	sadd.s32 $0x27000, s10  }
0x13: {  	s11 =	sadd.s32 s4, s11;
	s12 =	smax.u32 s13, $0x1;
	s15 =	sshrl.u32 s31, $0x3  }
0x14: {  	s13 =	sadd.s32 $0xA, s11;
	s14 =	sadd.s32 $0x4D8, s11;
	s15 =	sadd.s32 s15, s4  }
.LBB2_1:
0x15: {  	[spmem:s17], [sflag:s7] =	dma.local [hbm:s6], $0x2700  }
0x16: {  	_ =	swait.ge [sflag:s18], $0x2700  }
0x17: {  	[sflag:s18] =	ssyncset.done $0x0  }
0x18: {  	s29 =	simm.s32 @!p0 $0x5;
	[sflag:s18] =	ssyncadd.s32 $0xFFFFD900  }
0x19: {  	[spmem:s19], [sflag:s7] =	dma.local @!p0 [hbm:s8], $0x100  }
0x1a: {  	_ =	swait.ge @!p0 [sflag:s29], $0x100  }
0x1b: {  	[sflag:s29] =	ssyncset.done @!p0 $0x0  }
0x1c: {  	[sflag:s29] =	ssyncadd.s32 @!p0 $0xFFFFFF00  }
0x1d: {  	[tilespmem:s20], [sflag:$0x5] =	stream.linear.gather [hbm4b:s5+s3], $0x2800, $0x38;
	[tilespmem:$0x16180] =	vst v63  }
0x1e: {  	_ =	swait.ge [sflag:s18], $0x2800  }
0x1f: {  	[sflag:s18] =	ssyncset.done $0x0  }
0x20: {  	[sflag:s18] =	ssyncadd.s32 $0xFFFFD800  }
0x21: {  	[bflag:$0x0] =	sbarrier.arrive $0xFFFF  }
0x22: {  	[tilespmem:s3], [sflag:$0x1] =	stream.linear.gather [hbm4b:s11+s3], $0x50, $0x38;
	[tilespmem:$0x16180] =	vst v63  }
0x23: {  	_ =	swait.ge [sflag:s21], $0x50  }
0x24: {  	[sflag:s21] =	ssyncset.done $0x0  }
0x25: {  	[sflag:s21] =	ssyncadd.s32 $0xFFFFFFB0  }
0x26: {  	[spmem:s2] =	stream.indirect.scatter.add.f32 [tilespmem:s20], [sflag:$0x3], $0x80, s3, s22, $0xb8;
	[tilespmem:$0x16180] =	vst v63  }
0x27: {  	_ = 	snop  }
0x28: {  	[tilespmem:s23], [sflag:$0x2] =	stream.linear.gather [hbm4b:s13+s3], $0x50, $0x38;
	[tilespmem:$0x16180] =	vst v63  }
0x29: {  	_ =	swait.ge [sflag:s24], $0x50  }
0x2a: {  	[sflag:s24] =	ssyncset.done $0x0  }
0x2b: {  	[sflag:s24] =	ssyncadd.s32 $0xFFFFFFB0  }
0x2c: {  	[spmem:s2] =	stream.indirect.scatter.add.f32 [tilespmem:s20], [sflag:$0x4], $0x80, s23, s22, $0xb8;
	[tilespmem:$0x16180] =	vst v63  }
0x2d: {  	_ =	swait.ge [sflag:s25], $0x2800  }
0x2e: {  	s29 =	sshrl.u32 s16, $0x3;
	[sflag:s25] =	ssyncset.done $0x0  }
0x2f: {  	s29 =	sadd.s32 s4, s29;
	[sflag:s25] =	ssyncadd.s32 $0xFFFFD800  }
0x30: {  	[tilespmem:s3], [sflag:$0x1] =	stream.linear.gather [hbm4b:s29+s3], $0x50, $0x38;
	[tilespmem:$0x16180] =	vst v63  }
0x31: {  	_ =	swait.ge [sflag:s21], $0x50  }
0x32: {  	[sflag:s21] =	ssyncset.done $0x0  }
0x33: {  	[sflag:s21] =	ssyncadd.s32 $0xFFFFFFB0  }
0x34: {  	[spmem:s2] =	stream.indirect.scatter.add.f32 [tilespmem:s20], [sflag:$0x3], $0x80, s3, s22, $0xb8;
	[tilespmem:$0x16180] =	vst v63  }
0x35: {  	_ =	swait.ge [sflag:s26], $0x2800  }
0x36: {  	s31 =	sadd.s32 $0x0, s15;
	[sflag:s26] =	ssyncset.done $0x0  }
0x37: {  	s30 =	sadd.s32 $0xA0, s16;
	s29 =	simm.s32 $0x14;
	[sflag:s26] =	ssyncadd.s32 $0xFFFFD800  }
.LBB2_2:
0x38: {  	[tilespmem:s23], [sflag:$0x2] =	stream.linear.gather [hbm4b:s31+s3], $0x50, $0x38;
	[tilespmem:$0x16180] =	vst v63  }
0x39: {  	s31 =	smov.u32 s29  }
0x3a: {  	p1 =	sne.s32 s29, $0x4B0;
	s29 =	sadd.s32 $0x14, s29;
	_ =	swait.ge [sflag:s24], $0x50  }
0x3b: {  	[sflag:s24] =	ssyncset.done $0x0  }
0x3c: {  	[sflag:s24] =	ssyncadd.s32 $0xFFFFFFB0  }
0x3d: {  	[spmem:s2] =	stream.indirect.scatter.add.f32 [tilespmem:s20], [sflag:$0x4], $0x80, s23, s22, $0xb8;
	[tilespmem:$0x16180] =	vst v63  }
0x3e: {  	_ =	swait.ge [sflag:s25], $0x2800  }
0x3f: {  	s0 =	sshrl.u32 s30, $0x3;
	[sflag:s25] =	ssyncset.done $0x0  }
0x40: {  	s0 =	sadd.s32 s4, s0;
	[sflag:s25] =	ssyncadd.s32 $0xFFFFD800  }
0x41: {  	[tilespmem:s3], [sflag:$0x1] =	stream.linear.gather [hbm4b:s0+s3], $0x50, $0x38;
	[tilespmem:$0x16180] =	vst v63  }
0x42: {  	_ =	swait.ge [sflag:s21], $0x50  }
0x43: {  	[sflag:s21] =	ssyncset.done $0x0  }
.Ltmp0:
0x44: {  	[sflag:s21] =	ssyncadd.s32 $0xFFFFFFB0;
	(pc) =	sbr.rel @p1 .LBB2_2-.Ltmp0, $4  }
0x45: {  	[spmem:s2] =	stream.indirect.scatter.add.f32 [tilespmem:s20], [sflag:$0x3], $0x80, s3, s22, $0xb8;
	[tilespmem:$0x16180] =	vst v63  }
0x46: {  	_ =	swait.ge [sflag:s26], $0x2800  }
0x47: {  	[sflag:s26] =	ssyncset.done $0x0  }
0x48: {  	s30 =	sadd.s32 $0xA0, s30;
	s31 =	sadd.s32 s31, s15;
	[sflag:s26] =	ssyncadd.s32 $0xFFFFD800  }
0x49: {  	[tilespmem:s23], [sflag:$0x2] =	stream.linear.gather [hbm4b:s31+s3], $0x50, $0x38;
	[tilespmem:$0x16180] =	vst v63  }
0x4a: {  	_ =	swait.ge [sflag:s24], $0x50  }
0x4b: {  	[sflag:s24] =	ssyncset.done $0x0  }
0x4c: {  	[sflag:s24] =	ssyncadd.s32 $0xFFFFFFB0  }
0x4d: {  	[spmem:s2] =	stream.indirect.scatter.add.f32 [tilespmem:s20], [sflag:$0x4], $0x80, s23, s22, $0xb8;
	[tilespmem:$0x16180] =	vst v63  }
0x4e: {  	_ =	swait.ge [sflag:s25], $0x2800  }
0x4f: {  	[sflag:s25] =	ssyncset.done $0x0  }
0x50: {  	[sflag:s25] =	ssyncadd.s32 $0xFFFFD800  }
0x51: {  	[tilespmem:s3], [sflag:$0x1] =	stream.linear.gather [hbm4b:s14+s3], $0x50, $0x38;
	[tilespmem:$0x16180] =	vst v63  }
0x52: {  	_ =	swait.ge [sflag:s21], $0x50  }
0x53: {  	[sflag:s21] =	ssyncset.done $0x0  }
0x54: {  	[sflag:s21] =	ssyncadd.s32 $0xFFFFFFB0  }
0x55: {  	[spmem:s2] =	stream.indirect.scatter.add.f32 [tilespmem:s20], [sflag:$0x3], $0x80, s3, s22, $0xb8;
	[tilespmem:$0x16180] =	vst v63  }
0x56: {  	_ =	swait.ge [sflag:s26], $0x2800  }
0x57: {  	[sflag:s26] =	ssyncset.done $0x0  }
0x58: {  	[sflag:s26] =	ssyncadd.s32 $0xFFFFD800  }
0x59: {  	_ =	swait.ge [sflag:s25], $0x2800  }
0x5a: {  	[sflag:s25] =	ssyncset.done $0x0  }
0x5b: {  	[sflag:s25] =	ssyncadd.s32 $0xFFFFD800  }
0x5c: {  	[bflag:$0x0] =	sbarrier.arrive $0xFFFF  }
0x5d: {  	[hbm:s9], [sflag:s7] =	dma.local [spmem:s17], $0x2700  }
0x5e: {  	s28 =	sadd.s32 $0x1, s28;
	_ =	swait.ge [sflag:s18], $0x2700  }
0x5f: {  	p1 =	sne.s32 s28, s12;
	[sflag:s18] =	ssyncset.done $0x0  }
.Ltmp1:
0x60: {  	s0 =	simm.s32 @!p0 $0x5;
	[sflag:s18] =	ssyncadd.s32 $0xFFFFD900;
	(pc) =	sbr.rel @p1 .LBB2_1-.Ltmp1, $4  }
0x61: {  	[hbm:s10], [sflag:s7] =	dma.local @!p0 [spmem:s19], $0x100  }
0x62: {  	_ =	swait.ge @!p0 [sflag:s0], $0x100  }
0x63: {  	[sflag:s0] =	ssyncset.done @!p0 $0x0  }
0x64: {  	[sflag:s0] =	ssyncadd.s32 @!p0 $0xFFFFFF00  }
0x65: {  	_ =	sfence.sel $0x180000  }
0x66: {  	[bflag:$0x0] =	sbarrier.arrive $0xFFFF  }
0x67: {  	_ =	strace $0x90000047  }
0x68: {  	[bflag:$0x2] =	sbarrier.arrive $0xFFFF  }
0x69: {  	p0 =	sne.s32 s1, $0x0;
	s0 =	rddreg [dreg:$0x2]  }
0x6a: {  	s0 =	sadd.s32 @!p0 $0x100000, s0  }
0x6b: {  	[sflag:s0] =	ssyncadd.tile.s32 @!p0 $0x1;
	_ =	shalt  }
.Lfunc_end2:
_tile_overlayer_lowered:
.L_overlay_start_2:
0x6c: {  	(tag) =	ssettag $0x2  }
0x6d: {  	s0 =	rddreg [dreg:$0x0];
	s2 =	stileid.u32  }
0x6e: {  	s1 =	rddreg [dreg:$0x1];
	p0 =	sne.s32 s2, $0x0  }
0x6f: {  	s3 =	rddreg [dreg:$0x2];
	[bflag:$0x3] =	sbarrier.arrive $0xFFFF;
	s2 =	simm.s32 @!p0 $0x1C05  }
0x70: {  	[timem:s3], [sflag:s2] =	dma.local @!p0 [hbm:s0], s1  }
0x71: {  	s0 =	simm.s32 @!p0 $0x5  }
0x72: {  	_ =	swait.ge @!p0 [sflag:s0], s1  }
0x73: {  	s1 =	ssub.s32 @!p0 $0x0, s1;
	[sflag:s0] =	ssyncset.done @!p0 $0x0  }
0x74: {  	[sflag:s0] =	ssyncadd.s32 @!p0 s1  }
0x75: {  	[bflag:$0x3] =	sbarrier.arrive $0xFFFF  }
0x76: {  	_ =	shalt  }

</sc_bundles>
